<compile_context>
chip_gen: v7x
topology: tpu7x:2x2x1
jax: 0.10.2.dev20260603
libtpu: 0.0.44.dev20260713+nightly
codegen_flags: <defaults>
</compile_context>

<pallas_src>
import functools

import jax
import jax.numpy as jnp
from jax import lax
from jax.experimental import pallas as pl
from jax.experimental.pallas import tpu as pltpu
from jax.experimental.pallas import tpu_sc as plsc

NNODES = 10000
HDIM = 128
NGRP = 16
EDGES = 320000

NC = 2
NS = 16
CH = 128
NPAD = 10240
NCH = 80
EPW = NCH * CH
EPAD = NC * NS * EPW
WB = NPAD // NS

MB = 1024
RB = 1000
NB = NNODES // RB

@functools.cache
def _get_sc_agg():
    mesh = plsc.VectorSubcoreMesh(core_axis_name="c", subcore_axis_name="s")

    @functools.partial(
        pl.kernel,
        mesh=mesh,
        out_type=jax.ShapeDtypeStruct((NC, NPAD, HDIM), jnp.float32),
        scratch_types=[
            pltpu.VMEM((NCH // 2, CH), jnp.int32),
            pltpu.VMEM((NCH // 2, CH), jnp.int32),
            pltpu.VMEM((CH, HDIM), jnp.float32),
            pltpu.VMEM((CH, HDIM), jnp.float32),
            pltpu.VMEM_SHARED((NPAD, HDIM), jnp.float32),
            pltpu.SemaphoreType.DMA,
            pltpu.SemaphoreType.DMA,
        ],
    )
    def _sc_agg(x_hbm, srcw_hbm, dstw_hbm, zero_hbm, out_hbm,
                src_all, dst_all, rows_a, rows_b, acc_sh, sem_a, sem_b):
        c = lax.axis_index("c")
        s = lax.axis_index("s")
        w = c * NS + s

        pltpu.sync_copy(zero_hbm.at[pl.ds(s * WB, WB), :],
                        acc_sh.at[pl.ds(s * WB, WB), :])

        plsc.subcore_barrier()

        nchp = NCH // 2
        for ph in range(2):
            pltpu.sync_copy(srcw_hbm.at[w, pl.ds(ph * nchp, nchp)], src_all)
            pltpu.sync_copy(dstw_hbm.at[w, pl.ds(ph * nchp, nchp)], dst_all)
            pltpu.async_copy(x_hbm.at[src_all.at[0]], rows_a, sem_a)

            @pl.loop(0, nchp // 2)
            def _(j):
                k0 = 2 * j
                pltpu.async_copy(x_hbm.at[src_all.at[k0 + 1]], rows_b, sem_b)
                pltpu.make_async_copy(x_hbm.at[src_all.at[k0]],
                                      rows_a, sem_a).wait()
                pltpu.sync_copy(rows_a, acc_sh.at[dst_all.at[k0]], add=True)

                @pl.when(j < nchp // 2 - 1)
                def _():
                    pltpu.async_copy(x_hbm.at[src_all.at[k0 + 2]],
                                     rows_a, sem_a)

                pltpu.make_async_copy(x_hbm.at[src_all.at[k0 + 1]],
                                      rows_b, sem_b).wait()
                pltpu.sync_copy(rows_b, acc_sh.at[dst_all.at[k0 + 1]],
                                add=True)

        plsc.subcore_barrier()
        pltpu.sync_copy(acc_sh.at[pl.ds(s * WB, WB), :],
                        out_hbm.at[c, pl.ds(s * WB, WB), :])

    return _sc_agg


def _dot(a, b):
    return lax.dot_general(a, b, (((1,), (0,)), ((), ())),
                           precision=lax.Precision.HIGHEST,
                           preferred_element_type=jnp.float32)


def _mlp_body(x_ref, a0_ref, a1_ref, w1_ref, b1_ref, w2_ref, b2_ref, o_ref):
    h = x_ref[...] + a0_ref[0] + a1_ref[0]
    z = jnp.maximum(_dot(h, w1_ref[...]) + b1_ref[...], 0.0)
    o_ref[...] = jnp.maximum(_dot(z, w2_ref[...]) + b2_ref[...], 0.0)


def _mlp(x, agg, w1, b1, w2, b2):
    return pl.pallas_call(
        _mlp_body,
        grid=(NPAD // MB,),
        in_specs=[
            pl.BlockSpec((MB, HDIM), lambda i: (i, 0)),
            pl.BlockSpec((1, MB, HDIM), lambda i: (0, i, 0)),
            pl.BlockSpec((1, MB, HDIM), lambda i: (1, i, 0)),
            pl.BlockSpec((HDIM, HDIM), lambda i: (0, 0)),
            pl.BlockSpec((1, HDIM), lambda i: (0, 0)),
            pl.BlockSpec((HDIM, HDIM), lambda i: (0, 0)),
            pl.BlockSpec((1, HDIM), lambda i: (0, 0)),
        ],
        out_specs=pl.BlockSpec((MB, HDIM), lambda i: (i, 0)),
        out_shape=jax.ShapeDtypeStruct((NPAD, HDIM), jnp.float32),
    )(x, agg, agg, w1, b1.reshape(1, HDIM), w2, b2.reshape(1, HDIM))


def _mlp_pool_body(x_ref, a0_ref, a1_ref, w1_ref, b1_ref, w2_ref, b2_ref,
                   b_ref, gw1_ref, gb1_ref, gw2_ref, gb2_ref,
                   pw_ref, pb_ref, o_ref, m_scr, d_scr, s_scr):
    i = pl.program_id(0)

    @pl.when(i == 0)
    def _():
        m_scr[...] = jnp.full((NGRP, 1), -3e38, jnp.float32)
        d_scr[...] = jnp.zeros((NGRP, 1), jnp.float32)
        s_scr[...] = jnp.zeros((NGRP, HDIM), jnp.float32)

    h = x_ref[...] + a0_ref[0] + a1_ref[0]
    z = jnp.maximum(_dot(h, w1_ref[...]) + b1_ref[...], 0.0)
    x3 = jnp.maximum(_dot(z, w2_ref[...]) + b2_ref[...], 0.0)

    zg = jnp.maximum(_dot(x3, gw1_ref[...]) + gb1_ref[...], 0.0)
    gate = _dot(zg, gw2_ref[...]) + gb2_ref[...]
    onehot = (b_ref[...] == lax.broadcasted_iota(
        jnp.int32, (RB, NGRP), 1)).astype(jnp.float32)

    masked = jnp.where(onehot > 0.0, gate, -3e38)
    m_new = jnp.maximum(m_scr[...], jnp.max(masked, axis=0)[:, None])
    alpha = jnp.exp(m_scr[...] - m_new)
    m_rows = _dot(onehot, m_new)
    e = jnp.exp(gate - m_rows)
    d_scr[...] = d_scr[...] * alpha + lax.dot_general(
        onehot, e, (((0,), (0,)), ((), ())),
        precision=lax.Precision.HIGHEST,
        preferred_element_type=jnp.float32)
    s_scr[...] = s_scr[...] * alpha + lax.dot_general(
        onehot, e * x3, (((0,), (0,)), ((), ())),
        precision=lax.Precision.HIGHEST,
        preferred_element_type=jnp.float32)
    m_scr[...] = m_new

    @pl.when(i == NB - 1)
    def _():
        pooled = s_scr[...] / (d_scr[...] + 1e-16)
        o_ref[...] = _dot(pooled, pw_ref[...]) + pb_ref[...]


def _mlp_pool(x, agg, w1, b1, w2, b2, batch2, gw1, gb1, gw2, gb2, pw, pb):
    return pl.pallas_call(
        _mlp_pool_body,
        grid=(NB,),
        in_specs=[
            pl.BlockSpec((RB, HDIM), lambda i: (i, 0)),
            pl.BlockSpec((1, RB, HDIM), lambda i: (0, i, 0)),
            pl.BlockSpec((1, RB, HDIM), lambda i: (1, i, 0)),
            pl.BlockSpec((HDIM, HDIM), lambda i: (0, 0)),
            pl.BlockSpec((1, HDIM), lambda i: (0, 0)),
            pl.BlockSpec((HDIM, HDIM), lambda i: (0, 0)),
            pl.BlockSpec((1, HDIM), lambda i: (0, 0)),
            pl.BlockSpec((RB, 1), lambda i: (i, 0)),
            pl.BlockSpec((HDIM, HDIM), lambda i: (0, 0)),
            pl.BlockSpec((1, HDIM), lambda i: (0, 0)),
            pl.BlockSpec((HDIM, 1), lambda i: (0, 0)),
            pl.BlockSpec((1, 1), lambda i: (0, 0)),
            pl.BlockSpec((HDIM, pw.shape[1]), lambda i: (0, 0)),
            pl.BlockSpec((1, pw.shape[1]), lambda i: (0, 0)),
        ],
        out_specs=pl.BlockSpec((NGRP, pw.shape[1]), lambda i: (0, 0)),
        out_shape=jax.ShapeDtypeStruct((NGRP, pw.shape[1]), jnp.float32),
        scratch_shapes=[
            pltpu.VMEM((NGRP, 1), jnp.float32),
            pltpu.VMEM((NGRP, 1), jnp.float32),
            pltpu.VMEM((NGRP, HDIM), jnp.float32),
        ],
    )(x, agg, agg, w1, b1.reshape(1, HDIM), w2, b2.reshape(1, HDIM),
      batch2, gw1, gb1.reshape(1, HDIM), gw2, gb2.reshape(1, 1),
      pw, pb.reshape(1, pw.shape[1]))


def kernel(x, edge_index, batch,
           c0_W1, c0_b1, c0_W2, c0_b2,
           c1_W1, c1_b1, c1_W2, c1_b2,
           c2_W1, c2_b1, c2_W2, c2_b2,
           g_W1, g_b1, g_W2, g_b2, p_W, p_b):
    src = edge_index[0]
    dst = edge_index[1]
    npad_e = EPAD - EDGES
    fill = jnp.arange(npad_e, dtype=jnp.int32)
    src_p = jnp.concatenate([src, fill % NNODES])
    dst_p = jnp.concatenate([dst, NNODES + (fill % (NPAD - NNODES))])
    srcw = src_p.reshape(NC * NS, NCH, CH)
    dstw = dst_p.reshape(NC * NS, NCH, CH)
    zeros = jnp.zeros((NPAD, HDIM), jnp.float32)

    xp = jnp.pad(x, ((0, NPAD - NNODES), (0, 0)))
    for w1, b1, w2, b2 in ((c0_W1, c0_b1, c0_W2, c0_b2),
                           (c1_W1, c1_b1, c1_W2, c1_b2)):
        agg = _get_sc_agg()(xp, srcw, dstw, zeros)
        xp = _mlp(xp, agg, w1, b1, w2, b2)

    agg = _get_sc_agg()(xp, srcw, dstw, zeros)
    return _mlp_pool(xp, agg, c2_W1, c2_b1, c2_W2, c2_b2, batch[:, None],
                     g_W1, g_b1, g_W2, g_b2, p_W, p_b)

# --- scband reference (transcript-rebuilt; emitter-appended) ---
"""Pipeline reference for scband-gnngraph-encoder-19808389169449 (READ-ONLY COPY).

The authoritative reference and input builder live on the scoring server;
editing this copy changes nothing except your own understanding.
"""

import jax, jax.numpy as jnp
import numpy as np

N = 10000
E = 320000
IN = 128
H = 128
EMB = 500
G = 16

def _dense(k, fi, fo):
    k1, k2 = jax.random.split(k)
    s = 1.0 / np.sqrt(fi)
    W = jax.random.uniform(k1, (fi, fo), minval=-s, maxval=s, dtype=jnp.float32)
    b = jax.random.uniform(k2, (fo,), minval=-s, maxval=s, dtype=jnp.float32)
    return W, b

def setup_inputs(seed: int = 0):
    key = jax.random.key(seed)
    ks = jax.random.split(key, 12)
    inp = {}
    inp["x"] = jax.random.normal(ks[0], (N, IN), dtype=jnp.float32)
    inp["edge_index"] = jax.random.randint(ks[1], (2, E), 0, N, dtype=jnp.int32)
    inp["batch"] = jnp.sort(jax.random.randint(ks[2], (N,), 0, G, dtype=jnp.int32))
    inp["c0_W1"], inp["c0_b1"] = _dense(ks[3], IN, H)
    inp["c0_W2"], inp["c0_b2"] = _dense(ks[4], H, H)
    inp["c1_W1"], inp["c1_b1"] = _dense(ks[5], H, H)
    inp["c1_W2"], inp["c1_b2"] = _dense(ks[6], H, H)
    inp["c2_W1"], inp["c2_b1"] = _dense(ks[7], H, H)
    inp["c2_W2"], inp["c2_b2"] = _dense(ks[8], H, H)
    inp["g_W1"], inp["g_b1"] = _dense(ks[9], H, H)
    inp["g_W2"], inp["g_b2"] = _dense(ks[10], H, 1)
    inp["p_W"], inp["p_b"] = _dense(ks[11], H, EMB)
    return inp

def _gin(x, src, dst, W1, b1, W2, b2):
    # GINConv with eps=0: h = MLP(x + sum_{j in N(i)} x_j)
    agg = jnp.zeros_like(x).at[dst].add(x[src])
    h = x + agg
    h = jnp.maximum(h @ W1 + b1, 0.0) @ W2 + b2
    return h

def _forward(x, src, dst, batch,
             c0_W1, c0_b1, c0_W2, c0_b2,
             c1_W1, c1_b1, c1_W2, c1_b2,
             c2_W1, c2_b1, c2_W2, c2_b2,
             g_W1, g_b1, g_W2, g_b2, p_W, p_b):
    x = jnp.maximum(_gin(x, src, dst, c0_W1, c0_b1, c0_W2, c0_b2), 0.0)
    x = jnp.maximum(_gin(x, src, dst, c1_W1, c1_b1, c1_W2, c1_b2), 0.0)
    x = jnp.maximum(_gin(x, src, dst, c2_W1, c2_b1, c2_W2, c2_b2), 0.0)
    # dropout is identity in eval mode
    gate = (jnp.maximum(x @ g_W1 + g_b1, 0.0) @ g_W2 + g_b2)[:, 0]
    m = jax.ops.segment_max(gate, batch, num_segments=G)
    e = jnp.exp(gate - m[batch])
    d = jax.ops.segment_sum(e, batch, num_segments=G)
    alpha = e / (d[batch] + 1e-16)
    pooled = jax.ops.segment_sum(alpha[:, None] * x, batch, num_segments=G)
    return pooled @ p_W + p_b

def reference(x, edge_index, batch,
              c0_W1, c0_b1, c0_W2, c0_b2,
              c1_W1, c1_b1, c1_W2, c1_b2,
              c2_W1, c2_b1, c2_W2, c2_b2,
              g_W1, g_b1, g_W2, g_b2, p_W, p_b):
    src = edge_index[0]
    dst = edge_index[1]
    return _forward(x, src, dst, batch,
                    c0_W1, c0_b1, c0_W2, c0_b2,
                    c1_W1, c1_b1, c1_W2, c1_b2,
                    c2_W1, c2_b1, c2_W2, c2_b2,
                    g_W1, g_b1, g_W2, g_b2, p_W, p_b)

if __name__ == "__main__":
    import jax
    _d = setup_inputs()
    print(jax.jit(kernel)(*tuple(_d.values())))

</pallas_src>

<mosaic_0001>
#map = affine_map<(d0, d1) -> (0, 0)>
#map1 = affine_map<(d0, d1) -> (0, 0, 0)>
module attributes {stable_mosaic.version = 14 : i64} {
  func.func @_sc_agg(%arg0: i32, %arg1: i32, %arg2: memref<10240x128xf32, #tpu.memory_space<hbm>>, %arg3: memref<32x80x128xi32, #tpu.memory_space<hbm>>, %arg4: memref<32x80x128xi32, #tpu.memory_space<hbm>>, %arg5: memref<10240x128xf32, #tpu.memory_space<hbm>>, %arg6: memref<2x10240x128xf32, #tpu.memory_space<hbm>>, %arg7: memref<40x128xi32, #tpu.memory_space<vmem>>, %arg8: memref<40x128xi32, #tpu.memory_space<vmem>>, %arg9: memref<128x128xf32, #tpu.memory_space<vmem>>, %arg10: memref<128x128xf32, #tpu.memory_space<vmem>>, %arg11: memref<10240x128xf32, #tpu.memory_space<vmem_shared>>, %arg12: memref<!tpu.dma_semaphore, #tpu.memory_space<semaphore_mem>>, %arg13: memref<!tpu.dma_semaphore, #tpu.memory_space<semaphore_mem>>) attributes {dimension_semantics = [#tpu.dimension_semantics<core_parallel>, #tpu.dimension_semantics<subcore_parallel>], iteration_bounds = array<i64: 2, 16>, scalar_prefetch = 0 : i64, scratch_operands = 7 : i64, tpu.core_type = #tpu.core_type<sc_vector_subcore>, window_params = [{transform_indices = #map}, {transform_indices = #map1}, {transform_indices = #map1}, {transform_indices = #map}, {transform_indices = #map1}]} {
    %mul3A = arith.constant 16 : i32
    %mul3A_0 = arith.muli %arg0, %mul3A : i32
    %add3A = arith.addi %mul3A_0, %arg1 : i32
    %mul3A_1 = arith.constant 640 : i32
    %mul3A_2 = arith.muli %arg1, %mul3A_1 : i32
    %mul3A_3 = arith.constant 640 : i32
    %mul3A_4 = arith.muli %arg1, %mul3A_3 : i32
    "tpu.region"() ({
      %run_scoped3A = tpu.sem_alloc : memref<!tpu.dma_semaphore, #tpu.memory_space<semaphore_mem>>
      %dma_start3A_32 = arith.constant 0 : i32
      %dma_start3A_33 = tpu.memref_slice %arg11[%mul3A_4, %dma_start3A_32] : memref<10240x128xf32, #tpu.memory_space<vmem_shared>> -> memref<640x128xf32, #tpu.memory_space<vmem_shared>>
      %dma_start3A_34 = arith.constant 0 : i32
      %dma_start3A_35 = tpu.memref_slice %arg5[%mul3A_2, %dma_start3A_34] : memref<10240x128xf32, #tpu.memory_space<hbm>> -> memref<640x128xf32, #tpu.memory_space<hbm>>
      tpu.enqueue_dma source(%dma_start3A_35 : memref<640x128xf32, #tpu.memory_space<hbm>>) target(%dma_start3A_33 : memref<640x128xf32, #tpu.memory_space<vmem_shared>>) target_semaphore(%run_scoped3A : memref<!tpu.dma_semaphore, #tpu.memory_space<semaphore_mem>>)
      %dma_wait3A = arith.constant 0 : i32
      %dma_wait3A_36 = tpu.memref_slice %arg11[%mul3A_4, %dma_wait3A] : memref<10240x128xf32, #tpu.memory_space<vmem_shared>> -> memref<640x128xf32, #tpu.memory_space<vmem_shared>>
      %dma_wait3A_37 = arith.constant 0 : i32
      %dma_wait3A_38 = tpu.memref_slice %arg5[%mul3A_2, %dma_wait3A_37] : memref<10240x128xf32, #tpu.memory_space<hbm>> -> memref<640x128xf32, #tpu.memory_space<hbm>>
      tpu.wait_dma2 semaphore(%run_scoped3A : memref<!tpu.dma_semaphore, #tpu.memory_space<semaphore_mem>>) src(%dma_wait3A_38 : memref<640x128xf32, #tpu.memory_space<hbm>>) dst(%dma_wait3A_36 : memref<640x128xf32, #tpu.memory_space<vmem_shared>>)
      tpu.yield
    }) : () -> ()
    %barrier3A = arith.constant 0 : index
    tpu.barrier barrier_id(%barrier3A)
    "tpu.region"() ({
      %run_scoped3A = tpu.sem_alloc : memref<!tpu.dma_semaphore, #tpu.memory_space<semaphore_mem>>
      %dma_start3A_32 = arith.constant 0 : i32
      %dma_start3A_33 = arith.constant 0 : i32
      %dma_start3A_34 = tpu.memref_slice %arg3[%add3A, %dma_start3A_32, %dma_start3A_33] : memref<32x80x128xi32, #tpu.memory_space<hbm>> -> memref<1x40x128xi32, #tpu.memory_space<hbm>>
      %dma_start3A_35 = tpu.memref_squeeze %dma_start3A_34 : memref<1x40x128xi32, #tpu.memory_space<hbm>> -> memref<40x128xi32, #tpu.memory_space<hbm>>
      %dma_start3A_36 = arith.constant 0 : i32
      %dma_start3A_37 = arith.constant 0 : i32
      %dma_start3A_38 = tpu.memref_slice %arg3[%add3A, %dma_start3A_36, %dma_start3A_37] : memref<32x80x128xi32, #tpu.memory_space<hbm>> -> memref<1x40x128xi32, #tpu.memory_space<hbm>>
      %dma_start3A_39 = tpu.memref_squeeze %dma_start3A_38 : memref<1x40x128xi32, #tpu.memory_space<hbm>> -> memref<40x128xi32, #tpu.memory_space<hbm>>
      tpu.enqueue_dma source(%dma_start3A_39 : memref<40x128xi32, #tpu.memory_space<hbm>>) target(%arg7 : memref<40x128xi32, #tpu.memory_space<vmem>>) target_semaphore(%run_scoped3A : memref<!tpu.dma_semaphore, #tpu.memory_space<semaphore_mem>>)
      %dma_wait3A = arith.constant 0 : i32
      %dma_wait3A_40 = arith.constant 0 : i32
      %dma_wait3A_41 = tpu.memref_slice %arg3[%add3A, %dma_wait3A, %dma_wait3A_40] : memref<32x80x128xi32, #tpu.memory_space<hbm>> -> memref<1x40x128xi32, #tpu.memory_space<hbm>>
      %dma_wait3A_42 = tpu.memref_squeeze %dma_wait3A_41 : memref<1x40x128xi32, #tpu.memory_space<hbm>> -> memref<40x128xi32, #tpu.memory_space<hbm>>
      %dma_wait3A_43 = arith.constant 0 : i32
      %dma_wait3A_44 = arith.constant 0 : i32
      %dma_wait3A_45 = tpu.memref_slice %arg3[%add3A, %dma_wait3A_43, %dma_wait3A_44] : memref<32x80x128xi32, #tpu.memory_space<hbm>> -> memref<1x40x128xi32, #tpu.memory_space<hbm>>
      %dma_wait3A_46 = tpu.memref_squeeze %dma_wait3A_45 : memref<1x40x128xi32, #tpu.memory_space<hbm>> -> memref<40x128xi32, #tpu.memory_space<hbm>>
      tpu.wait_dma2 semaphore(%run_scoped3A : memref<!tpu.dma_semaphore, #tpu.memory_space<semaphore_mem>>) src(%dma_wait3A_46 : memref<40x128xi32, #tpu.memory_space<hbm>>) dst(%arg7 : memref<40x128xi32, #tpu.memory_space<vmem>>)
      tpu.yield
    }) : () -> ()
    "tpu.region"() ({
      %run_scoped3A = tpu.sem_alloc : memref<!tpu.dma_semaphore, #tpu.memory_space<semaphore_mem>>
      %dma_start3A_32 = arith.constant 0 : i32
      %dma_start3A_33 = arith.constant 0 : i32
      %dma_start3A_34 = tpu.memref_slice %arg4[%add3A, %dma_start3A_32, %dma_start3A_33] : memref<32x80x128xi32, #tpu.memory_space<hbm>> -> memref<1x40x128xi32, #tpu.memory_space<hbm>>
      %dma_start3A_35 = tpu.memref_squeeze %dma_start3A_34 : memref<1x40x128xi32, #tpu.memory_space<hbm>> -> memref<40x128xi32, #tpu.memory_space<hbm>>
      %dma_start3A_36 = arith.constant 0 : i32
      %dma_start3A_37 = arith.constant 0 : i32
      %dma_start3A_38 = tpu.memref_slice %arg4[%add3A, %dma_start3A_36, %dma_start3A_37] : memref<32x80x128xi32, #tpu.memory_space<hbm>> -> memref<1x40x128xi32, #tpu.memory_space<hbm>>
      %dma_start3A_39 = tpu.memref_squeeze %dma_start3A_38 : memref<1x40x128xi32, #tpu.memory_space<hbm>> -> memref<40x128xi32, #tpu.memory_space<hbm>>
      tpu.enqueue_dma source(%dma_start3A_39 : memref<40x128xi32, #tpu.memory_space<hbm>>) target(%arg8 : memref<40x128xi32, #tpu.memory_space<vmem>>) target_semaphore(%run_scoped3A : memref<!tpu.dma_semaphore, #tpu.memory_space<semaphore_mem>>)
      %dma_wait3A = arith.constant 0 : i32
      %dma_wait3A_40 = arith.constant 0 : i32
      %dma_wait3A_41 = tpu.memref_slice %arg4[%add3A, %dma_wait3A, %dma_wait3A_40] : memref<32x80x128xi32, #tpu.memory_space<hbm>> -> memref<1x40x128xi32, #tpu.memory_space<hbm>>
      %dma_wait3A_42 = tpu.memref_squeeze %dma_wait3A_41 : memref<1x40x128xi32, #tpu.memory_space<hbm>> -> memref<40x128xi32, #tpu.memory_space<hbm>>
      %dma_wait3A_43 = arith.constant 0 : i32
      %dma_wait3A_44 = arith.constant 0 : i32
      %dma_wait3A_45 = tpu.memref_slice %arg4[%add3A, %dma_wait3A_43, %dma_wait3A_44] : memref<32x80x128xi32, #tpu.memory_space<hbm>> -> memref<1x40x128xi32, #tpu.memory_space<hbm>>
      %dma_wait3A_46 = tpu.memref_squeeze %dma_wait3A_45 : memref<1x40x128xi32, #tpu.memory_space<hbm>> -> memref<40x128xi32, #tpu.memory_space<hbm>>
      tpu.wait_dma2 semaphore(%run_scoped3A : memref<!tpu.dma_semaphore, #tpu.memory_space<semaphore_mem>>) src(%dma_wait3A_46 : memref<40x128xi32, #tpu.memory_space<hbm>>) dst(%arg8 : memref<40x128xi32, #tpu.memory_space<vmem>>)
      tpu.yield
    }) : () -> ()
    %dma_start3A = arith.constant 0 : i32
    %dma_start3A_5 = arith.constant 0 : i32
    %dma_start3A_6 = tpu.memref_slice %arg7[%dma_start3A, %dma_start3A_5] : memref<40x128xi32, #tpu.memory_space<vmem>> -> memref<1x128xi32, #tpu.memory_space<vmem>>
    %dma_start3A_7 = tpu.memref_squeeze %dma_start3A_6 : memref<1x128xi32, #tpu.memory_space<vmem>> -> memref<128xi32, #tpu.memory_space<vmem>>
    %dma_start3A_8 = arith.constant 0 : i32
    %dma_start3A_9 = arith.constant 0 : i32
    %dma_start3A_10 = tpu.memref_slice %arg2[%dma_start3A_8, %dma_start3A_9] : memref<10240x128xf32, #tpu.memory_space<hbm>> -> memref<10240x128xf32, #tpu.memory_space<hbm>>
    tpu.enqueue_indirect_dma source(%dma_start3A_10 : memref<10240x128xf32, #tpu.memory_space<hbm>>) target(%arg9 : memref<128x128xf32, #tpu.memory_space<vmem>>) offsets(%dma_start3A_7 : memref<128xi32, #tpu.memory_space<vmem>>) semaphore(%arg12 : memref<!tpu.dma_semaphore, #tpu.memory_space<semaphore_mem>>)
    %scan3A = arith.constant 0 : i32
    %scan3A_11 = arith.constant 20 : i32
    %scan3A_12 = arith.addi %scan3A, %scan3A_11 : i32
    %scan3A_13 = arith.constant 1 : i32
    scf.for %scan3A_32 = %scan3A to %scan3A_12 step %scan3A_13  : i32 {
      %mul3A_33 = arith.constant 1 : i32
      %mul3A_34 = arith.muli %scan3A_32, %mul3A_33 : i32
      %add3A_35 = arith.constant 0 : i32
      %add3A_36 = arith.addi %add3A_35, %mul3A_34 : i32
      %mul3A_37 = arith.constant 2 : i32
      %mul3A_38 = arith.muli %mul3A_37, %add3A_36 : i32
      %add3A_39 = arith.constant 1 : i32
      %add3A_40 = arith.addi %mul3A_38, %add3A_39 : i32
      %dma_start3A_41 = arith.constant 0 : i32
      %dma_start3A_42 = tpu.memref_slice %arg7[%add3A_40, %dma_start3A_41] : memref<40x128xi32, #tpu.memory_space<vmem>> -> memref<1x128xi32, #tpu.memory_space<vmem>>
      %dma_start3A_43 = tpu.memref_squeeze %dma_start3A_42 : memref<1x128xi32, #tpu.memory_space<vmem>> -> memref<128xi32, #tpu.memory_space<vmem>>
      %dma_start3A_44 = arith.constant 0 : i32
      %dma_start3A_45 = arith.constant 0 : i32
      %dma_start3A_46 = tpu.memref_slice %arg2[%dma_start3A_44, %dma_start3A_45] : memref<10240x128xf32, #tpu.memory_space<hbm>> -> memref<10240x128xf32, #tpu.memory_space<hbm>>
      tpu.enqueue_indirect_dma source(%dma_start3A_46 : memref<10240x128xf32, #tpu.memory_space<hbm>>) target(%arg10 : memref<128x128xf32, #tpu.memory_space<vmem>>) offsets(%dma_start3A_43 : memref<128xi32, #tpu.memory_space<vmem>>) semaphore(%arg13 : memref<!tpu.dma_semaphore, #tpu.memory_space<semaphore_mem>>)
      %dma_wait3A = arith.constant 0 : i32
      %dma_wait3A_47 = tpu.memref_slice %arg7[%mul3A_38, %dma_wait3A] : memref<40x128xi32, #tpu.memory_space<vmem>> -> memref<1x128xi32, #tpu.memory_space<vmem>>
      %dma_wait3A_48 = tpu.memref_squeeze %dma_wait3A_47 : memref<1x128xi32, #tpu.memory_space<vmem>> -> memref<128xi32, #tpu.memory_space<vmem>>
      %dma_wait3A_49 = arith.constant 0 : i32
      %dma_wait3A_50 = arith.constant 0 : i32
      %dma_wait3A_51 = tpu.memref_slice %arg2[%dma_wait3A_49, %dma_wait3A_50] : memref<10240x128xf32, #tpu.memory_space<hbm>> -> memref<10240x128xf32, #tpu.memory_space<hbm>>
      tpu.wait_indirect_dma semaphore(%arg12 : memref<!tpu.dma_semaphore, #tpu.memory_space<semaphore_mem>>) src(%dma_wait3A_51 : memref<10240x128xf32, #tpu.memory_space<hbm>>) dst(%arg9 : memref<128x128xf32, #tpu.memory_space<vmem>>)
      "tpu.region"() ({
        %run_scoped3A = tpu.sem_alloc : memref<!tpu.dma_semaphore, #tpu.memory_space<semaphore_mem>>
        %dma_start3A_64 = arith.constant 0 : i32
        %dma_start3A_65 = tpu.memref_slice %arg8[%mul3A_38, %dma_start3A_64] : memref<40x128xi32, #tpu.memory_space<vmem>> -> memref<1x128xi32, #tpu.memory_space<vmem>>
        %dma_start3A_66 = tpu.memref_squeeze %dma_start3A_65 : memref<1x128xi32, #tpu.memory_space<vmem>> -> memref<128xi32, #tpu.memory_space<vmem>>
        %dma_start3A_67 = arith.constant 0 : i32
        %dma_start3A_68 = arith.constant 0 : i32
        %dma_start3A_69 = tpu.memref_slice %arg11[%dma_start3A_67, %dma_start3A_68] : memref<10240x128xf32, #tpu.memory_space<vmem_shared>> -> memref<10240x128xf32, #tpu.memory_space<vmem_shared>>
        tpu.enqueue_indirect_dma source(%arg9 : memref<128x128xf32, #tpu.memory_space<vmem>>) target(%dma_start3A_69 : memref<10240x128xf32, #tpu.memory_space<vmem_shared>>) offsets(%dma_start3A_66 : memref<128xi32, #tpu.memory_space<vmem>>) semaphore(%run_scoped3A : memref<!tpu.dma_semaphore, #tpu.memory_space<semaphore_mem>>) {add = true}
        %dma_wait3A_70 = arith.constant 0 : i32
        %dma_wait3A_71 = tpu.memref_slice %arg8[%mul3A_38, %dma_wait3A_70] : memref<40x128xi32, #tpu.memory_space<vmem>> -> memref<1x128xi32, #tpu.memory_space<vmem>>
        %dma_wait3A_72 = tpu.memref_squeeze %dma_wait3A_71 : memref<1x128xi32, #tpu.memory_space<vmem>> -> memref<128xi32, #tpu.memory_space<vmem>>
        %dma_wait3A_73 = arith.constant 0 : i32
        %dma_wait3A_74 = arith.constant 0 : i32
        %dma_wait3A_75 = tpu.memref_slice %arg11[%dma_wait3A_73, %dma_wait3A_74] : memref<10240x128xf32, #tpu.memory_space<vmem_shared>> -> memref<10240x128xf32, #tpu.memory_space<vmem_shared>>
        tpu.wait_indirect_dma semaphore(%run_scoped3A : memref<!tpu.dma_semaphore, #tpu.memory_space<semaphore_mem>>) src(%arg9 : memref<128x128xf32, #tpu.memory_space<vmem>>) dst(%dma_wait3A_75 : memref<10240x128xf32, #tpu.memory_space<vmem_shared>>)
        tpu.yield
      }) : () -> ()
      %lt3A = arith.constant 19 : i32
      %lt3A_52 = arith.cmpi slt, %add3A_36, %lt3A : i32
      %convert_element_type3A = arith.extui %lt3A_52 : i1 to i32
      %cond3A = arith.constant 0 : i32
      %cond3A_53 = arith.cmpi ne, %convert_element_type3A, %cond3A : i32
      scf.if %cond3A_53 {
        %add3A_64 = arith.constant 2 : i32
        %add3A_65 = arith.addi %mul3A_38, %add3A_64 : i32
        %dma_start3A_66 = arith.constant 0 : i32
        %dma_start3A_67 = tpu.memref_slice %arg7[%add3A_65, %dma_start3A_66] : memref<40x128xi32, #tpu.memory_space<vmem>> -> memref<1x128xi32, #tpu.memory_space<vmem>>
        %dma_start3A_68 = tpu.memref_squeeze %dma_start3A_67 : memref<1x128xi32, #tpu.memory_space<vmem>> -> memref<128xi32, #tpu.memory_space<vmem>>
        %dma_start3A_69 = arith.constant 0 : i32
        %dma_start3A_70 = arith.constant 0 : i32
        %dma_start3A_71 = tpu.memref_slice %arg2[%dma_start3A_69, %dma_start3A_70] : memref<10240x128xf32, #tpu.memory_space<hbm>> -> memref<10240x128xf32, #tpu.memory_space<hbm>>
        tpu.enqueue_indirect_dma source(%dma_start3A_71 : memref<10240x128xf32, #tpu.memory_space<hbm>>) target(%arg9 : memref<128x128xf32, #tpu.memory_space<vmem>>) offsets(%dma_start3A_68 : memref<128xi32, #tpu.memory_space<vmem>>) semaphore(%arg12 : memref<!tpu.dma_semaphore, #tpu.memory_space<semaphore_mem>>)
      } else {
      }
      %add3A_54 = arith.constant 1 : i32
      %add3A_55 = arith.addi %mul3A_38, %add3A_54 : i32
      %dma_wait3A_56 = arith.constant 0 : i32
      %dma_wait3A_57 = tpu.memref_slice %arg7[%add3A_55, %dma_wait3A_56] : memref<40x128xi32, #tpu.memory_space<vmem>> -> memref<1x128xi32, #tpu.memory_space<vmem>>
      %dma_wait3A_58 = tpu.memref_squeeze %dma_wait3A_57 : memref<1x128xi32, #tpu.memory_space<vmem>> -> memref<128xi32, #tpu.memory_space<vmem>>
      %dma_wait3A_59 = arith.constant 0 : i32
      %dma_wait3A_60 = arith.constant 0 : i32
      %dma_wait3A_61 = tpu.memref_slice %arg2[%dma_wait3A_59, %dma_wait3A_60] : memref<10240x128xf32, #tpu.memory_space<hbm>> -> memref<10240x128xf32, #tpu.memory_space<hbm>>
      tpu.wait_indirect_dma semaphore(%arg13 : memref<!tpu.dma_semaphore, #tpu.memory_space<semaphore_mem>>) src(%dma_wait3A_61 : memref<10240x128xf32, #tpu.memory_space<hbm>>) dst(%arg10 : memref<128x128xf32, #tpu.memory_space<vmem>>)
      %add3A_62 = arith.constant 1 : i32
      %add3A_63 = arith.addi %mul3A_38, %add3A_62 : i32
      "tpu.region"() ({
        %run_scoped3A = tpu.sem_alloc : memref<!tpu.dma_semaphore, #tpu.memory_space<semaphore_mem>>
        %dma_start3A_64 = arith.constant 0 : i32
        %dma_start3A_65 = tpu.memref_slice %arg8[%add3A_63, %dma_start3A_64] : memref<40x128xi32, #tpu.memory_space<vmem>> -> memref<1x128xi32, #tpu.memory_space<vmem>>
        %dma_start3A_66 = tpu.memref_squeeze %dma_start3A_65 : memref<1x128xi32, #tpu.memory_space<vmem>> -> memref<128xi32, #tpu.memory_space<vmem>>
        %dma_start3A_67 = arith.constant 0 : i32
        %dma_start3A_68 = arith.constant 0 : i32
        %dma_start3A_69 = tpu.memref_slice %arg11[%dma_start3A_67, %dma_start3A_68] : memref<10240x128xf32, #tpu.memory_space<vmem_shared>> -> memref<10240x128xf32, #tpu.memory_space<vmem_shared>>
        tpu.enqueue_indirect_dma source(%arg10 : memref<128x128xf32, #tpu.memory_space<vmem>>) target(%dma_start3A_69 : memref<10240x128xf32, #tpu.memory_space<vmem_shared>>) offsets(%dma_start3A_66 : memref<128xi32, #tpu.memory_space<vmem>>) semaphore(%run_scoped3A : memref<!tpu.dma_semaphore, #tpu.memory_space<semaphore_mem>>) {add = true}
        %dma_wait3A_70 = arith.constant 0 : i32
        %dma_wait3A_71 = tpu.memref_slice %arg8[%add3A_63, %dma_wait3A_70] : memref<40x128xi32, #tpu.memory_space<vmem>> -> memref<1x128xi32, #tpu.memory_space<vmem>>
        %dma_wait3A_72 = tpu.memref_squeeze %dma_wait3A_71 : memref<1x128xi32, #tpu.memory_space<vmem>> -> memref<128xi32, #tpu.memory_space<vmem>>
        %dma_wait3A_73 = arith.constant 0 : i32
        %dma_wait3A_74 = arith.constant 0 : i32
        %dma_wait3A_75 = tpu.memref_slice %arg11[%dma_wait3A_73, %dma_wait3A_74] : memref<10240x128xf32, #tpu.memory_space<vmem_shared>> -> memref<10240x128xf32, #tpu.memory_space<vmem_shared>>
        tpu.wait_indirect_dma semaphore(%run_scoped3A : memref<!tpu.dma_semaphore, #tpu.memory_space<semaphore_mem>>) src(%arg10 : memref<128x128xf32, #tpu.memory_space<vmem>>) dst(%dma_wait3A_75 : memref<10240x128xf32, #tpu.memory_space<vmem_shared>>)
        tpu.yield
      }) : () -> ()
    }
    %scan3A_14 = arith.constant 20 : i32
    "tpu.region"() ({
      %run_scoped3A = tpu.sem_alloc : memref<!tpu.dma_semaphore, #tpu.memory_space<semaphore_mem>>
      %dma_start3A_32 = arith.constant 40 : i32
      %dma_start3A_33 = arith.constant 0 : i32
      %dma_start3A_34 = tpu.memref_slice %arg3[%add3A, %dma_start3A_32, %dma_start3A_33] : memref<32x80x128xi32, #tpu.memory_space<hbm>> -> memref<1x40x128xi32, #tpu.memory_space<hbm>>
      %dma_start3A_35 = tpu.memref_squeeze %dma_start3A_34 : memref<1x40x128xi32, #tpu.memory_space<hbm>> -> memref<40x128xi32, #tpu.memory_space<hbm>>
      %dma_start3A_36 = arith.constant 40 : i32
      %dma_start3A_37 = arith.constant 0 : i32
      %dma_start3A_38 = tpu.memref_slice %arg3[%add3A, %dma_start3A_36, %dma_start3A_37] : memref<32x80x128xi32, #tpu.memory_space<hbm>> -> memref<1x40x128xi32, #tpu.memory_space<hbm>>
      %dma_start3A_39 = tpu.memref_squeeze %dma_start3A_38 : memref<1x40x128xi32, #tpu.memory_space<hbm>> -> memref<40x128xi32, #tpu.memory_space<hbm>>
      tpu.enqueue_dma source(%dma_start3A_39 : memref<40x128xi32, #tpu.memory_space<hbm>>) target(%arg7 : memref<40x128xi32, #tpu.memory_space<vmem>>) target_semaphore(%run_scoped3A : memref<!tpu.dma_semaphore, #tpu.memory_space<semaphore_mem>>)
      %dma_wait3A = arith.constant 40 : i32
      %dma_wait3A_40 = arith.constant 0 : i32
      %dma_wait3A_41 = tpu.memref_slice %arg3[%add3A, %dma_wait3A, %dma_wait3A_40] : memref<32x80x128xi32, #tpu.memory_space<hbm>> -> memref<1x40x128xi32, #tpu.memory_space<hbm>>
      %dma_wait3A_42 = tpu.memref_squeeze %dma_wait3A_41 : memref<1x40x128xi32, #tpu.memory_space<hbm>> -> memref<40x128xi32, #tpu.memory_space<hbm>>
      %dma_wait3A_43 = arith.constant 40 : i32
      %dma_wait3A_44 = arith.constant 0 : i32
      %dma_wait3A_45 = tpu.memref_slice %arg3[%add3A, %dma_wait3A_43, %dma_wait3A_44] : memref<32x80x128xi32, #tpu.memory_space<hbm>> -> memref<1x40x128xi32, #tpu.memory_space<hbm>>
      %dma_wait3A_46 = tpu.memref_squeeze %dma_wait3A_45 : memref<1x40x128xi32, #tpu.memory_space<hbm>> -> memref<40x128xi32, #tpu.memory_space<hbm>>
      tpu.wait_dma2 semaphore(%run_scoped3A : memref<!tpu.dma_semaphore, #tpu.memory_space<semaphore_mem>>) src(%dma_wait3A_46 : memref<40x128xi32, #tpu.memory_space<hbm>>) dst(%arg7 : memref<40x128xi32, #tpu.memory_space<vmem>>)
      tpu.yield
    }) : () -> ()
    "tpu.region"() ({
      %run_scoped3A = tpu.sem_alloc : memref<!tpu.dma_semaphore, #tpu.memory_space<semaphore_mem>>
      %dma_start3A_32 = arith.constant 40 : i32
      %dma_start3A_33 = arith.constant 0 : i32
      %dma_start3A_34 = tpu.memref_slice %arg4[%add3A, %dma_start3A_32, %dma_start3A_33] : memref<32x80x128xi32, #tpu.memory_space<hbm>> -> memref<1x40x128xi32, #tpu.memory_space<hbm>>
      %dma_start3A_35 = tpu.memref_squeeze %dma_start3A_34 : memref<1x40x128xi32, #tpu.memory_space<hbm>> -> memref<40x128xi32, #tpu.memory_space<hbm>>
      %dma_start3A_36 = arith.constant 40 : i32
      %dma_start3A_37 = arith.constant 0 : i32
      %dma_start3A_38 = tpu.memref_slice %arg4[%add3A, %dma_start3A_36, %dma_start3A_37] : memref<32x80x128xi32, #tpu.memory_space<hbm>> -> memref<1x40x128xi32, #tpu.memory_space<hbm>>
      %dma_start3A_39 = tpu.memref_squeeze %dma_start3A_38 : memref<1x40x128xi32, #tpu.memory_space<hbm>> -> memref<40x128xi32, #tpu.memory_space<hbm>>
      tpu.enqueue_dma source(%dma_start3A_39 : memref<40x128xi32, #tpu.memory_space<hbm>>) target(%arg8 : memref<40x128xi32, #tpu.memory_space<vmem>>) target_semaphore(%run_scoped3A : memref<!tpu.dma_semaphore, #tpu.memory_space<semaphore_mem>>)
      %dma_wait3A = arith.constant 40 : i32
      %dma_wait3A_40 = arith.constant 0 : i32
      %dma_wait3A_41 = tpu.memref_slice %arg4[%add3A, %dma_wait3A, %dma_wait3A_40] : memref<32x80x128xi32, #tpu.memory_space<hbm>> -> memref<1x40x128xi32, #tpu.memory_space<hbm>>
      %dma_wait3A_42 = tpu.memref_squeeze %dma_wait3A_41 : memref<1x40x128xi32, #tpu.memory_space<hbm>> -> memref<40x128xi32, #tpu.memory_space<hbm>>
      %dma_wait3A_43 = arith.constant 40 : i32
      %dma_wait3A_44 = arith.constant 0 : i32
      %dma_wait3A_45 = tpu.memref_slice %arg4[%add3A, %dma_wait3A_43, %dma_wait3A_44] : memref<32x80x128xi32, #tpu.memory_space<hbm>> -> memref<1x40x128xi32, #tpu.memory_space<hbm>>
      %dma_wait3A_46 = tpu.memref_squeeze %dma_wait3A_45 : memref<1x40x128xi32, #tpu.memory_space<hbm>> -> memref<40x128xi32, #tpu.memory_space<hbm>>
      tpu.wait_dma2 semaphore(%run_scoped3A : memref<!tpu.dma_semaphore, #tpu.memory_space<semaphore_mem>>) src(%dma_wait3A_46 : memref<40x128xi32, #tpu.memory_space<hbm>>) dst(%arg8 : memref<40x128xi32, #tpu.memory_space<vmem>>)
      tpu.yield
    }) : () -> ()
    %dma_start3A_15 = arith.constant 0 : i32
    %dma_start3A_16 = arith.constant 0 : i32
    %dma_start3A_17 = tpu.memref_slice %arg7[%dma_start3A_15, %dma_start3A_16] : memref<40x128xi32, #tpu.memory_space<vmem>> -> memref<1x128xi32, #tpu.memory_space<vmem>>
    %dma_start3A_18 = tpu.memref_squeeze %dma_start3A_17 : memref<1x128xi32, #tpu.memory_space<vmem>> -> memref<128xi32, #tpu.memory_space<vmem>>
    %dma_start3A_19 = arith.constant 0 : i32
    %dma_start3A_20 = arith.constant 0 : i32
    %dma_start3A_21 = tpu.memref_slice %arg2[%dma_start3A_19, %dma_start3A_20] : memref<10240x128xf32, #tpu.memory_space<hbm>> -> memref<10240x128xf32, #tpu.memory_space<hbm>>
    tpu.enqueue_indirect_dma source(%dma_start3A_21 : memref<10240x128xf32, #tpu.memory_space<hbm>>) target(%arg9 : memref<128x128xf32, #tpu.memory_space<vmem>>) offsets(%dma_start3A_18 : memref<128xi32, #tpu.memory_space<vmem>>) semaphore(%arg12 : memref<!tpu.dma_semaphore, #tpu.memory_space<semaphore_mem>>)
    %scan3A_22 = arith.constant 0 : i32
    %scan3A_23 = arith.constant 20 : i32
    %scan3A_24 = arith.addi %scan3A_22, %scan3A_23 : i32
    %scan3A_25 = arith.constant 1 : i32
    scf.for %scan3A_32 = %scan3A_22 to %scan3A_24 step %scan3A_25  : i32 {
      %mul3A_33 = arith.constant 1 : i32
      %mul3A_34 = arith.muli %scan3A_32, %mul3A_33 : i32
      %add3A_35 = arith.constant 0 : i32
      %add3A_36 = arith.addi %add3A_35, %mul3A_34 : i32
      %mul3A_37 = arith.constant 2 : i32
      %mul3A_38 = arith.muli %mul3A_37, %add3A_36 : i32
      %add3A_39 = arith.constant 1 : i32
      %add3A_40 = arith.addi %mul3A_38, %add3A_39 : i32
      %dma_start3A_41 = arith.constant 0 : i32
      %dma_start3A_42 = tpu.memref_slice %arg7[%add3A_40, %dma_start3A_41] : memref<40x128xi32, #tpu.memory_space<vmem>> -> memref<1x128xi32, #tpu.memory_space<vmem>>
      %dma_start3A_43 = tpu.memref_squeeze %dma_start3A_42 : memref<1x128xi32, #tpu.memory_space<vmem>> -> memref<128xi32, #tpu.memory_space<vmem>>
      %dma_start3A_44 = arith.constant 0 : i32
      %dma_start3A_45 = arith.constant 0 : i32
      %dma_start3A_46 = tpu.memref_slice %arg2[%dma_start3A_44, %dma_start3A_45] : memref<10240x128xf32, #tpu.memory_space<hbm>> -> memref<10240x128xf32, #tpu.memory_space<hbm>>
      tpu.enqueue_indirect_dma source(%dma_start3A_46 : memref<10240x128xf32, #tpu.memory_space<hbm>>) target(%arg10 : memref<128x128xf32, #tpu.memory_space<vmem>>) offsets(%dma_start3A_43 : memref<128xi32, #tpu.memory_space<vmem>>) semaphore(%arg13 : memref<!tpu.dma_semaphore, #tpu.memory_space<semaphore_mem>>)
      %dma_wait3A = arith.constant 0 : i32
      %dma_wait3A_47 = tpu.memref_slice %arg7[%mul3A_38, %dma_wait3A] : memref<40x128xi32, #tpu.memory_space<vmem>> -> memref<1x128xi32, #tpu.memory_space<vmem>>
      %dma_wait3A_48 = tpu.memref_squeeze %dma_wait3A_47 : memref<1x128xi32, #tpu.memory_space<vmem>> -> memref<128xi32, #tpu.memory_space<vmem>>
      %dma_wait3A_49 = arith.constant 0 : i32
      %dma_wait3A_50 = arith.constant 0 : i32
      %dma_wait3A_51 = tpu.memref_slice %arg2[%dma_wait3A_49, %dma_wait3A_50] : memref<10240x128xf32, #tpu.memory_space<hbm>> -> memref<10240x128xf32, #tpu.memory_space<hbm>>
      tpu.wait_indirect_dma semaphore(%arg12 : memref<!tpu.dma_semaphore, #tpu.memory_space<semaphore_mem>>) src(%dma_wait3A_51 : memref<10240x128xf32, #tpu.memory_space<hbm>>) dst(%arg9 : memref<128x128xf32, #tpu.memory_space<vmem>>)
      "tpu.region"() ({
        %run_scoped3A = tpu.sem_alloc : memref<!tpu.dma_semaphore, #tpu.memory_space<semaphore_mem>>
        %dma_start3A_64 = arith.constant 0 : i32
        %dma_start3A_65 = tpu.memref_slice %arg8[%mul3A_38, %dma_start3A_64] : memref<40x128xi32, #tpu.memory_space<vmem>> -> memref<1x128xi32, #tpu.memory_space<vmem>>
        %dma_start3A_66 = tpu.memref_squeeze %dma_start3A_65 : memref<1x128xi32, #tpu.memory_space<vmem>> -> memref<128xi32, #tpu.memory_space<vmem>>
        %dma_start3A_67 = arith.constant 0 : i32
        %dma_start3A_68 = arith.constant 0 : i32
        %dma_start3A_69 = tpu.memref_slice %arg11[%dma_start3A_67, %dma_start3A_68] : memref<10240x128xf32, #tpu.memory_space<vmem_shared>> -> memref<10240x128xf32, #tpu.memory_space<vmem_shared>>
        tpu.enqueue_indirect_dma source(%arg9 : memref<128x128xf32, #tpu.memory_space<vmem>>) target(%dma_start3A_69 : memref<10240x128xf32, #tpu.memory_space<vmem_shared>>) offsets(%dma_start3A_66 : memref<128xi32, #tpu.memory_space<vmem>>) semaphore(%run_scoped3A : memref<!tpu.dma_semaphore, #tpu.memory_space<semaphore_mem>>) {add = true}
        %dma_wait3A_70 = arith.constant 0 : i32
        %dma_wait3A_71 = tpu.memref_slice %arg8[%mul3A_38, %dma_wait3A_70] : memref<40x128xi32, #tpu.memory_space<vmem>> -> memref<1x128xi32, #tpu.memory_space<vmem>>
        %dma_wait3A_72 = tpu.memref_squeeze %dma_wait3A_71 : memref<1x128xi32, #tpu.memory_space<vmem>> -> memref<128xi32, #tpu.memory_space<vmem>>
        %dma_wait3A_73 = arith.constant 0 : i32
        %dma_wait3A_74 = arith.constant 0 : i32
        %dma_wait3A_75 = tpu.memref_slice %arg11[%dma_wait3A_73, %dma_wait3A_74] : memref<10240x128xf32, #tpu.memory_space<vmem_shared>> -> memref<10240x128xf32, #tpu.memory_space<vmem_shared>>
        tpu.wait_indirect_dma semaphore(%run_scoped3A : memref<!tpu.dma_semaphore, #tpu.memory_space<semaphore_mem>>) src(%arg9 : memref<128x128xf32, #tpu.memory_space<vmem>>) dst(%dma_wait3A_75 : memref<10240x128xf32, #tpu.memory_space<vmem_shared>>)
        tpu.yield
      }) : () -> ()
      %lt3A = arith.constant 19 : i32
      %lt3A_52 = arith.cmpi slt, %add3A_36, %lt3A : i32
      %convert_element_type3A = arith.extui %lt3A_52 : i1 to i32
      %cond3A = arith.constant 0 : i32
      %cond3A_53 = arith.cmpi ne, %convert_element_type3A, %cond3A : i32
      scf.if %cond3A_53 {
        %add3A_64 = arith.constant 2 : i32
        %add3A_65 = arith.addi %mul3A_38, %add3A_64 : i32
        %dma_start3A_66 = arith.constant 0 : i32
        %dma_start3A_67 = tpu.memref_slice %arg7[%add3A_65, %dma_start3A_66] : memref<40x128xi32, #tpu.memory_space<vmem>> -> memref<1x128xi32, #tpu.memory_space<vmem>>
        %dma_start3A_68 = tpu.memref_squeeze %dma_start3A_67 : memref<1x128xi32, #tpu.memory_space<vmem>> -> memref<128xi32, #tpu.memory_space<vmem>>
        %dma_start3A_69 = arith.constant 0 : i32
        %dma_start3A_70 = arith.constant 0 : i32
        %dma_start3A_71 = tpu.memref_slice %arg2[%dma_start3A_69, %dma_start3A_70] : memref<10240x128xf32, #tpu.memory_space<hbm>> -> memref<10240x128xf32, #tpu.memory_space<hbm>>
        tpu.enqueue_indirect_dma source(%dma_start3A_71 : memref<10240x128xf32, #tpu.memory_space<hbm>>) target(%arg9 : memref<128x128xf32, #tpu.memory_space<vmem>>) offsets(%dma_start3A_68 : memref<128xi32, #tpu.memory_space<vmem>>) semaphore(%arg12 : memref<!tpu.dma_semaphore, #tpu.memory_space<semaphore_mem>>)
      } else {
      }
      %add3A_54 = arith.constant 1 : i32
      %add3A_55 = arith.addi %mul3A_38, %add3A_54 : i32
      %dma_wait3A_56 = arith.constant 0 : i32
      %dma_wait3A_57 = tpu.memref_slice %arg7[%add3A_55, %dma_wait3A_56] : memref<40x128xi32, #tpu.memory_space<vmem>> -> memref<1x128xi32, #tpu.memory_space<vmem>>
      %dma_wait3A_58 = tpu.memref_squeeze %dma_wait3A_57 : memref<1x128xi32, #tpu.memory_space<vmem>> -> memref<128xi32, #tpu.memory_space<vmem>>
      %dma_wait3A_59 = arith.constant 0 : i32
      %dma_wait3A_60 = arith.constant 0 : i32
      %dma_wait3A_61 = tpu.memref_slice %arg2[%dma_wait3A_59, %dma_wait3A_60] : memref<10240x128xf32, #tpu.memory_space<hbm>> -> memref<10240x128xf32, #tpu.memory_space<hbm>>
      tpu.wait_indirect_dma semaphore(%arg13 : memref<!tpu.dma_semaphore, #tpu.memory_space<semaphore_mem>>) src(%dma_wait3A_61 : memref<10240x128xf32, #tpu.memory_space<hbm>>) dst(%arg10 : memref<128x128xf32, #tpu.memory_space<vmem>>)
      %add3A_62 = arith.constant 1 : i32
      %add3A_63 = arith.addi %mul3A_38, %add3A_62 : i32
      "tpu.region"() ({
        %run_scoped3A = tpu.sem_alloc : memref<!tpu.dma_semaphore, #tpu.memory_space<semaphore_mem>>
        %dma_start3A_64 = arith.constant 0 : i32
        %dma_start3A_65 = tpu.memref_slice %arg8[%add3A_63, %dma_start3A_64] : memref<40x128xi32, #tpu.memory_space<vmem>> -> memref<1x128xi32, #tpu.memory_space<vmem>>
        %dma_start3A_66 = tpu.memref_squeeze %dma_start3A_65 : memref<1x128xi32, #tpu.memory_space<vmem>> -> memref<128xi32, #tpu.memory_space<vmem>>
        %dma_start3A_67 = arith.constant 0 : i32
        %dma_start3A_68 = arith.constant 0 : i32
        %dma_start3A_69 = tpu.memref_slice %arg11[%dma_start3A_67, %dma_start3A_68] : memref<10240x128xf32, #tpu.memory_space<vmem_shared>> -> memref<10240x128xf32, #tpu.memory_space<vmem_shared>>
        tpu.enqueue_indirect_dma source(%arg10 : memref<128x128xf32, #tpu.memory_space<vmem>>) target(%dma_start3A_69 : memref<10240x128xf32, #tpu.memory_space<vmem_shared>>) offsets(%dma_start3A_66 : memref<128xi32, #tpu.memory_space<vmem>>) semaphore(%run_scoped3A : memref<!tpu.dma_semaphore, #tpu.memory_space<semaphore_mem>>) {add = true}
        %dma_wait3A_70 = arith.constant 0 : i32
        %dma_wait3A_71 = tpu.memref_slice %arg8[%add3A_63, %dma_wait3A_70] : memref<40x128xi32, #tpu.memory_space<vmem>> -> memref<1x128xi32, #tpu.memory_space<vmem>>
        %dma_wait3A_72 = tpu.memref_squeeze %dma_wait3A_71 : memref<1x128xi32, #tpu.memory_space<vmem>> -> memref<128xi32, #tpu.memory_space<vmem>>
        %dma_wait3A_73 = arith.constant 0 : i32
        %dma_wait3A_74 = arith.constant 0 : i32
        %dma_wait3A_75 = tpu.memref_slice %arg11[%dma_wait3A_73, %dma_wait3A_74] : memref<10240x128xf32, #tpu.memory_space<vmem_shared>> -> memref<10240x128xf32, #tpu.memory_space<vmem_shared>>
        tpu.wait_indirect_dma semaphore(%run_scoped3A : memref<!tpu.dma_semaphore, #tpu.memory_space<semaphore_mem>>) src(%arg10 : memref<128x128xf32, #tpu.memory_space<vmem>>) dst(%dma_wait3A_75 : memref<10240x128xf32, #tpu.memory_space<vmem_shared>>)
        tpu.yield
      }) : () -> ()
    }
    %scan3A_26 = arith.constant 20 : i32
    %barrier3A_27 = arith.constant 0 : index
    tpu.barrier barrier_id(%barrier3A_27)
    %mul3A_28 = arith.constant 640 : i32
    %mul3A_29 = arith.muli %arg1, %mul3A_28 : i32
    %mul3A_30 = arith.constant 640 : i32
    %mul3A_31 = arith.muli %arg1, %mul3A_30 : i32
    "tpu.region"() ({
      %run_scoped3A = tpu.sem_alloc : memref<!tpu.dma_semaphore, #tpu.memory_space<semaphore_mem>>
      %dma_start3A_32 = arith.constant 0 : i32
      %dma_start3A_33 = tpu.memref_slice %arg6[%arg0, %mul3A_31, %dma_start3A_32] : memref<2x10240x128xf32, #tpu.memory_space<hbm>> -> memref<1x640x128xf32, #tpu.memory_space<hbm>>
      %dma_start3A_34 = tpu.memref_squeeze %dma_start3A_33 : memref<1x640x128xf32, #tpu.memory_space<hbm>> -> memref<640x128xf32, #tpu.memory_space<hbm>>
      %dma_start3A_35 = arith.constant 0 : i32
      %dma_start3A_36 = tpu.memref_slice %arg11[%mul3A_29, %dma_start3A_35] : memref<10240x128xf32, #tpu.memory_space<vmem_shared>> -> memref<640x128xf32, #tpu.memory_space<vmem_shared>>
      tpu.enqueue_dma source(%dma_start3A_36 : memref<640x128xf32, #tpu.memory_space<vmem_shared>>) target(%dma_start3A_34 : memref<640x128xf32, #tpu.memory_space<hbm>>) target_semaphore(%run_scoped3A : memref<!tpu.dma_semaphore, #tpu.memory_space<semaphore_mem>>)
      %dma_wait3A = arith.constant 0 : i32
      %dma_wait3A_37 = tpu.memref_slice %arg6[%arg0, %mul3A_31, %dma_wait3A] : memref<2x10240x128xf32, #tpu.memory_space<hbm>> -> memref<1x640x128xf32, #tpu.memory_space<hbm>>
      %dma_wait3A_38 = tpu.memref_squeeze %dma_wait3A_37 : memref<1x640x128xf32, #tpu.memory_space<hbm>> -> memref<640x128xf32, #tpu.memory_space<hbm>>
      %dma_wait3A_39 = arith.constant 0 : i32
      %dma_wait3A_40 = tpu.memref_slice %arg11[%mul3A_29, %dma_wait3A_39] : memref<10240x128xf32, #tpu.memory_space<vmem_shared>> -> memref<640x128xf32, #tpu.memory_space<vmem_shared>>
      tpu.wait_dma2 semaphore(%run_scoped3A : memref<!tpu.dma_semaphore, #tpu.memory_space<semaphore_mem>>) src(%dma_wait3A_40 : memref<640x128xf32, #tpu.memory_space<vmem_shared>>) dst(%dma_wait3A_38 : memref<640x128xf32, #tpu.memory_space<hbm>>)
      tpu.yield
    }) : () -> ()
    return
  }
}

#map = affine_map<(d0, d1) -> (0, 0)>
#map1 = affine_map<(d0, d1) -> (0, 0, 0)>
module attributes {stable_mosaic.version = 14 : i64} {
  func.func @_sc_agg(%arg0: i32, %arg1: i32, %arg2: memref<10240x128xf32, #tpu.memory_space<hbm>>, %arg3: memref<32x80x128xi32, #tpu.memory_space<hbm>>, %arg4: memref<32x80x128xi32, #tpu.memory_space<hbm>>, %arg5: memref<10240x128xf32, #tpu.memory_space<hbm>>, %arg6: memref<2x10240x128xf32, #tpu.memory_space<hbm>>, %arg7: memref<40x128xi32, #tpu.memory_space<vmem>>, %arg8: memref<40x128xi32, #tpu.memory_space<vmem>>, %arg9: memref<128x128xf32, #tpu.memory_space<vmem>>, %arg10: memref<128x128xf32, #tpu.memory_space<vmem>>, %arg11: memref<10240x128xf32, #tpu.memory_space<vmem_shared>>, %arg12: memref<!tpu.dma_semaphore, #tpu.memory_space<semaphore_mem>>, %arg13: memref<!tpu.dma_semaphore, #tpu.memory_space<semaphore_mem>>) attributes {dimension_semantics = [#tpu.dimension_semantics<core_parallel>, #tpu.dimension_semantics<subcore_parallel>], iteration_bounds = array<i64: 2, 16>, scalar_prefetch = 0 : i64, scratch_operands = 7 : i64, tpu.core_type = #tpu.core_type<sc_vector_subcore>, window_params = [{transform_indices = #map}, {transform_indices = #map1}, {transform_indices = #map1}, {transform_indices = #map}, {transform_indices = #map1}]} {
    %mul3A = arith.constant 16 : i32
    %mul3A_0 = arith.muli %arg0, %mul3A : i32
    %add3A = arith.addi %mul3A_0, %arg1 : i32
    %mul3A_1 = arith.constant 640 : i32
    %mul3A_2 = arith.muli %arg1, %mul3A_1 : i32
    %mul3A_3 = arith.constant 640 : i32
    %mul3A_4 = arith.muli %arg1, %mul3A_3 : i32
    "tpu.region"() ({
      %run_scoped3A = tpu.sem_alloc : memref<!tpu.dma_semaphore, #tpu.memory_space<semaphore_mem>>
      %dma_start3A_32 = arith.constant 0 : i32
      %dma_start3A_33 = tpu.memref_slice %arg11[%mul3A_4, %dma_start3A_32] : memref<10240x128xf32, #tpu.memory_space<vmem_shared>> -> memref<640x128xf32, #tpu.memory_space<vmem_shared>>
      %dma_start3A_34 = arith.constant 0 : i32
      %dma_start3A_35 = tpu.memref_slice %arg5[%mul3A_2, %dma_start3A_34] : memref<10240x128xf32, #tpu.memory_space<hbm>> -> memref<640x128xf32, #tpu.memory_space<hbm>>
      tpu.enqueue_dma source(%dma_start3A_35 : memref<640x128xf32, #tpu.memory_space<hbm>>) target(%dma_start3A_33 : memref<640x128xf32, #tpu.memory_space<vmem_shared>>) target_semaphore(%run_scoped3A : memref<!tpu.dma_semaphore, #tpu.memory_space<semaphore_mem>>)
      %dma_wait3A = arith.constant 0 : i32
      %dma_wait3A_36 = tpu.memref_slice %arg11[%mul3A_4, %dma_wait3A] : memref<10240x128xf32, #tpu.memory_space<vmem_shared>> -> memref<640x128xf32, #tpu.memory_space<vmem_shared>>
      %dma_wait3A_37 = arith.constant 0 : i32
      %dma_wait3A_38 = tpu.memref_slice %arg5[%mul3A_2, %dma_wait3A_37] : memref<10240x128xf32, #tpu.memory_space<hbm>> -> memref<640x128xf32, #tpu.memory_space<hbm>>
      tpu.wait_dma2 semaphore(%run_scoped3A : memref<!tpu.dma_semaphore, #tpu.memory_space<semaphore_mem>>) src(%dma_wait3A_38 : memref<640x128xf32, #tpu.memory_space<hbm>>) dst(%dma_wait3A_36 : memref<640x128xf32, #tpu.memory_space<vmem_shared>>)
      tpu.yield
    }) : () -> ()
    %barrier3A = arith.constant 0 : index
    tpu.barrier barrier_id(%barrier3A)
    "tpu.region"() ({
      %run_scoped3A = tpu.sem_alloc : memref<!tpu.dma_semaphore, #tpu.memory_space<semaphore_mem>>
      %dma_start3A_32 = arith.constant 0 : i32
      %dma_start3A_33 = arith.constant 0 : i32
      %dma_start3A_34 = tpu.memref_slice %arg3[%add3A, %dma_start3A_32, %dma_start3A_33] : memref<32x80x128xi32, #tpu.memory_space<hbm>> -> memref<1x40x128xi32, #tpu.memory_space<hbm>>
      %dma_start3A_35 = tpu.memref_squeeze %dma_start3A_34 : memref<1x40x128xi32, #tpu.memory_space<hbm>> -> memref<40x128xi32, #tpu.memory_space<hbm>>
      %dma_start3A_36 = arith.constant 0 : i32
      %dma_start3A_37 = arith.constant 0 : i32
      %dma_start3A_38 = tpu.memref_slice %arg3[%add3A, %dma_start3A_36, %dma_start3A_37] : memref<32x80x128xi32, #tpu.memory_space<hbm>> -> memref<1x40x128xi32, #tpu.memory_space<hbm>>
      %dma_start3A_39 = tpu.memref_squeeze %dma_start3A_38 : memref<1x40x128xi32, #tpu.memory_space<hbm>> -> memref<40x128xi32, #tpu.memory_space<hbm>>
      tpu.enqueue_dma source(%dma_start3A_39 : memref<40x128xi32, #tpu.memory_space<hbm>>) target(%arg7 : memref<40x128xi32, #tpu.memory_space<vmem>>) target_semaphore(%run_scoped3A : memref<!tpu.dma_semaphore, #tpu.memory_space<semaphore_mem>>)
      %dma_wait3A = arith.constant 0 : i32
      %dma_wait3A_40 = arith.constant 0 : i32
      %dma_wait3A_41 = tpu.memref_slice %arg3[%add3A, %dma_wait3A, %dma_wait3A_40] : memref<32x80x128xi32, #tpu.memory_space<hbm>> -> memref<1x40x128xi32, #tpu.memory_space<hbm>>
      %dma_wait3A_42 = tpu.memref_squeeze %dma_wait3A_41 : memref<1x40x128xi32, #tpu.memory_space<hbm>> -> memref<40x128xi32, #tpu.memory_space<hbm>>
      %dma_wait3A_43 = arith.constant 0 : i32
      %dma_wait3A_44 = arith.constant 0 : i32
      %dma_wait3A_45 = tpu.memref_slice %arg3[%add3A, %dma_wait3A_43, %dma_wait3A_44] : memref<32x80x128xi32, #tpu.memory_space<hbm>> -> memref<1x40x128xi32, #tpu.memory_space<hbm>>
      %dma_wait3A_46 = tpu.memref_squeeze %dma_wait3A_45 : memref<1x40x128xi32, #tpu.memory_space<hbm>> -> memref<40x128xi32, #tpu.memory_space<hbm>>
      tpu.wait_dma2 semaphore(%run_scoped3A : memref<!tpu.dma_semaphore, #tpu.memory_space<semaphore_mem>>) src(%dma_wait3A_46 : memref<40x128xi32, #tpu.memory_space<hbm>>) dst(%arg7 : memref<40x128xi32, #tpu.memory_space<vmem>>)
      tpu.yield
    }) : () -> ()
    "tpu.region"() ({
      %run_scoped3A = tpu.sem_alloc : memref<!tpu.dma_semaphore, #tpu.memory_space<semaphore_mem>>
      %dma_start3A_32 = arith.constant 0 : i32
      %dma_start3A_33 = arith.constant 0 : i32
      %dma_start3A_34 = tpu.memref_slice %arg4[%add3A, %dma_start3A_32, %dma_start3A_33] : memref<32x80x128xi32, #tpu.memory_space<hbm>> -> memref<1x40x128xi32, #tpu.memory_space<hbm>>
      %dma_start3A_35 = tpu.memref_squeeze %dma_start3A_34 : memref<1x40x128xi32, #tpu.memory_space<hbm>> -> memref<40x128xi32, #tpu.memory_space<hbm>>
      %dma_start3A_36 = arith.constant 0 : i32
      %dma_start3A_37 = arith.constant 0 : i32
      %dma_start3A_38 = tpu.memref_slice %arg4[%add3A, %dma_start3A_36, %dma_start3A_37] : memref<32x80x128xi32, #tpu.memory_space<hbm>> -> memref<1x40x128xi32, #tpu.memory_space<hbm>>
      %dma_start3A_39 = tpu.memref_squeeze %dma_start3A_38 : memref<1x40x128xi32, #tpu.memory_space<hbm>> -> memref<40x128xi32, #tpu.memory_space<hbm>>
      tpu.enqueue_dma source(%dma_start3A_39 : memref<40x128xi32, #tpu.memory_space<hbm>>) target(%arg8 : memref<40x128xi32, #tpu.memory_space<vmem>>) target_semaphore(%run_scoped3A : memref<!tpu.dma_semaphore, #tpu.memory_space<semaphore_mem>>)
      %dma_wait3A = arith.constant 0 : i32
      %dma_wait3A_40 = arith.constant 0 : i32
      %dma_wait3A_41 = tpu.memref_slice %arg4[%add3A, %dma_wait3A, %dma_wait3A_40] : memref<32x80x128xi32, #tpu.memory_space<hbm>> -> memref<1x40x128xi32, #tpu.memory_space<hbm>>
      %dma_wait3A_42 = tpu.memref_squeeze %dma_wait3A_41 : memref<1x40x128xi32, #tpu.memory_space<hbm>> -> memref<40x128xi32, #tpu.memory_space<hbm>>
      %dma_wait3A_43 = arith.constant 0 : i32
      %dma_wait3A_44 = arith.constant 0 : i32
      %dma_wait3A_45 = tpu.memref_slice %arg4[%add3A, %dma_wait3A_43, %dma_wait3A_44] : memref<32x80x128xi32, #tpu.memory_space<hbm>> -> memref<1x40x128xi32, #tpu.memory_space<hbm>>
      %dma_wait3A_46 = tpu.memref_squeeze %dma_wait3A_45 : memref<1x40x128xi32, #tpu.memory_space<hbm>> -> memref<40x128xi32, #tpu.memory_space<hbm>>
      tpu.wait_dma2 semaphore(%run_scoped3A : memref<!tpu.dma_semaphore, #tpu.memory_space<semaphore_mem>>) src(%dma_wait3A_46 : memref<40x128xi32, #tpu.memory_space<hbm>>) dst(%arg8 : memref<40x128xi32, #tpu.memory_space<vmem>>)
      tpu.yield
    }) : () -> ()
    %dma_start3A = arith.constant 0 : i32
    %dma_start3A_5 = arith.constant 0 : i32
    %dma_start3A_6 = tpu.memref_slice %arg7[%dma_start3A, %dma_start3A_5] : memref<40x128xi32, #tpu.memory_space<vmem>> -> memref<1x128xi32, #tpu.memory_space<vmem>>
    %dma_start3A_7 = tpu.memref_squeeze %dma_start3A_6 : memref<1x128xi32, #tpu.memory_space<vmem>> -> memref<128xi32, #tpu.memory_space<vmem>>
    %dma_start3A_8 = arith.constant 0 : i32
    %dma_start3A_9 = arith.constant 0 : i32
    %dma_start3A_10 = tpu.memref_slice %arg2[%dma_start3A_8, %dma_start3A_9] : memref<10240x128xf32, #tpu.memory_space<hbm>> -> memref<10240x128xf32, #tpu.memory_space<hbm>>
    tpu.enqueue_indirect_dma source(%dma_start3A_10 : memref<10240x128xf32, #tpu.memory_space<hbm>>) target(%arg9 : memref<128x128xf32, #tpu.memory_space<vmem>>) offsets(%dma_start3A_7 : memref<128xi32, #tpu.memory_space<vmem>>) semaphore(%arg12 : memref<!tpu.dma_semaphore, #tpu.memory_space<semaphore_mem>>)
    %scan3A = arith.constant 0 : i32
    %scan3A_11 = arith.constant 20 : i32
    %scan3A_12 = arith.addi %scan3A, %scan3A_11 : i32
    %scan3A_13 = arith.constant 1 : i32
    scf.for %scan3A_32 = %scan3A to %scan3A_12 step %scan3A_13  : i32 {
      %mul3A_33 = arith.constant 1 : i32
      %mul3A_34 = arith.muli %scan3A_32, %mul3A_33 : i32
      %add3A_35 = arith.constant 0 : i32
      %add3A_36 = arith.addi %add3A_35, %mul3A_34 : i32
      %mul3A_37 = arith.constant 2 : i32
      %mul3A_38 = arith.muli %mul3A_37, %add3A_36 : i32
      %add3A_39 = arith.constant 1 : i32
      %add3A_40 = arith.addi %mul3A_38, %add3A_39 : i32
      %dma_start3A_41 = arith.constant 0 : i32
      %dma_start3A_42 = tpu.memref_slice %arg7[%add3A_40, %dma_start3A_41] : memref<40x128xi32, #tpu.memory_space<vmem>> -> memref<1x128xi32, #tpu.memory_space<vmem>>
      %dma_start3A_43 = tpu.memref_squeeze %dma_start3A_42 : memref<1x128xi32, #tpu.memory_space<vmem>> -> memref<128xi32, #tpu.memory_space<vmem>>
      %dma_start3A_44 = arith.constant 0 : i32
      %dma_start3A_45 = arith.constant 0 : i32
      %dma_start3A_46 = tpu.memref_slice %arg2[%dma_start3A_44, %dma_start3A_45] : memref<10240x128xf32, #tpu.memory_space<hbm>> -> memref<10240x128xf32, #tpu.memory_space<hbm>>
      tpu.enqueue_indirect_dma source(%dma_start3A_46 : memref<10240x128xf32, #tpu.memory_space<hbm>>) target(%arg10 : memref<128x128xf32, #tpu.memory_space<vmem>>) offsets(%dma_start3A_43 : memref<128xi32, #tpu.memory_space<vmem>>) semaphore(%arg13 : memref<!tpu.dma_semaphore, #tpu.memory_space<semaphore_mem>>)
      %dma_wait3A = arith.constant 0 : i32
      %dma_wait3A_47 = tpu.memref_slice %arg7[%mul3A_38, %dma_wait3A] : memref<40x128xi32, #tpu.memory_space<vmem>> -> memref<1x128xi32, #tpu.memory_space<vmem>>
      %dma_wait3A_48 = tpu.memref_squeeze %dma_wait3A_47 : memref<1x128xi32, #tpu.memory_space<vmem>> -> memref<128xi32, #tpu.memory_space<vmem>>
      %dma_wait3A_49 = arith.constant 0 : i32
      %dma_wait3A_50 = arith.constant 0 : i32
      %dma_wait3A_51 = tpu.memref_slice %arg2[%dma_wait3A_49, %dma_wait3A_50] : memref<10240x128xf32, #tpu.memory_space<hbm>> -> memref<10240x128xf32, #tpu.memory_space<hbm>>
      tpu.wait_indirect_dma semaphore(%arg12 : memref<!tpu.dma_semaphore, #tpu.memory_space<semaphore_mem>>) src(%dma_wait3A_51 : memref<10240x128xf32, #tpu.memory_space<hbm>>) dst(%arg9 : memref<128x128xf32, #tpu.memory_space<vmem>>)
      "tpu.region"() ({
        %run_scoped3A = tpu.sem_alloc : memref<!tpu.dma_semaphore, #tpu.memory_space<semaphore_mem>>
        %dma_start3A_64 = arith.constant 0 : i32
        %dma_start3A_65 = tpu.memref_slice %arg8[%mul3A_38, %dma_start3A_64] : memref<40x128xi32, #tpu.memory_space<vmem>> -> memref<1x128xi32, #tpu.memory_space<vmem>>
        %dma_start3A_66 = tpu.memref_squeeze %dma_start3A_65 : memref<1x128xi32, #tpu.memory_space<vmem>> -> memref<128xi32, #tpu.memory_space<vmem>>
        %dma_start3A_67 = arith.constant 0 : i32
        %dma_start3A_68 = arith.constant 0 : i32
        %dma_start3A_69 = tpu.memref_slice %arg11[%dma_start3A_67, %dma_start3A_68] : memref<10240x128xf32, #tpu.memory_space<vmem_shared>> -> memref<10240x128xf32, #tpu.memory_space<vmem_shared>>
        tpu.enqueue_indirect_dma source(%arg9 : memref<128x128xf32, #tpu.memory_space<vmem>>) target(%dma_start3A_69 : memref<10240x128xf32, #tpu.memory_space<vmem_shared>>) offsets(%dma_start3A_66 : memref<128xi32, #tpu.memory_space<vmem>>) semaphore(%run_scoped3A : memref<!tpu.dma_semaphore, #tpu.memory_space<semaphore_mem>>) {add = true}
        %dma_wait3A_70 = arith.constant 0 : i32
        %dma_wait3A_71 = tpu.memref_slice %arg8[%mul3A_38, %dma_wait3A_70] : memref<40x128xi32, #tpu.memory_space<vmem>> -> memref<1x128xi32, #tpu.memory_space<vmem>>
        %dma_wait3A_72 = tpu.memref_squeeze %dma_wait3A_71 : memref<1x128xi32, #tpu.memory_space<vmem>> -> memref<128xi32, #tpu.memory_space<vmem>>
        %dma_wait3A_73 = arith.constant 0 : i32
        %dma_wait3A_74 = arith.constant 0 : i32
        %dma_wait3A_75 = tpu.memref_slice %arg11[%dma_wait3A_73, %dma_wait3A_74] : memref<10240x128xf32, #tpu.memory_space<vmem_shared>> -> memref<10240x128xf32, #tpu.memory_space<vmem_shared>>
        tpu.wait_indirect_dma semaphore(%run_scoped3A : memref<!tpu.dma_semaphore, #tpu.memory_space<semaphore_mem>>) src(%arg9 : memref<128x128xf32, #tpu.memory_space<vmem>>) dst(%dma_wait3A_75 : memref<10240x128xf32, #tpu.memory_space<vmem_shared>>)
        tpu.yield
      }) : () -> ()
      %lt3A = arith.constant 19 : i32
      %lt3A_52 = arith.cmpi slt, %add3A_36, %lt3A : i32
      %convert_element_type3A = arith.extui %lt3A_52 : i1 to i32
      %cond3A = arith.constant 0 : i32
      %cond3A_53 = arith.cmpi ne, %convert_element_type3A, %cond3A : i32
      scf.if %cond3A_53 {
        %add3A_64 = arith.constant 2 : i32
        %add3A_65 = arith.addi %mul3A_38, %add3A_64 : i32
        %dma_start3A_66 = arith.constant 0 : i32
        %dma_start3A_67 = tpu.memref_slice %arg7[%add3A_65, %dma_start3A_66] : memref<40x128xi32, #tpu.memory_space<vmem>> -> memref<1x128xi32, #tpu.memory_space<vmem>>
        %dma_start3A_68 = tpu.memref_squeeze %dma_start3A_67 : memref<1x128xi32, #tpu.memory_space<vmem>> -> memref<128xi32, #tpu.memory_space<vmem>>
        %dma_start3A_69 = arith.constant 0 : i32
        %dma_start3A_70 = arith.constant 0 : i32
        %dma_start3A_71 = tpu.memref_slice %arg2[%dma_start3A_69, %dma_start3A_70] : memref<10240x128xf32, #tpu.memory_space<hbm>> -> memref<10240x128xf32, #tpu.memory_space<hbm>>
        tpu.enqueue_indirect_dma source(%dma_start3A_71 : memref<10240x128xf32, #tpu.memory_space<hbm>>) target(%arg9 : memref<128x128xf32, #tpu.memory_space<vmem>>) offsets(%dma_start3A_68 : memref<128xi32, #tpu.memory_space<vmem>>) semaphore(%arg12 : memref<!tpu.dma_semaphore, #tpu.memory_space<semaphore_mem>>)
      } else {
      }
      %add3A_54 = arith.constant 1 : i32
      %add3A_55 = arith.addi %mul3A_38, %add3A_54 : i32
      %dma_wait3A_56 = arith.constant 0 : i32
      %dma_wait3A_57 = tpu.memref_slice %arg7[%add3A_55, %dma_wait3A_56] : memref<40x128xi32, #tpu.memory_space<vmem>> -> memref<1x128xi32, #tpu.memory_space<vmem>>
      %dma_wait3A_58 = tpu.memref_squeeze %dma_wait3A_57 : memref<1x128xi32, #tpu.memory_space<vmem>> -> memref<128xi32, #tpu.memory_space<vmem>>
      %dma_wait3A_59 = arith.constant 0 : i32
      %dma_wait3A_60 = arith.constant 0 : i32
      %dma_wait3A_61 = tpu.memref_slice %arg2[%dma_wait3A_59, %dma_wait3A_60] : memref<10240x128xf32, #tpu.memory_space<hbm>> -> memref<10240x128xf32, #tpu.memory_space<hbm>>
      tpu.wait_indirect_dma semaphore(%arg13 : memref<!tpu.dma_semaphore, #tpu.memory_space<semaphore_mem>>) src(%dma_wait3A_61 : memref<10240x128xf32, #tpu.memory_space<hbm>>) dst(%arg10 : memref<128x128xf32, #tpu.memory_space<vmem>>)
      %add3A_62 = arith.constant 1 : i32
      %add3A_63 = arith.addi %mul3A_38, %add3A_62 : i32
      "tpu.region"() ({
        %run_scoped3A = tpu.sem_alloc : memref<!tpu.dma_semaphore, #tpu.memory_space<semaphore_mem>>
        %dma_start3A_64 = arith.constant 0 : i32
        %dma_start3A_65 = tpu.memref_slice %arg8[%add3A_63, %dma_start3A_64] : memref<40x128xi32, #tpu.memory_space<vmem>> -> memref<1x128xi32, #tpu.memory_space<vmem>>
        %dma_start3A_66 = tpu.memref_squeeze %dma_start3A_65 : memref<1x128xi32, #tpu.memory_space<vmem>> -> memref<128xi32, #tpu.memory_space<vmem>>
        %dma_start3A_67 = arith.constant 0 : i32
        %dma_start3A_68 = arith.constant 0 : i32
        %dma_start3A_69 = tpu.memref_slice %arg11[%dma_start3A_67, %dma_start3A_68] : memref<10240x128xf32, #tpu.memory_space<vmem_shared>> -> memref<10240x128xf32, #tpu.memory_space<vmem_shared>>
        tpu.enqueue_indirect_dma source(%arg10 : memref<128x128xf32, #tpu.memory_space<vmem>>) target(%dma_start3A_69 : memref<10240x128xf32, #tpu.memory_space<vmem_shared>>) offsets(%dma_start3A_66 : memref<128xi32, #tpu.memory_space<vmem>>) semaphore(%run_scoped3A : memref<!tpu.dma_semaphore, #tpu.memory_space<semaphore_mem>>) {add = true}
        %dma_wait3A_70 = arith.constant 0 : i32
        %dma_wait3A_71 = tpu.memref_slice %arg8[%add3A_63, %dma_wait3A_70] : memref<40x128xi32, #tpu.memory_space<vmem>> -> memref<1x128xi32, #tpu.memory_space<vmem>>
        %dma_wait3A_72 = tpu.memref_squeeze %dma_wait3A_71 : memref<1x128xi32, #tpu.memory_space<vmem>> -> memref<128xi32, #tpu.memory_space<vmem>>
        %dma_wait3A_73 = arith.constant 0 : i32
        %dma_wait3A_74 = arith.constant 0 : i32
        %dma_wait3A_75 = tpu.memref_slice %arg11[%dma_wait3A_73, %dma_wait3A_74] : memref<10240x128xf32, #tpu.memory_space<vmem_shared>> -> memref<10240x128xf32, #tpu.memory_space<vmem_shared>>
        tpu.wait_indirect_dma semaphore(%run_scoped3A : memref<!tpu.dma_semaphore, #tpu.memory_space<semaphore_mem>>) src(%arg10 : memref<128x128xf32, #tpu.memory_space<vmem>>) dst(%dma_wait3A_75 : memref<10240x128xf32, #tpu.memory_space<vmem_shared>>)
        tpu.yield
      }) : () -> ()
    }
    %scan3A_14 = arith.constant 20 : i32
    "tpu.region"() ({
      %run_scoped3A = tpu.sem_alloc : memref<!tpu.dma_semaphore, #tpu.memory_space<semaphore_mem>>
      %dma_start3A_32 = arith.constant 40 : i32
      %dma_start3A_33 = arith.constant 0 : i32
      %dma_start3A_34 = tpu.memref_slice %arg3[%add3A, %dma_start3A_32, %dma_start3A_33] : memref<32x80x128xi32, #tpu.memory_space<hbm>> -> memref<1x40x128xi32, #tpu.memory_space<hbm>>
      %dma_start3A_35 = tpu.memref_squeeze %dma_start3A_34 : memref<1x40x128xi32, #tpu.memory_space<hbm>> -> memref<40x128xi32, #tpu.memory_space<hbm>>
      %dma_start3A_36 = arith.constant 40 : i32
      %dma_start3A_37 = arith.constant 0 : i32
      %dma_start3A_38 = tpu.memref_slice %arg3[%add3A, %dma_start3A_36, %dma_start3A_37] : memref<32x80x128xi32, #tpu.memory_space<hbm>> -> memref<1x40x128xi32, #tpu.memory_space<hbm>>
      %dma_start3A_39 = tpu.memref_squeeze %dma_start3A_38 : memref<1x40x128xi32, #tpu.memory_space<hbm>> -> memref<40x128xi32, #tpu.memory_space<hbm>>
      tpu.enqueue_dma source(%dma_start3A_39 : memref<40x128xi32, #tpu.memory_space<hbm>>) target(%arg7 : memref<40x128xi32, #tpu.memory_space<vmem>>) target_semaphore(%run_scoped3A : memref<!tpu.dma_semaphore, #tpu.memory_space<semaphore_mem>>)
      %dma_wait3A = arith.constant 40 : i32
      %dma_wait3A_40 = arith.constant 0 : i32
      %dma_wait3A_41 = tpu.memref_slice %arg3[%add3A, %dma_wait3A, %dma_wait3A_40] : memref<32x80x128xi32, #tpu.memory_space<hbm>> -> memref<1x40x128xi32, #tpu.memory_space<hbm>>
      %dma_wait3A_42 = tpu.memref_squeeze %dma_wait3A_41 : memref<1x40x128xi32, #tpu.memory_space<hbm>> -> memref<40x128xi32, #tpu.memory_space<hbm>>
      %dma_wait3A_43 = arith.constant 40 : i32
      %dma_wait3A_44 = arith.constant 0 : i32
      %dma_wait3A_45 = tpu.memref_slice %arg3[%add3A, %dma_wait3A_43, %dma_wait3A_44] : memref<32x80x128xi32, #tpu.memory_space<hbm>> -> memref<1x40x128xi32, #tpu.memory_space<hbm>>
      %dma_wait3A_46 = tpu.memref_squeeze %dma_wait3A_45 : memref<1x40x128xi32, #tpu.memory_space<hbm>> -> memref<40x128xi32, #tpu.memory_space<hbm>>
      tpu.wait_dma2 semaphore(%run_scoped3A : memref<!tpu.dma_semaphore, #tpu.memory_space<semaphore_mem>>) src(%dma_wait3A_46 : memref<40x128xi32, #tpu.memory_space<hbm>>) dst(%arg7 : memref<40x128xi32, #tpu.memory_space<vmem>>)
      tpu.yield
    }) : () -> ()
    "tpu.region"() ({
      %run_scoped3A = tpu.sem_alloc : memref<!tpu.dma_semaphore, #tpu.memory_space<semaphore_mem>>
      %dma_start3A_32 = arith.constant 40 : i32
      %dma_start3A_33 = arith.constant 0 : i32
      %dma_start3A_34 = tpu.memref_slice %arg4[%add3A, %dma_start3A_32, %dma_start3A_33] : memref<32x80x128xi32, #tpu.memory_space<hbm>> -> memref<1x40x128xi32, #tpu.memory_space<hbm>>
      %dma_start3A_35 = tpu.memref_squeeze %dma_start3A_34 : memref<1x40x128xi32, #tpu.memory_space<hbm>> -> memref<40x128xi32, #tpu.memory_space<hbm>>
      %dma_start3A_36 = arith.constant 40 : i32
      %dma_start3A_37 = arith.constant 0 : i32
      %dma_start3A_38 = tpu.memref_slice %arg4[%add3A, %dma_start3A_36, %dma_start3A_37] : memref<32x80x128xi32, #tpu.memory_space<hbm>> -> memref<1x40x128xi32, #tpu.memory_space<hbm>>
      %dma_start3A_39 = tpu.memref_squeeze %dma_start3A_38 : memref<1x40x128xi32, #tpu.memory_space<hbm>> -> memref<40x128xi32, #tpu.memory_space<hbm>>
      tpu.enqueue_dma source(%dma_start3A_39 : memref<40x128xi32, #tpu.memory_space<hbm>>) target(%arg8 : memref<40x128xi32, #tpu.memory_space<vmem>>) target_semaphore(%run_scoped3A : memref<!tpu.dma_semaphore, #tpu.memory_space<semaphore_mem>>)
      %dma_wait3A = arith.constant 40 : i32
      %dma_wait3A_40 = arith.constant 0 : i32
      %dma_wait3A_41 = tpu.memref_slice %arg4[%add3A, %dma_wait3A, %dma_wait3A_40] : memref<32x80x128xi32, #tpu.memory_space<hbm>> -> memref<1x40x128xi32, #tpu.memory_space<hbm>>
      %dma_wait3A_42 = tpu.memref_squeeze %dma_wait3A_41 : memref<1x40x128xi32, #tpu.memory_space<hbm>> -> memref<40x128xi32, #tpu.memory_space<hbm>>
      %dma_wait3A_43 = arith.constant 40 : i32
      %dma_wait3A_44 = arith.constant 0 : i32
      %dma_wait3A_45 = tpu.memref_slice %arg4[%add3A, %dma_wait3A_43, %dma_wait3A_44] : memref<32x80x128xi32, #tpu.memory_space<hbm>> -> memref<1x40x128xi32, #tpu.memory_space<hbm>>
      %dma_wait3A_46 = tpu.memref_squeeze %dma_wait3A_45 : memref<1x40x128xi32, #tpu.memory_space<hbm>> -> memref<40x128xi32, #tpu.memory_space<hbm>>
      tpu.wait_dma2 semaphore(%run_scoped3A : memref<!tpu.dma_semaphore, #tpu.memory_space<semaphore_mem>>) src(%dma_wait3A_46 : memref<40x128xi32, #tpu.memory_space<hbm>>) dst(%arg8 : memref<40x128xi32, #tpu.memory_space<vmem>>)
      tpu.yield
    }) : () -> ()
    %dma_start3A_15 = arith.constant 0 : i32
    %dma_start3A_16 = arith.constant 0 : i32
    %dma_start3A_17 = tpu.memref_slice %arg7[%dma_start3A_15, %dma_start3A_16] : memref<40x128xi32, #tpu.memory_space<vmem>> -> memref<1x128xi32, #tpu.memory_space<vmem>>
    %dma_start3A_18 = tpu.memref_squeeze %dma_start3A_17 : memref<1x128xi32, #tpu.memory_space<vmem>> -> memref<128xi32, #tpu.memory_space<vmem>>
    %dma_start3A_19 = arith.constant 0 : i32
    %dma_start3A_20 = arith.constant 0 : i32
    %dma_start3A_21 = tpu.memref_slice %arg2[%dma_start3A_19, %dma_start3A_20] : memref<10240x128xf32, #tpu.memory_space<hbm>> -> memref<10240x128xf32, #tpu.memory_space<hbm>>
    tpu.enqueue_indirect_dma source(%dma_start3A_21 : memref<10240x128xf32, #tpu.memory_space<hbm>>) target(%arg9 : memref<128x128xf32, #tpu.memory_space<vmem>>) offsets(%dma_start3A_18 : memref<128xi32, #tpu.memory_space<vmem>>) semaphore(%arg12 : memref<!tpu.dma_semaphore, #tpu.memory_space<semaphore_mem>>)
    %scan3A_22 = arith.constant 0 : i32
    %scan3A_23 = arith.constant 20 : i32
    %scan3A_24 = arith.addi %scan3A_22, %scan3A_23 : i32
    %scan3A_25 = arith.constant 1 : i32
    scf.for %scan3A_32 = %scan3A_22 to %scan3A_24 step %scan3A_25  : i32 {
      %mul3A_33 = arith.constant 1 : i32
      %mul3A_34 = arith.muli %scan3A_32, %mul3A_33 : i32
      %add3A_35 = arith.constant 0 : i32
      %add3A_36 = arith.addi %add3A_35, %mul3A_34 : i32
      %mul3A_37 = arith.constant 2 : i32
      %mul3A_38 = arith.muli %mul3A_37, %add3A_36 : i32
      %add3A_39 = arith.constant 1 : i32
      %add3A_40 = arith.addi %mul3A_38, %add3A_39 : i32
      %dma_start3A_41 = arith.constant 0 : i32
      %dma_start3A_42 = tpu.memref_slice %arg7[%add3A_40, %dma_start3A_41] : memref<40x128xi32, #tpu.memory_space<vmem>> -> memref<1x128xi32, #tpu.memory_space<vmem>>
      %dma_start3A_43 = tpu.memref_squeeze %dma_start3A_42 : memref<1x128xi32, #tpu.memory_space<vmem>> -> memref<128xi32, #tpu.memory_space<vmem>>
      %dma_start3A_44 = arith.constant 0 : i32
      %dma_start3A_45 = arith.constant 0 : i32
      %dma_start3A_46 = tpu.memref_slice %arg2[%dma_start3A_44, %dma_start3A_45] : memref<10240x128xf32, #tpu.memory_space<hbm>> -> memref<10240x128xf32, #tpu.memory_space<hbm>>
      tpu.enqueue_indirect_dma source(%dma_start3A_46 : memref<10240x128xf32, #tpu.memory_space<hbm>>) target(%arg10 : memref<128x128xf32, #tpu.memory_space<vmem>>) offsets(%dma_start3A_43 : memref<128xi32, #tpu.memory_space<vmem>>) semaphore(%arg13 : memref<!tpu.dma_semaphore, #tpu.memory_space<semaphore_mem>>)
      %dma_wait3A = arith.constant 0 : i32
      %dma_wait3A_47 = tpu.memref_slice %arg7[%mul3A_38, %dma_wait3A] : memref<40x128xi32, #tpu.memory_space<vmem>> -> memref<1x128xi32, #tpu.memory_space<vmem>>
      %dma_wait3A_48 = tpu.memref_squeeze %dma_wait3A_47 : memref<1x128xi32, #tpu.memory_space<vmem>> -> memref<128xi32, #tpu.memory_space<vmem>>
      %dma_wait3A_49 = arith.constant 0 : i32
      %dma_wait3A_50 = arith.constant 0 : i32
      %dma_wait3A_51 = tpu.memref_slice %arg2[%dma_wait3A_49, %dma_wait3A_50] : memref<10240x128xf32, #tpu.memory_space<hbm>> -> memref<10240x128xf32, #tpu.memory_space<hbm>>
      tpu.wait_indirect_dma semaphore(%arg12 : memref<!tpu.dma_semaphore, #tpu.memory_space<semaphore_mem>>) src(%dma_wait3A_51 : memref<10240x128xf32, #tpu.memory_space<hbm>>) dst(%arg9 : memref<128x128xf32, #tpu.memory_space<vmem>>)
      "tpu.region"() ({
        %run_scoped3A = tpu.sem_alloc : memref<!tpu.dma_semaphore, #tpu.memory_space<semaphore_mem>>
        %dma_start3A_64 = arith.constant 0 : i32
        %dma_start3A_65 = tpu.memref_slice %arg8[%mul3A_38, %dma_start3A_64] : memref<40x128xi32, #tpu.memory_space<vmem>> -> memref<1x128xi32, #tpu.memory_space<vmem>>
        %dma_start3A_66 = tpu.memref_squeeze %dma_start3A_65 : memref<1x128xi32, #tpu.memory_space<vmem>> -> memref<128xi32, #tpu.memory_space<vmem>>
        %dma_start3A_67 = arith.constant 0 : i32
        %dma_start3A_68 = arith.constant 0 : i32
        %dma_start3A_69 = tpu.memref_slice %arg11[%dma_start3A_67, %dma_start3A_68] : memref<10240x128xf32, #tpu.memory_space<vmem_shared>> -> memref<10240x128xf32, #tpu.memory_space<vmem_shared>>
        tpu.enqueue_indirect_dma source(%arg9 : memref<128x128xf32, #tpu.memory_space<vmem>>) target(%dma_start3A_69 : memref<10240x128xf32, #tpu.memory_space<vmem_shared>>) offsets(%dma_start3A_66 : memref<128xi32, #tpu.memory_space<vmem>>) semaphore(%run_scoped3A : memref<!tpu.dma_semaphore, #tpu.memory_space<semaphore_mem>>) {add = true}
        %dma_wait3A_70 = arith.constant 0 : i32
        %dma_wait3A_71 = tpu.memref_slice %arg8[%mul3A_38, %dma_wait3A_70] : memref<40x128xi32, #tpu.memory_space<vmem>> -> memref<1x128xi32, #tpu.memory_space<vmem>>
        %dma_wait3A_72 = tpu.memref_squeeze %dma_wait3A_71 : memref<1x128xi32, #tpu.memory_space<vmem>> -> memref<128xi32, #tpu.memory_space<vmem>>
        %dma_wait3A_73 = arith.constant 0 : i32
        %dma_wait3A_74 = arith.constant 0 : i32
        %dma_wait3A_75 = tpu.memref_slice %arg11[%dma_wait3A_73, %dma_wait3A_74] : memref<10240x128xf32, #tpu.memory_space<vmem_shared>> -> memref<10240x128xf32, #tpu.memory_space<vmem_shared>>
        tpu.wait_indirect_dma semaphore(%run_scoped3A : memref<!tpu.dma_semaphore, #tpu.memory_space<semaphore_mem>>) src(%arg9 : memref<128x128xf32, #tpu.memory_space<vmem>>) dst(%dma_wait3A_75 : memref<10240x128xf32, #tpu.memory_space<vmem_shared>>)
        tpu.yield
      }) : () -> ()
      %lt3A = arith.constant 19 : i32
      %lt3A_52 = arith.cmpi slt, %add3A_36, %lt3A : i32
      %convert_element_type3A = arith.extui %lt3A_52 : i1 to i32
      %cond3A = arith.constant 0 : i32
      %cond3A_53 = arith.cmpi ne, %convert_element_type3A, %cond3A : i32
      scf.if %cond3A_53 {
        %add3A_64 = arith.constant 2 : i32
        %add3A_65 = arith.addi %mul3A_38, %add3A_64 : i32
        %dma_start3A_66 = arith.constant 0 : i32
        %dma_start3A_67 = tpu.memref_slice %arg7[%add3A_65, %dma_start3A_66] : memref<40x128xi32, #tpu.memory_space<vmem>> -> memref<1x128xi32, #tpu.memory_space<vmem>>
        %dma_start3A_68 = tpu.memref_squeeze %dma_start3A_67 : memref<1x128xi32, #tpu.memory_space<vmem>> -> memref<128xi32, #tpu.memory_space<vmem>>
        %dma_start3A_69 = arith.constant 0 : i32
        %dma_start3A_70 = arith.constant 0 : i32
        %dma_start3A_71 = tpu.memref_slice %arg2[%dma_start3A_69, %dma_start3A_70] : memref<10240x128xf32, #tpu.memory_space<hbm>> -> memref<10240x128xf32, #tpu.memory_space<hbm>>
        tpu.enqueue_indirect_dma source(%dma_start3A_71 : memref<10240x128xf32, #tpu.memory_space<hbm>>) target(%arg9 : memref<128x128xf32, #tpu.memory_space<vmem>>) offsets(%dma_start3A_68 : memref<128xi32, #tpu.memory_space<vmem>>) semaphore(%arg12 : memref<!tpu.dma_semaphore, #tpu.memory_space<semaphore_mem>>)
      } else {
      }
      %add3A_54 = arith.constant 1 : i32
      %add3A_55 = arith.addi %mul3A_38, %add3A_54 : i32
      %dma_wait3A_56 = arith.constant 0 : i32
      %dma_wait3A_57 = tpu.memref_slice %arg7[%add3A_55, %dma_wait3A_56] : memref<40x128xi32, #tpu.memory_space<vmem>> -> memref<1x128xi32, #tpu.memory_space<vmem>>
      %dma_wait3A_58 = tpu.memref_squeeze %dma_wait3A_57 : memref<1x128xi32, #tpu.memory_space<vmem>> -> memref<128xi32, #tpu.memory_space<vmem>>
      %dma_wait3A_59 = arith.constant 0 : i32
      %dma_wait3A_60 = arith.constant 0 : i32
      %dma_wait3A_61 = tpu.memref_slice %arg2[%dma_wait3A_59, %dma_wait3A_60] : memref<10240x128xf32, #tpu.memory_space<hbm>> -> memref<10240x128xf32, #tpu.memory_space<hbm>>
      tpu.wait_indirect_dma semaphore(%arg13 : memref<!tpu.dma_semaphore, #tpu.memory_space<semaphore_mem>>) src(%dma_wait3A_61 : memref<10240x128xf32, #tpu.memory_space<hbm>>) dst(%arg10 : memref<128x128xf32, #tpu.memory_space<vmem>>)
      %add3A_62 = arith.constant 1 : i32
      %add3A_63 = arith.addi %mul3A_38, %add3A_62 : i32
      "tpu.region"() ({
        %run_scoped3A = tpu.sem_alloc : memref<!tpu.dma_semaphore, #tpu.memory_space<semaphore_mem>>
        %dma_start3A_64 = arith.constant 0 : i32
        %dma_start3A_65 = tpu.memref_slice %arg8[%add3A_63, %dma_start3A_64] : memref<40x128xi32, #tpu.memory_space<vmem>> -> memref<1x128xi32, #tpu.memory_space<vmem>>
        %dma_start3A_66 = tpu.memref_squeeze %dma_start3A_65 : memref<1x128xi32, #tpu.memory_space<vmem>> -> memref<128xi32, #tpu.memory_space<vmem>>
        %dma_start3A_67 = arith.constant 0 : i32
        %dma_start3A_68 = arith.constant 0 : i32
        %dma_start3A_69 = tpu.memref_slice %arg11[%dma_start3A_67, %dma_start3A_68] : memref<10240x128xf32, #tpu.memory_space<vmem_shared>> -> memref<10240x128xf32, #tpu.memory_space<vmem_shared>>
        tpu.enqueue_indirect_dma source(%arg10 : memref<128x128xf32, #tpu.memory_space<vmem>>) target(%dma_start3A_69 : memref<10240x128xf32, #tpu.memory_space<vmem_shared>>) offsets(%dma_start3A_66 : memref<128xi32, #tpu.memory_space<vmem>>) semaphore(%run_scoped3A : memref<!tpu.dma_semaphore, #tpu.memory_space<semaphore_mem>>) {add = true}
        %dma_wait3A_70 = arith.constant 0 : i32
        %dma_wait3A_71 = tpu.memref_slice %arg8[%add3A_63, %dma_wait3A_70] : memref<40x128xi32, #tpu.memory_space<vmem>> -> memref<1x128xi32, #tpu.memory_space<vmem>>
        %dma_wait3A_72 = tpu.memref_squeeze %dma_wait3A_71 : memref<1x128xi32, #tpu.memory_space<vmem>> -> memref<128xi32, #tpu.memory_space<vmem>>
        %dma_wait3A_73 = arith.constant 0 : i32
        %dma_wait3A_74 = arith.constant 0 : i32
        %dma_wait3A_75 = tpu.memref_slice %arg11[%dma_wait3A_73, %dma_wait3A_74] : memref<10240x128xf32, #tpu.memory_space<vmem_shared>> -> memref<10240x128xf32, #tpu.memory_space<vmem_shared>>
        tpu.wait_indirect_dma semaphore(%run_scoped3A : memref<!tpu.dma_semaphore, #tpu.memory_space<semaphore_mem>>) src(%arg10 : memref<128x128xf32, #tpu.memory_space<vmem>>) dst(%dma_wait3A_75 : memref<10240x128xf32, #tpu.memory_space<vmem_shared>>)
        tpu.yield
      }) : () -> ()
    }
    %scan3A_26 = arith.constant 20 : i32
    %barrier3A_27 = arith.constant 0 : index
    tpu.barrier barrier_id(%barrier3A_27)
    %mul3A_28 = arith.constant 640 : i32
    %mul3A_29 = arith.muli %arg1, %mul3A_28 : i32
    %mul3A_30 = arith.constant 640 : i32
    %mul3A_31 = arith.muli %arg1, %mul3A_30 : i32
    "tpu.region"() ({
      %run_scoped3A = tpu.sem_alloc : memref<!tpu.dma_semaphore, #tpu.memory_space<semaphore_mem>>
      %dma_start3A_32 = arith.constant 0 : i32
      %dma_start3A_33 = tpu.memref_slice %arg6[%arg0, %mul3A_31, %dma_start3A_32] : memref<2x10240x128xf32, #tpu.memory_space<hbm>> -> memref<1x640x128xf32, #tpu.memory_space<hbm>>
      %dma_start3A_34 = tpu.memref_squeeze %dma_start3A_33 : memref<1x640x128xf32, #tpu.memory_space<hbm>> -> memref<640x128xf32, #tpu.memory_space<hbm>>
      %dma_start3A_35 = arith.constant 0 : i32
      %dma_start3A_36 = tpu.memref_slice %arg11[%mul3A_29, %dma_start3A_35] : memref<10240x128xf32, #tpu.memory_space<vmem_shared>> -> memref<640x128xf32, #tpu.memory_space<vmem_shared>>
      tpu.enqueue_dma source(%dma_start3A_36 : memref<640x128xf32, #tpu.memory_space<vmem_shared>>) target(%dma_start3A_34 : memref<640x128xf32, #tpu.memory_space<hbm>>) target_semaphore(%run_scoped3A : memref<!tpu.dma_semaphore, #tpu.memory_space<semaphore_mem>>)
      %dma_wait3A = arith.constant 0 : i32
      %dma_wait3A_37 = tpu.memref_slice %arg6[%arg0, %mul3A_31, %dma_wait3A] : memref<2x10240x128xf32, #tpu.memory_space<hbm>> -> memref<1x640x128xf32, #tpu.memory_space<hbm>>
      %dma_wait3A_38 = tpu.memref_squeeze %dma_wait3A_37 : memref<1x640x128xf32, #tpu.memory_space<hbm>> -> memref<640x128xf32, #tpu.memory_space<hbm>>
      %dma_wait3A_39 = arith.constant 0 : i32
      %dma_wait3A_40 = tpu.memref_slice %arg11[%mul3A_29, %dma_wait3A_39] : memref<10240x128xf32, #tpu.memory_space<vmem_shared>> -> memref<640x128xf32, #tpu.memory_space<vmem_shared>>
      tpu.wait_dma2 semaphore(%run_scoped3A : memref<!tpu.dma_semaphore, #tpu.memory_space<semaphore_mem>>) src(%dma_wait3A_40 : memref<640x128xf32, #tpu.memory_space<vmem_shared>>) dst(%dma_wait3A_38 : memref<640x128xf32, #tpu.memory_space<hbm>>)
      tpu.yield
    }) : () -> ()
    return
  }
}

#map = affine_map<(d0, d1) -> (0, 0)>
#map1 = affine_map<(d0, d1) -> (0, 0, 0)>
module attributes {stable_mosaic.version = 14 : i64} {
  func.func @_sc_agg(%arg0: i32, %arg1: i32, %arg2: memref<10240x128xf32, #tpu.memory_space<hbm>>, %arg3: memref<32x80x128xi32, #tpu.memory_space<hbm>>, %arg4: memref<32x80x128xi32, #tpu.memory_space<hbm>>, %arg5: memref<10240x128xf32, #tpu.memory_space<hbm>>, %arg6: memref<2x10240x128xf32, #tpu.memory_space<hbm>>, %arg7: memref<40x128xi32, #tpu.memory_space<vmem>>, %arg8: memref<40x128xi32, #tpu.memory_space<vmem>>, %arg9: memref<128x128xf32, #tpu.memory_space<vmem>>, %arg10: memref<128x128xf32, #tpu.memory_space<vmem>>, %arg11: memref<10240x128xf32, #tpu.memory_space<vmem_shared>>, %arg12: memref<!tpu.dma_semaphore, #tpu.memory_space<semaphore_mem>>, %arg13: memref<!tpu.dma_semaphore, #tpu.memory_space<semaphore_mem>>) attributes {dimension_semantics = [#tpu.dimension_semantics<core_parallel>, #tpu.dimension_semantics<subcore_parallel>], iteration_bounds = array<i64: 2, 16>, scalar_prefetch = 0 : i64, scratch_operands = 7 : i64, tpu.core_type = #tpu.core_type<sc_vector_subcore>, window_params = [{transform_indices = #map}, {transform_indices = #map1}, {transform_indices = #map1}, {transform_indices = #map}, {transform_indices = #map1}]} {
    %mul3A = arith.constant 16 : i32
    %mul3A_0 = arith.muli %arg0, %mul3A : i32
    %add3A = arith.addi %mul3A_0, %arg1 : i32
    %mul3A_1 = arith.constant 640 : i32
    %mul3A_2 = arith.muli %arg1, %mul3A_1 : i32
    %mul3A_3 = arith.constant 640 : i32
    %mul3A_4 = arith.muli %arg1, %mul3A_3 : i32
    "tpu.region"() ({
      %run_scoped3A = tpu.sem_alloc : memref<!tpu.dma_semaphore, #tpu.memory_space<semaphore_mem>>
      %dma_start3A_32 = arith.constant 0 : i32
      %dma_start3A_33 = tpu.memref_slice %arg11[%mul3A_4, %dma_start3A_32] : memref<10240x128xf32, #tpu.memory_space<vmem_shared>> -> memref<640x128xf32, #tpu.memory_space<vmem_shared>>
      %dma_start3A_34 = arith.constant 0 : i32
      %dma_start3A_35 = tpu.memref_slice %arg5[%mul3A_2, %dma_start3A_34] : memref<10240x128xf32, #tpu.memory_space<hbm>> -> memref<640x128xf32, #tpu.memory_space<hbm>>
      tpu.enqueue_dma source(%dma_start3A_35 : memref<640x128xf32, #tpu.memory_space<hbm>>) target(%dma_start3A_33 : memref<640x128xf32, #tpu.memory_space<vmem_shared>>) target_semaphore(%run_scoped3A : memref<!tpu.dma_semaphore, #tpu.memory_space<semaphore_mem>>)
      %dma_wait3A = arith.constant 0 : i32
      %dma_wait3A_36 = tpu.memref_slice %arg11[%mul3A_4, %dma_wait3A] : memref<10240x128xf32, #tpu.memory_space<vmem_shared>> -> memref<640x128xf32, #tpu.memory_space<vmem_shared>>
      %dma_wait3A_37 = arith.constant 0 : i32
      %dma_wait3A_38 = tpu.memref_slice %arg5[%mul3A_2, %dma_wait3A_37] : memref<10240x128xf32, #tpu.memory_space<hbm>> -> memref<640x128xf32, #tpu.memory_space<hbm>>
      tpu.wait_dma2 semaphore(%run_scoped3A : memref<!tpu.dma_semaphore, #tpu.memory_space<semaphore_mem>>) src(%dma_wait3A_38 : memref<640x128xf32, #tpu.memory_space<hbm>>) dst(%dma_wait3A_36 : memref<640x128xf32, #tpu.memory_space<vmem_shared>>)
      tpu.yield
    }) : () -> ()
    %barrier3A = arith.constant 0 : index
    tpu.barrier barrier_id(%barrier3A)
    "tpu.region"() ({
      %run_scoped3A = tpu.sem_alloc : memref<!tpu.dma_semaphore, #tpu.memory_space<semaphore_mem>>
      %dma_start3A_32 = arith.constant 0 : i32
      %dma_start3A_33 = arith.constant 0 : i32
      %dma_start3A_34 = tpu.memref_slice %arg3[%add3A, %dma_start3A_32, %dma_start3A_33] : memref<32x80x128xi32, #tpu.memory_space<hbm>> -> memref<1x40x128xi32, #tpu.memory_space<hbm>>
      %dma_start3A_35 = tpu.memref_squeeze %dma_start3A_34 : memref<1x40x128xi32, #tpu.memory_space<hbm>> -> memref<40x128xi32, #tpu.memory_space<hbm>>
      %dma_start3A_36 = arith.constant 0 : i32
      %dma_start3A_37 = arith.constant 0 : i32
      %dma_start3A_38 = tpu.memref_slice %arg3[%add3A, %dma_start3A_36, %dma_start3A_37] : memref<32x80x128xi32, #tpu.memory_space<hbm>> -> memref<1x40x128xi32, #tpu.memory_space<hbm>>
      %dma_start3A_39 = tpu.memref_squeeze %dma_start3A_38 : memref<1x40x128xi32, #tpu.memory_space<hbm>> -> memref<40x128xi32, #tpu.memory_space<hbm>>
      tpu.enqueue_dma source(%dma_start3A_39 : memref<40x128xi32, #tpu.memory_space<hbm>>) target(%arg7 : memref<40x128xi32, #tpu.memory_space<vmem>>) target_semaphore(%run_scoped3A : memref<!tpu.dma_semaphore, #tpu.memory_space<semaphore_mem>>)
      %dma_wait3A = arith.constant 0 : i32
      %dma_wait3A_40 = arith.constant 0 : i32
      %dma_wait3A_41 = tpu.memref_slice %arg3[%add3A, %dma_wait3A, %dma_wait3A_40] : memref<32x80x128xi32, #tpu.memory_space<hbm>> -> memref<1x40x128xi32, #tpu.memory_space<hbm>>
      %dma_wait3A_42 = tpu.memref_squeeze %dma_wait3A_41 : memref<1x40x128xi32, #tpu.memory_space<hbm>> -> memref<40x128xi32, #tpu.memory_space<hbm>>
      %dma_wait3A_43 = arith.constant 0 : i32
      %dma_wait3A_44 = arith.constant 0 : i32
      %dma_wait3A_45 = tpu.memref_slice %arg3[%add3A, %dma_wait3A_43, %dma_wait3A_44] : memref<32x80x128xi32, #tpu.memory_space<hbm>> -> memref<1x40x128xi32, #tpu.memory_space<hbm>>
      %dma_wait3A_46 = tpu.memref_squeeze %dma_wait3A_45 : memref<1x40x128xi32, #tpu.memory_space<hbm>> -> memref<40x128xi32, #tpu.memory_space<hbm>>
      tpu.wait_dma2 semaphore(%run_scoped3A : memref<!tpu.dma_semaphore, #tpu.memory_space<semaphore_mem>>) src(%dma_wait3A_46 : memref<40x128xi32, #tpu.memory_space<hbm>>) dst(%arg7 : memref<40x128xi32, #tpu.memory_space<vmem>>)
      tpu.yield
    }) : () -> ()
    "tpu.region"() ({
      %run_scoped3A = tpu.sem_alloc : memref<!tpu.dma_semaphore, #tpu.memory_space<semaphore_mem>>
      %dma_start3A_32 = arith.constant 0 : i32
      %dma_start3A_33 = arith.constant 0 : i32
      %dma_start3A_34 = tpu.memref_slice %arg4[%add3A, %dma_start3A_32, %dma_start3A_33] : memref<32x80x128xi32, #tpu.memory_space<hbm>> -> memref<1x40x128xi32, #tpu.memory_space<hbm>>
      %dma_start3A_35 = tpu.memref_squeeze %dma_start3A_34 : memref<1x40x128xi32, #tpu.memory_space<hbm>> -> memref<40x128xi32, #tpu.memory_space<hbm>>
      %dma_start3A_36 = arith.constant 0 : i32
      %dma_start3A_37 = arith.constant 0 : i32
      %dma_start3A_38 = tpu.memref_slice %arg4[%add3A, %dma_start3A_36, %dma_start3A_37] : memref<32x80x128xi32, #tpu.memory_space<hbm>> -> memref<1x40x128xi32, #tpu.memory_space<hbm>>
      %dma_start3A_39 = tpu.memref_squeeze %dma_start3A_38 : memref<1x40x128xi32, #tpu.memory_space<hbm>> -> memref<40x128xi32, #tpu.memory_space<hbm>>
      tpu.enqueue_dma source(%dma_start3A_39 : memref<40x128xi32, #tpu.memory_space<hbm>>) target(%arg8 : memref<40x128xi32, #tpu.memory_space<vmem>>) target_semaphore(%run_scoped3A : memref<!tpu.dma_semaphore, #tpu.memory_space<semaphore_mem>>)
      %dma_wait3A = arith.constant 0 : i32
      %dma_wait3A_40 = arith.constant 0 : i32
      %dma_wait3A_41 = tpu.memref_slice %arg4[%add3A, %dma_wait3A, %dma_wait3A_40] : memref<32x80x128xi32, #tpu.memory_space<hbm>> -> memref<1x40x128xi32, #tpu.memory_space<hbm>>
      %dma_wait3A_42 = tpu.memref_squeeze %dma_wait3A_41 : memref<1x40x128xi32, #tpu.memory_space<hbm>> -> memref<40x128xi32, #tpu.memory_space<hbm>>
      %dma_wait3A_43 = arith.constant 0 : i32
      %dma_wait3A_44 = arith.constant 0 : i32
      %dma_wait3A_45 = tpu.memref_slice %arg4[%add3A, %dma_wait3A_43, %dma_wait3A_44] : memref<32x80x128xi32, #tpu.memory_space<hbm>> -> memref<1x40x128xi32, #tpu.memory_space<hbm>>
      %dma_wait3A_46 = tpu.memref_squeeze %dma_wait3A_45 : memref<1x40x128xi32, #tpu.memory_space<hbm>> -> memref<40x128xi32, #tpu.memory_space<hbm>>
      tpu.wait_dma2 semaphore(%run_scoped3A : memref<!tpu.dma_semaphore, #tpu.memory_space<semaphore_mem>>) src(%dma_wait3A_46 : memref<40x128xi32, #tpu.memory_space<hbm>>) dst(%arg8 : memref<40x128xi32, #tpu.memory_space<vmem>>)
      tpu.yield
    }) : () -> ()
    %dma_start3A = arith.constant 0 : i32
    %dma_start3A_5 = arith.constant 0 : i32
    %dma_start3A_6 = tpu.memref_slice %arg7[%dma_start3A, %dma_start3A_5] : memref<40x128xi32, #tpu.memory_space<vmem>> -> memref<1x128xi32, #tpu.memory_space<vmem>>
    %dma_start3A_7 = tpu.memref_squeeze %dma_start3A_6 : memref<1x128xi32, #tpu.memory_space<vmem>> -> memref<128xi32, #tpu.memory_space<vmem>>
    %dma_start3A_8 = arith.constant 0 : i32
    %dma_start3A_9 = arith.constant 0 : i32
    %dma_start3A_10 = tpu.memref_slice %arg2[%dma_start3A_8, %dma_start3A_9] : memref<10240x128xf32, #tpu.memory_space<hbm>> -> memref<10240x128xf32, #tpu.memory_space<hbm>>
    tpu.enqueue_indirect_dma source(%dma_start3A_10 : memref<10240x128xf32, #tpu.memory_space<hbm>>) target(%arg9 : memref<128x128xf32, #tpu.memory_space<vmem>>) offsets(%dma_start3A_7 : memref<128xi32, #tpu.memory_space<vmem>>) semaphore(%arg12 : memref<!tpu.dma_semaphore, #tpu.memory_space<semaphore_mem>>)
    %scan3A = arith.constant 0 : i32
    %scan3A_11 = arith.constant 20 : i32
    %scan3A_12 = arith.addi %scan3A, %scan3A_11 : i32
    %scan3A_13 = arith.constant 1 : i32
    scf.for %scan3A_32 = %scan3A to %scan3A_12 step %scan3A_13  : i32 {
      %mul3A_33 = arith.constant 1 : i32
      %mul3A_34 = arith.muli %scan3A_32, %mul3A_33 : i32
      %add3A_35 = arith.constant 0 : i32
      %add3A_36 = arith.addi %add3A_35, %mul3A_34 : i32
      %mul3A_37 = arith.constant 2 : i32
      %mul3A_38 = arith.muli %mul3A_37, %add3A_36 : i32
      %add3A_39 = arith.constant 1 : i32
      %add3A_40 = arith.addi %mul3A_38, %add3A_39 : i32
      %dma_start3A_41 = arith.constant 0 : i32
      %dma_start3A_42 = tpu.memref_slice %arg7[%add3A_40, %dma_start3A_41] : memref<40x128xi32, #tpu.memory_space<vmem>> -> memref<1x128xi32, #tpu.memory_space<vmem>>
      %dma_start3A_43 = tpu.memref_squeeze %dma_start3A_42 : memref<1x128xi32, #tpu.memory_space<vmem>> -> memref<128xi32, #tpu.memory_space<vmem>>
      %dma_start3A_44 = arith.constant 0 : i32
      %dma_start3A_45 = arith.constant 0 : i32
      %dma_start3A_46 = tpu.memref_slice %arg2[%dma_start3A_44, %dma_start3A_45] : memref<10240x128xf32, #tpu.memory_space<hbm>> -> memref<10240x128xf32, #tpu.memory_space<hbm>>
      tpu.enqueue_indirect_dma source(%dma_start3A_46 : memref<10240x128xf32, #tpu.memory_space<hbm>>) target(%arg10 : memref<128x128xf32, #tpu.memory_space<vmem>>) offsets(%dma_start3A_43 : memref<128xi32, #tpu.memory_space<vmem>>) semaphore(%arg13 : memref<!tpu.dma_semaphore, #tpu.memory_space<semaphore_mem>>)
      %dma_wait3A = arith.constant 0 : i32
      %dma_wait3A_47 = tpu.memref_slice %arg7[%mul3A_38, %dma_wait3A] : memref<40x128xi32, #tpu.memory_space<vmem>> -> memref<1x128xi32, #tpu.memory_space<vmem>>
      %dma_wait3A_48 = tpu.memref_squeeze %dma_wait3A_47 : memref<1x128xi32, #tpu.memory_space<vmem>> -> memref<128xi32, #tpu.memory_space<vmem>>
      %dma_wait3A_49 = arith.constant 0 : i32
      %dma_wait3A_50 = arith.constant 0 : i32
      %dma_wait3A_51 = tpu.memref_slice %arg2[%dma_wait3A_49, %dma_wait3A_50] : memref<10240x128xf32, #tpu.memory_space<hbm>> -> memref<10240x128xf32, #tpu.memory_space<hbm>>
      tpu.wait_indirect_dma semaphore(%arg12 : memref<!tpu.dma_semaphore, #tpu.memory_space<semaphore_mem>>) src(%dma_wait3A_51 : memref<10240x128xf32, #tpu.memory_space<hbm>>) dst(%arg9 : memref<128x128xf32, #tpu.memory_space<vmem>>)
      "tpu.region"() ({
        %run_scoped3A = tpu.sem_alloc : memref<!tpu.dma_semaphore, #tpu.memory_space<semaphore_mem>>
        %dma_start3A_64 = arith.constant 0 : i32
        %dma_start3A_65 = tpu.memref_slice %arg8[%mul3A_38, %dma_start3A_64] : memref<40x128xi32, #tpu.memory_space<vmem>> -> memref<1x128xi32, #tpu.memory_space<vmem>>
        %dma_start3A_66 = tpu.memref_squeeze %dma_start3A_65 : memref<1x128xi32, #tpu.memory_space<vmem>> -> memref<128xi32, #tpu.memory_space<vmem>>
        %dma_start3A_67 = arith.constant 0 : i32
        %dma_start3A_68 = arith.constant 0 : i32
        %dma_start3A_69 = tpu.memref_slice %arg11[%dma_start3A_67, %dma_start3A_68] : memref<10240x128xf32, #tpu.memory_space<vmem_shared>> -> memref<10240x128xf32, #tpu.memory_space<vmem_shared>>
        tpu.enqueue_indirect_dma source(%arg9 : memref<128x128xf32, #tpu.memory_space<vmem>>) target(%dma_start3A_69 : memref<10240x128xf32, #tpu.memory_space<vmem_shared>>) offsets(%dma_start3A_66 : memref<128xi32, #tpu.memory_space<vmem>>) semaphore(%run_scoped3A : memref<!tpu.dma_semaphore, #tpu.memory_space<semaphore_mem>>) {add = true}
        %dma_wait3A_70 = arith.constant 0 : i32
        %dma_wait3A_71 = tpu.memref_slice %arg8[%mul3A_38, %dma_wait3A_70] : memref<40x128xi32, #tpu.memory_space<vmem>> -> memref<1x128xi32, #tpu.memory_space<vmem>>
        %dma_wait3A_72 = tpu.memref_squeeze %dma_wait3A_71 : memref<1x128xi32, #tpu.memory_space<vmem>> -> memref<128xi32, #tpu.memory_space<vmem>>
        %dma_wait3A_73 = arith.constant 0 : i32
        %dma_wait3A_74 = arith.constant 0 : i32
        %dma_wait3A_75 = tpu.memref_slice %arg11[%dma_wait3A_73, %dma_wait3A_74] : memref<10240x128xf32, #tpu.memory_space<vmem_shared>> -> memref<10240x128xf32, #tpu.memory_space<vmem_shared>>
        tpu.wait_indirect_dma semaphore(%run_scoped3A : memref<!tpu.dma_semaphore, #tpu.memory_space<semaphore_mem>>) src(%arg9 : memref<128x128xf32, #tpu.memory_space<vmem>>) dst(%dma_wait3A_75 : memref<10240x128xf32, #tpu.memory_space<vmem_shared>>)
        tpu.yield
      }) : () -> ()
      %lt3A = arith.constant 19 : i32
      %lt3A_52 = arith.cmpi slt, %add3A_36, %lt3A : i32
      %convert_element_type3A = arith.extui %lt3A_52 : i1 to i32
      %cond3A = arith.constant 0 : i32
      %cond3A_53 = arith.cmpi ne, %convert_element_type3A, %cond3A : i32
      scf.if %cond3A_53 {
        %add3A_64 = arith.constant 2 : i32
        %add3A_65 = arith.addi %mul3A_38, %add3A_64 : i32
        %dma_start3A_66 = arith.constant 0 : i32
        %dma_start3A_67 = tpu.memref_slice %arg7[%add3A_65, %dma_start3A_66] : memref<40x128xi32, #tpu.memory_space<vmem>> -> memref<1x128xi32, #tpu.memory_space<vmem>>
        %dma_start3A_68 = tpu.memref_squeeze %dma_start3A_67 : memref<1x128xi32, #tpu.memory_space<vmem>> -> memref<128xi32, #tpu.memory_space<vmem>>
        %dma_start3A_69 = arith.constant 0 : i32
        %dma_start3A_70 = arith.constant 0 : i32
        %dma_start3A_71 = tpu.memref_slice %arg2[%dma_start3A_69, %dma_start3A_70] : memref<10240x128xf32, #tpu.memory_space<hbm>> -> memref<10240x128xf32, #tpu.memory_space<hbm>>
        tpu.enqueue_indirect_dma source(%dma_start3A_71 : memref<10240x128xf32, #tpu.memory_space<hbm>>) target(%arg9 : memref<128x128xf32, #tpu.memory_space<vmem>>) offsets(%dma_start3A_68 : memref<128xi32, #tpu.memory_space<vmem>>) semaphore(%arg12 : memref<!tpu.dma_semaphore, #tpu.memory_space<semaphore_mem>>)
      } else {
      }
      %add3A_54 = arith.constant 1 : i32
      %add3A_55 = arith.addi %mul3A_38, %add3A_54 : i32
      %dma_wait3A_56 = arith.constant 0 : i32
      %dma_wait3A_57 = tpu.memref_slice %arg7[%add3A_55, %dma_wait3A_56] : memref<40x128xi32, #tpu.memory_space<vmem>> -> memref<1x128xi32, #tpu.memory_space<vmem>>
      %dma_wait3A_58 = tpu.memref_squeeze %dma_wait3A_57 : memref<1x128xi32, #tpu.memory_space<vmem>> -> memref<128xi32, #tpu.memory_space<vmem>>
      %dma_wait3A_59 = arith.constant 0 : i32
      %dma_wait3A_60 = arith.constant 0 : i32
      %dma_wait3A_61 = tpu.memref_slice %arg2[%dma_wait3A_59, %dma_wait3A_60] : memref<10240x128xf32, #tpu.memory_space<hbm>> -> memref<10240x128xf32, #tpu.memory_space<hbm>>
      tpu.wait_indirect_dma semaphore(%arg13 : memref<!tpu.dma_semaphore, #tpu.memory_space<semaphore_mem>>) src(%dma_wait3A_61 : memref<10240x128xf32, #tpu.memory_space<hbm>>) dst(%arg10 : memref<128x128xf32, #tpu.memory_space<vmem>>)
      %add3A_62 = arith.constant 1 : i32
      %add3A_63 = arith.addi %mul3A_38, %add3A_62 : i32
      "tpu.region"() ({
        %run_scoped3A = tpu.sem_alloc : memref<!tpu.dma_semaphore, #tpu.memory_space<semaphore_mem>>
        %dma_start3A_64 = arith.constant 0 : i32
        %dma_start3A_65 = tpu.memref_slice %arg8[%add3A_63, %dma_start3A_64] : memref<40x128xi32, #tpu.memory_space<vmem>> -> memref<1x128xi32, #tpu.memory_space<vmem>>
        %dma_start3A_66 = tpu.memref_squeeze %dma_start3A_65 : memref<1x128xi32, #tpu.memory_space<vmem>> -> memref<128xi32, #tpu.memory_space<vmem>>
        %dma_start3A_67 = arith.constant 0 : i32
        %dma_start3A_68 = arith.constant 0 : i32
        %dma_start3A_69 = tpu.memref_slice %arg11[%dma_start3A_67, %dma_start3A_68] : memref<10240x128xf32, #tpu.memory_space<vmem_shared>> -> memref<10240x128xf32, #tpu.memory_space<vmem_shared>>
        tpu.enqueue_indirect_dma source(%arg10 : memref<128x128xf32, #tpu.memory_space<vmem>>) target(%dma_start3A_69 : memref<10240x128xf32, #tpu.memory_space<vmem_shared>>) offsets(%dma_start3A_66 : memref<128xi32, #tpu.memory_space<vmem>>) semaphore(%run_scoped3A : memref<!tpu.dma_semaphore, #tpu.memory_space<semaphore_mem>>) {add = true}
        %dma_wait3A_70 = arith.constant 0 : i32
        %dma_wait3A_71 = tpu.memref_slice %arg8[%add3A_63, %dma_wait3A_70] : memref<40x128xi32, #tpu.memory_space<vmem>> -> memref<1x128xi32, #tpu.memory_space<vmem>>
        %dma_wait3A_72 = tpu.memref_squeeze %dma_wait3A_71 : memref<1x128xi32, #tpu.memory_space<vmem>> -> memref<128xi32, #tpu.memory_space<vmem>>
        %dma_wait3A_73 = arith.constant 0 : i32
        %dma_wait3A_74 = arith.constant 0 : i32
        %dma_wait3A_75 = tpu.memref_slice %arg11[%dma_wait3A_73, %dma_wait3A_74] : memref<10240x128xf32, #tpu.memory_space<vmem_shared>> -> memref<10240x128xf32, #tpu.memory_space<vmem_shared>>
        tpu.wait_indirect_dma semaphore(%run_scoped3A : memref<!tpu.dma_semaphore, #tpu.memory_space<semaphore_mem>>) src(%arg10 : memref<128x128xf32, #tpu.memory_space<vmem>>) dst(%dma_wait3A_75 : memref<10240x128xf32, #tpu.memory_space<vmem_shared>>)
        tpu.yield
      }) : () -> ()
    }
    %scan3A_14 = arith.constant 20 : i32
    "tpu.region"() ({
      %run_scoped3A = tpu.sem_alloc : memref<!tpu.dma_semaphore, #tpu.memory_space<semaphore_mem>>
      %dma_start3A_32 = arith.constant 40 : i32
      %dma_start3A_33 = arith.constant 0 : i32
      %dma_start3A_34 = tpu.memref_slice %arg3[%add3A, %dma_start3A_32, %dma_start3A_33] : memref<32x80x128xi32, #tpu.memory_space<hbm>> -> memref<1x40x128xi32, #tpu.memory_space<hbm>>
      %dma_start3A_35 = tpu.memref_squeeze %dma_start3A_34 : memref<1x40x128xi32, #tpu.memory_space<hbm>> -> memref<40x128xi32, #tpu.memory_space<hbm>>
      %dma_start3A_36 = arith.constant 40 : i32
      %dma_start3A_37 = arith.constant 0 : i32
      %dma_start3A_38 = tpu.memref_slice %arg3[%add3A, %dma_start3A_36, %dma_start3A_37] : memref<32x80x128xi32, #tpu.memory_space<hbm>> -> memref<1x40x128xi32, #tpu.memory_space<hbm>>
      %dma_start3A_39 = tpu.memref_squeeze %dma_start3A_38 : memref<1x40x128xi32, #tpu.memory_space<hbm>> -> memref<40x128xi32, #tpu.memory_space<hbm>>
      tpu.enqueue_dma source(%dma_start3A_39 : memref<40x128xi32, #tpu.memory_space<hbm>>) target(%arg7 : memref<40x128xi32, #tpu.memory_space<vmem>>) target_semaphore(%run_scoped3A : memref<!tpu.dma_semaphore, #tpu.memory_space<semaphore_mem>>)
      %dma_wait3A = arith.constant 40 : i32
      %dma_wait3A_40 = arith.constant 0 : i32
      %dma_wait3A_41 = tpu.memref_slice %arg3[%add3A, %dma_wait3A, %dma_wait3A_40] : memref<32x80x128xi32, #tpu.memory_space<hbm>> -> memref<1x40x128xi32, #tpu.memory_space<hbm>>
      %dma_wait3A_42 = tpu.memref_squeeze %dma_wait3A_41 : memref<1x40x128xi32, #tpu.memory_space<hbm>> -> memref<40x128xi32, #tpu.memory_space<hbm>>
      %dma_wait3A_43 = arith.constant 40 : i32
      %dma_wait3A_44 = arith.constant 0 : i32
      %dma_wait3A_45 = tpu.memref_slice %arg3[%add3A, %dma_wait3A_43, %dma_wait3A_44] : memref<32x80x128xi32, #tpu.memory_space<hbm>> -> memref<1x40x128xi32, #tpu.memory_space<hbm>>
      %dma_wait3A_46 = tpu.memref_squeeze %dma_wait3A_45 : memref<1x40x128xi32, #tpu.memory_space<hbm>> -> memref<40x128xi32, #tpu.memory_space<hbm>>
      tpu.wait_dma2 semaphore(%run_scoped3A : memref<!tpu.dma_semaphore, #tpu.memory_space<semaphore_mem>>) src(%dma_wait3A_46 : memref<40x128xi32, #tpu.memory_space<hbm>>) dst(%arg7 : memref<40x128xi32, #tpu.memory_space<vmem>>)
      tpu.yield
    }) : () -> ()
    "tpu.region"() ({
      %run_scoped3A = tpu.sem_alloc : memref<!tpu.dma_semaphore, #tpu.memory_space<semaphore_mem>>
      %dma_start3A_32 = arith.constant 40 : i32
      %dma_start3A_33 = arith.constant 0 : i32
      %dma_start3A_34 = tpu.memref_slice %arg4[%add3A, %dma_start3A_32, %dma_start3A_33] : memref<32x80x128xi32, #tpu.memory_space<hbm>> -> memref<1x40x128xi32, #tpu.memory_space<hbm>>
      %dma_start3A_35 = tpu.memref_squeeze %dma_start3A_34 : memref<1x40x128xi32, #tpu.memory_space<hbm>> -> memref<40x128xi32, #tpu.memory_space<hbm>>
      %dma_start3A_36 = arith.constant 40 : i32
      %dma_start3A_37 = arith.constant 0 : i32
      %dma_start3A_38 = tpu.memref_slice %arg4[%add3A, %dma_start3A_36, %dma_start3A_37] : memref<32x80x128xi32, #tpu.memory_space<hbm>> -> memref<1x40x128xi32, #tpu.memory_space<hbm>>
      %dma_start3A_39 = tpu.memref_squeeze %dma_start3A_38 : memref<1x40x128xi32, #tpu.memory_space<hbm>> -> memref<40x128xi32, #tpu.memory_space<hbm>>
      tpu.enqueue_dma source(%dma_start3A_39 : memref<40x128xi32, #tpu.memory_space<hbm>>) target(%arg8 : memref<40x128xi32, #tpu.memory_space<vmem>>) target_semaphore(%run_scoped3A : memref<!tpu.dma_semaphore, #tpu.memory_space<semaphore_mem>>)
      %dma_wait3A = arith.constant 40 : i32
      %dma_wait3A_40 = arith.constant 0 : i32
      %dma_wait3A_41 = tpu.memref_slice %arg4[%add3A, %dma_wait3A, %dma_wait3A_40] : memref<32x80x128xi32, #tpu.memory_space<hbm>> -> memref<1x40x128xi32, #tpu.memory_space<hbm>>
      %dma_wait3A_42 = tpu.memref_squeeze %dma_wait3A_41 : memref<1x40x128xi32, #tpu.memory_space<hbm>> -> memref<40x128xi32, #tpu.memory_space<hbm>>
      %dma_wait3A_43 = arith.constant 40 : i32
      %dma_wait3A_44 = arith.constant 0 : i32
      %dma_wait3A_45 = tpu.memref_slice %arg4[%add3A, %dma_wait3A_43, %dma_wait3A_44] : memref<32x80x128xi32, #tpu.memory_space<hbm>> -> memref<1x40x128xi32, #tpu.memory_space<hbm>>
      %dma_wait3A_46 = tpu.memref_squeeze %dma_wait3A_45 : memref<1x40x128xi32, #tpu.memory_space<hbm>> -> memref<40x128xi32, #tpu.memory_space<hbm>>
      tpu.wait_dma2 semaphore(%run_scoped3A : memref<!tpu.dma_semaphore, #tpu.memory_space<semaphore_mem>>) src(%dma_wait3A_46 : memref<40x128xi32, #tpu.memory_space<hbm>>) dst(%arg8 : memref<40x128xi32, #tpu.memory_space<vmem>>)
      tpu.yield
    }) : () -> ()
    %dma_start3A_15 = arith.constant 0 : i32
    %dma_start3A_16 = arith.constant 0 : i32
    %dma_start3A_17 = tpu.memref_slice %arg7[%dma_start3A_15, %dma_start3A_16] : memref<40x128xi32, #tpu.memory_space<vmem>> -> memref<1x128xi32, #tpu.memory_space<vmem>>
    %dma_start3A_18 = tpu.memref_squeeze %dma_start3A_17 : memref<1x128xi32, #tpu.memory_space<vmem>> -> memref<128xi32, #tpu.memory_space<vmem>>
    %dma_start3A_19 = arith.constant 0 : i32
    %dma_start3A_20 = arith.constant 0 : i32
    %dma_start3A_21 = tpu.memref_slice %arg2[%dma_start3A_19, %dma_start3A_20] : memref<10240x128xf32, #tpu.memory_space<hbm>> -> memref<10240x128xf32, #tpu.memory_space<hbm>>
    tpu.enqueue_indirect_dma source(%dma_start3A_21 : memref<10240x128xf32, #tpu.memory_space<hbm>>) target(%arg9 : memref<128x128xf32, #tpu.memory_space<vmem>>) offsets(%dma_start3A_18 : memref<128xi32, #tpu.memory_space<vmem>>) semaphore(%arg12 : memref<!tpu.dma_semaphore, #tpu.memory_space<semaphore_mem>>)
    %scan3A_22 = arith.constant 0 : i32
    %scan3A_23 = arith.constant 20 : i32
    %scan3A_24 = arith.addi %scan3A_22, %scan3A_23 : i32
    %scan3A_25 = arith.constant 1 : i32
    scf.for %scan3A_32 = %scan3A_22 to %scan3A_24 step %scan3A_25  : i32 {
      %mul3A_33 = arith.constant 1 : i32
      %mul3A_34 = arith.muli %scan3A_32, %mul3A_33 : i32
      %add3A_35 = arith.constant 0 : i32
      %add3A_36 = arith.addi %add3A_35, %mul3A_34 : i32
      %mul3A_37 = arith.constant 2 : i32
      %mul3A_38 = arith.muli %mul3A_37, %add3A_36 : i32
      %add3A_39 = arith.constant 1 : i32
      %add3A_40 = arith.addi %mul3A_38, %add3A_39 : i32
      %dma_start3A_41 = arith.constant 0 : i32
      %dma_start3A_42 = tpu.memref_slice %arg7[%add3A_40, %dma_start3A_41] : memref<40x128xi32, #tpu.memory_space<vmem>> -> memref<1x128xi32, #tpu.memory_space<vmem>>
      %dma_start3A_43 = tpu.memref_squeeze %dma_start3A_42 : memref<1x128xi32, #tpu.memory_space<vmem>> -> memref<128xi32, #tpu.memory_space<vmem>>
      %dma_start3A_44 = arith.constant 0 : i32
      %dma_start3A_45 = arith.constant 0 : i32
      %dma_start3A_46 = tpu.memref_slice %arg2[%dma_start3A_44, %dma_start3A_45] : memref<10240x128xf32, #tpu.memory_space<hbm>> -> memref<10240x128xf32, #tpu.memory_space<hbm>>
      tpu.enqueue_indirect_dma source(%dma_start3A_46 : memref<10240x128xf32, #tpu.memory_space<hbm>>) target(%arg10 : memref<128x128xf32, #tpu.memory_space<vmem>>) offsets(%dma_start3A_43 : memref<128xi32, #tpu.memory_space<vmem>>) semaphore(%arg13 : memref<!tpu.dma_semaphore, #tpu.memory_space<semaphore_mem>>)
      %dma_wait3A = arith.constant 0 : i32
      %dma_wait3A_47 = tpu.memref_slice %arg7[%mul3A_38, %dma_wait3A] : memref<40x128xi32, #tpu.memory_space<vmem>> -> memref<1x128xi32, #tpu.memory_space<vmem>>
      %dma_wait3A_48 = tpu.memref_squeeze %dma_wait3A_47 : memref<1x128xi32, #tpu.memory_space<vmem>> -> memref<128xi32, #tpu.memory_space<vmem>>
      %dma_wait3A_49 = arith.constant 0 : i32
      %dma_wait3A_50 = arith.constant 0 : i32
      %dma_wait3A_51 = tpu.memref_slice %arg2[%dma_wait3A_49, %dma_wait3A_50] : memref<10240x128xf32, #tpu.memory_space<hbm>> -> memref<10240x128xf32, #tpu.memory_space<hbm>>
      tpu.wait_indirect_dma semaphore(%arg12 : memref<!tpu.dma_semaphore, #tpu.memory_space<semaphore_mem>>) src(%dma_wait3A_51 : memref<10240x128xf32, #tpu.memory_space<hbm>>) dst(%arg9 : memref<128x128xf32, #tpu.memory_space<vmem>>)
      "tpu.region"() ({
        %run_scoped3A = tpu.sem_alloc : memref<!tpu.dma_semaphore, #tpu.memory_space<semaphore_mem>>
        %dma_start3A_64 = arith.constant 0 : i32
        %dma_start3A_65 = tpu.memref_slice %arg8[%mul3A_38, %dma_start3A_64] : memref<40x128xi32, #tpu.memory_space<vmem>> -> memref<1x128xi32, #tpu.memory_space<vmem>>
        %dma_start3A_66 = tpu.memref_squeeze %dma_start3A_65 : memref<1x128xi32, #tpu.memory_space<vmem>> -> memref<128xi32, #tpu.memory_space<vmem>>
        %dma_start3A_67 = arith.constant 0 : i32
        %dma_start3A_68 = arith.constant 0 : i32
        %dma_start3A_69 = tpu.memref_slice %arg11[%dma_start3A_67, %dma_start3A_68] : memref<10240x128xf32, #tpu.memory_space<vmem_shared>> -> memref<10240x128xf32, #tpu.memory_space<vmem_shared>>
        tpu.enqueue_indirect_dma source(%arg9 : memref<128x128xf32, #tpu.memory_space<vmem>>) target(%dma_start3A_69 : memref<10240x128xf32, #tpu.memory_space<vmem_shared>>) offsets(%dma_start3A_66 : memref<128xi32, #tpu.memory_space<vmem>>) semaphore(%run_scoped3A : memref<!tpu.dma_semaphore, #tpu.memory_space<semaphore_mem>>) {add = true}
        %dma_wait3A_70 = arith.constant 0 : i32
        %dma_wait3A_71 = tpu.memref_slice %arg8[%mul3A_38, %dma_wait3A_70] : memref<40x128xi32, #tpu.memory_space<vmem>> -> memref<1x128xi32, #tpu.memory_space<vmem>>
        %dma_wait3A_72 = tpu.memref_squeeze %dma_wait3A_71 : memref<1x128xi32, #tpu.memory_space<vmem>> -> memref<128xi32, #tpu.memory_space<vmem>>
        %dma_wait3A_73 = arith.constant 0 : i32
        %dma_wait3A_74 = arith.constant 0 : i32
        %dma_wait3A_75 = tpu.memref_slice %arg11[%dma_wait3A_73, %dma_wait3A_74] : memref<10240x128xf32, #tpu.memory_space<vmem_shared>> -> memref<10240x128xf32, #tpu.memory_space<vmem_shared>>
        tpu.wait_indirect_dma semaphore(%run_scoped3A : memref<!tpu.dma_semaphore, #tpu.memory_space<semaphore_mem>>) src(%arg9 : memref<128x128xf32, #tpu.memory_space<vmem>>) dst(%dma_wait3A_75 : memref<10240x128xf32, #tpu.memory_space<vmem_shared>>)
        tpu.yield
      }) : () -> ()
      %lt3A = arith.constant 19 : i32
      %lt3A_52 = arith.cmpi slt, %add3A_36, %lt3A : i32
      %convert_element_type3A = arith.extui %lt3A_52 : i1 to i32
      %cond3A = arith.constant 0 : i32
      %cond3A_53 = arith.cmpi ne, %convert_element_type3A, %cond3A : i32
      scf.if %cond3A_53 {
        %add3A_64 = arith.constant 2 : i32
        %add3A_65 = arith.addi %mul3A_38, %add3A_64 : i32
        %dma_start3A_66 = arith.constant 0 : i32
        %dma_start3A_67 = tpu.memref_slice %arg7[%add3A_65, %dma_start3A_66] : memref<40x128xi32, #tpu.memory_space<vmem>> -> memref<1x128xi32, #tpu.memory_space<vmem>>
        %dma_start3A_68 = tpu.memref_squeeze %dma_start3A_67 : memref<1x128xi32, #tpu.memory_space<vmem>> -> memref<128xi32, #tpu.memory_space<vmem>>
        %dma_start3A_69 = arith.constant 0 : i32
        %dma_start3A_70 = arith.constant 0 : i32
        %dma_start3A_71 = tpu.memref_slice %arg2[%dma_start3A_69, %dma_start3A_70] : memref<10240x128xf32, #tpu.memory_space<hbm>> -> memref<10240x128xf32, #tpu.memory_space<hbm>>
        tpu.enqueue_indirect_dma source(%dma_start3A_71 : memref<10240x128xf32, #tpu.memory_space<hbm>>) target(%arg9 : memref<128x128xf32, #tpu.memory_space<vmem>>) offsets(%dma_start3A_68 : memref<128xi32, #tpu.memory_space<vmem>>) semaphore(%arg12 : memref<!tpu.dma_semaphore, #tpu.memory_space<semaphore_mem>>)
      } else {
      }
      %add3A_54 = arith.constant 1 : i32
      %add3A_55 = arith.addi %mul3A_38, %add3A_54 : i32
      %dma_wait3A_56 = arith.constant 0 : i32
      %dma_wait3A_57 = tpu.memref_slice %arg7[%add3A_55, %dma_wait3A_56] : memref<40x128xi32, #tpu.memory_space<vmem>> -> memref<1x128xi32, #tpu.memory_space<vmem>>
      %dma_wait3A_58 = tpu.memref_squeeze %dma_wait3A_57 : memref<1x128xi32, #tpu.memory_space<vmem>> -> memref<128xi32, #tpu.memory_space<vmem>>
      %dma_wait3A_59 = arith.constant 0 : i32
      %dma_wait3A_60 = arith.constant 0 : i32
      %dma_wait3A_61 = tpu.memref_slice %arg2[%dma_wait3A_59, %dma_wait3A_60] : memref<10240x128xf32, #tpu.memory_space<hbm>> -> memref<10240x128xf32, #tpu.memory_space<hbm>>
      tpu.wait_indirect_dma semaphore(%arg13 : memref<!tpu.dma_semaphore, #tpu.memory_space<semaphore_mem>>) src(%dma_wait3A_61 : memref<10240x128xf32, #tpu.memory_space<hbm>>) dst(%arg10 : memref<128x128xf32, #tpu.memory_space<vmem>>)
      %add3A_62 = arith.constant 1 : i32
      %add3A_63 = arith.addi %mul3A_38, %add3A_62 : i32
      "tpu.region"() ({
        %run_scoped3A = tpu.sem_alloc : memref<!tpu.dma_semaphore, #tpu.memory_space<semaphore_mem>>
        %dma_start3A_64 = arith.constant 0 : i32
        %dma_start3A_65 = tpu.memref_slice %arg8[%add3A_63, %dma_start3A_64] : memref<40x128xi32, #tpu.memory_space<vmem>> -> memref<1x128xi32, #tpu.memory_space<vmem>>
        %dma_start3A_66 = tpu.memref_squeeze %dma_start3A_65 : memref<1x128xi32, #tpu.memory_space<vmem>> -> memref<128xi32, #tpu.memory_space<vmem>>
        %dma_start3A_67 = arith.constant 0 : i32
        %dma_start3A_68 = arith.constant 0 : i32
        %dma_start3A_69 = tpu.memref_slice %arg11[%dma_start3A_67, %dma_start3A_68] : memref<10240x128xf32, #tpu.memory_space<vmem_shared>> -> memref<10240x128xf32, #tpu.memory_space<vmem_shared>>
        tpu.enqueue_indirect_dma source(%arg10 : memref<128x128xf32, #tpu.memory_space<vmem>>) target(%dma_start3A_69 : memref<10240x128xf32, #tpu.memory_space<vmem_shared>>) offsets(%dma_start3A_66 : memref<128xi32, #tpu.memory_space<vmem>>) semaphore(%run_scoped3A : memref<!tpu.dma_semaphore, #tpu.memory_space<semaphore_mem>>) {add = true}
        %dma_wait3A_70 = arith.constant 0 : i32
        %dma_wait3A_71 = tpu.memref_slice %arg8[%add3A_63, %dma_wait3A_70] : memref<40x128xi32, #tpu.memory_space<vmem>> -> memref<1x128xi32, #tpu.memory_space<vmem>>
        %dma_wait3A_72 = tpu.memref_squeeze %dma_wait3A_71 : memref<1x128xi32, #tpu.memory_space<vmem>> -> memref<128xi32, #tpu.memory_space<vmem>>
        %dma_wait3A_73 = arith.constant 0 : i32
        %dma_wait3A_74 = arith.constant 0 : i32
        %dma_wait3A_75 = tpu.memref_slice %arg11[%dma_wait3A_73, %dma_wait3A_74] : memref<10240x128xf32, #tpu.memory_space<vmem_shared>> -> memref<10240x128xf32, #tpu.memory_space<vmem_shared>>
        tpu.wait_indirect_dma semaphore(%run_scoped3A : memref<!tpu.dma_semaphore, #tpu.memory_space<semaphore_mem>>) src(%arg10 : memref<128x128xf32, #tpu.memory_space<vmem>>) dst(%dma_wait3A_75 : memref<10240x128xf32, #tpu.memory_space<vmem_shared>>)
        tpu.yield
      }) : () -> ()
    }
    %scan3A_26 = arith.constant 20 : i32
    %barrier3A_27 = arith.constant 0 : index
    tpu.barrier barrier_id(%barrier3A_27)
    %mul3A_28 = arith.constant 640 : i32
    %mul3A_29 = arith.muli %arg1, %mul3A_28 : i32
    %mul3A_30 = arith.constant 640 : i32
    %mul3A_31 = arith.muli %arg1, %mul3A_30 : i32
    "tpu.region"() ({
      %run_scoped3A = tpu.sem_alloc : memref<!tpu.dma_semaphore, #tpu.memory_space<semaphore_mem>>
      %dma_start3A_32 = arith.constant 0 : i32
      %dma_start3A_33 = tpu.memref_slice %arg6[%arg0, %mul3A_31, %dma_start3A_32] : memref<2x10240x128xf32, #tpu.memory_space<hbm>> -> memref<1x640x128xf32, #tpu.memory_space<hbm>>
      %dma_start3A_34 = tpu.memref_squeeze %dma_start3A_33 : memref<1x640x128xf32, #tpu.memory_space<hbm>> -> memref<640x128xf32, #tpu.memory_space<hbm>>
      %dma_start3A_35 = arith.constant 0 : i32
      %dma_start3A_36 = tpu.memref_slice %arg11[%mul3A_29, %dma_start3A_35] : memref<10240x128xf32, #tpu.memory_space<vmem_shared>> -> memref<640x128xf32, #tpu.memory_space<vmem_shared>>
      tpu.enqueue_dma source(%dma_start3A_36 : memref<640x128xf32, #tpu.memory_space<vmem_shared>>) target(%dma_start3A_34 : memref<640x128xf32, #tpu.memory_space<hbm>>) target_semaphore(%run_scoped3A : memref<!tpu.dma_semaphore, #tpu.memory_space<semaphore_mem>>)
      %dma_wait3A = arith.constant 0 : i32
      %dma_wait3A_37 = tpu.memref_slice %arg6[%arg0, %mul3A_31, %dma_wait3A] : memref<2x10240x128xf32, #tpu.memory_space<hbm>> -> memref<1x640x128xf32, #tpu.memory_space<hbm>>
      %dma_wait3A_38 = tpu.memref_squeeze %dma_wait3A_37 : memref<1x640x128xf32, #tpu.memory_space<hbm>> -> memref<640x128xf32, #tpu.memory_space<hbm>>
      %dma_wait3A_39 = arith.constant 0 : i32
      %dma_wait3A_40 = tpu.memref_slice %arg11[%mul3A_29, %dma_wait3A_39] : memref<10240x128xf32, #tpu.memory_space<vmem_shared>> -> memref<640x128xf32, #tpu.memory_space<vmem_shared>>
      tpu.wait_dma2 semaphore(%run_scoped3A : memref<!tpu.dma_semaphore, #tpu.memory_space<semaphore_mem>>) src(%dma_wait3A_40 : memref<640x128xf32, #tpu.memory_space<vmem_shared>>) dst(%dma_wait3A_38 : memref<640x128xf32, #tpu.memory_space<hbm>>)
      tpu.yield
    }) : () -> ()
    return
  }
}

module attributes {stable_mosaic.version = 14 : i64} {
  func.func @_mlp_body(%arg0: i32, %arg1: memref<1024x128xf32, #tpu.memory_space<vmem>>, %arg2: memref<1x1024x128xf32, #tpu.memory_space<vmem>>, %arg3: memref<1x1024x128xf32, #tpu.memory_space<vmem>>, %arg4: memref<128x128xf32, #tpu.memory_space<vmem>>, %arg5: memref<1x128xf32, #tpu.memory_space<vmem>>, %arg6: memref<128x128xf32, #tpu.memory_space<vmem>>, %arg7: memref<1x128xf32, #tpu.memory_space<vmem>>, %arg8: memref<1024x128xf32, #tpu.memory_space<vmem>>) attributes {dimension_semantics = [#tpu.dimension_semantics<arbitrary>], iteration_bounds = array<i64: 10>, scalar_prefetch = 0 : i64, scratch_operands = 0 : i64, tpu.core_type = #tpu.core_type<tc>, window_params = [{transform_indices = @transform_0, window_bounds = array<i64: 1024, 128>}, {transform_indices = @transform_1, window_bounds = array<i64: 1, 1024, 128>}, {transform_indices = @transform_2, window_bounds = array<i64: 1, 1024, 128>}, {pipeline_mode = #tpu.pipeline_mode<synchronous>, transform_indices = @transform_3, window_bounds = array<i64: 128, 128>}, {pipeline_mode = #tpu.pipeline_mode<synchronous>, transform_indices = @transform_4, window_bounds = array<i64: 1, 128>}, {pipeline_mode = #tpu.pipeline_mode<synchronous>, transform_indices = @transform_5, window_bounds = array<i64: 128, 128>}, {pipeline_mode = #tpu.pipeline_mode<synchronous>, transform_indices = @transform_6, window_bounds = array<i64: 1, 128>}, {transform_indices = @transform_7, window_bounds = array<i64: 1024, 128>}]} {
    %get3A = arith.constant 0 : index
    %get3A_0 = arith.constant 0 : index
    %get3A_1 = vector.load %arg1[%get3A, %get3A_0] : memref<1024x128xf32, #tpu.memory_space<vmem>>, vector<1024x128xf32>
    %get3A_2 = arith.constant 0 : index
    %get3A_3 = arith.constant 0 : index
    %get3A_4 = arith.constant 0 : index
    %get3A_5 = vector.load %arg2[%get3A_2, %get3A_3, %get3A_4] : memref<1x1024x128xf32, #tpu.memory_space<vmem>>, vector<1x1024x128xf32>
    %get3A_6 = vector.shape_cast %get3A_5 : vector<1x1024x128xf32> to vector<1024x128xf32>
    %add3A = arith.addf %get3A_1, %get3A_6 : vector<1024x128xf32>
    %get3A_7 = arith.constant 0 : index
    %get3A_8 = arith.constant 0 : index
    %get3A_9 = arith.constant 0 : index
    %get3A_10 = vector.load %arg3[%get3A_7, %get3A_8, %get3A_9] : memref<1x1024x128xf32, #tpu.memory_space<vmem>>, vector<1x1024x128xf32>
    %get3A_11 = vector.shape_cast %get3A_10 : vector<1x1024x128xf32> to vector<1024x128xf32>
    %add3A_12 = arith.addf %add3A, %get3A_11 : vector<1024x128xf32>
    %get3A_13 = arith.constant 0 : index
    %get3A_14 = arith.constant 0 : index
    %get3A_15 = vector.load %arg4[%get3A_13, %get3A_14] : memref<128x128xf32, #tpu.memory_space<vmem>>, vector<128x128xf32>
    %dot_general3A = arith.constant dense<0.000000e+00> : vector<1024x128xf32>
    %dot_general3A_16 = tpu.matmul %add3A_12, %get3A_15, %dot_general3A {dimension_numbers = #tpu.dot_dimension_numbers<[1], [0], [0], [1], [0, 0, 1, 1], [], []>, precision = #tpu.contract_precision<fp32>, transpose_lhs_hint = false} : vector<1024x128xf32>, vector<128x128xf32>, vector<1024x128xf32> -> vector<1024x128xf32>
    %get3A_17 = arith.constant 0 : index
    %get3A_18 = arith.constant 0 : index
    %get3A_19 = vector.load %arg5[%get3A_17, %get3A_18] : memref<1x128xf32, #tpu.memory_space<vmem>>, vector<1x128xf32>
    %add3A_20 = vector.broadcast %get3A_19 : vector<1x128xf32> to vector<1024x128xf32>
    %add3A_21 = arith.addf %dot_general3A_16, %add3A_20 : vector<1024x128xf32>
    %max3A = arith.constant 0.000000e+00 : f32
    %max3A_22 = vector.broadcast %max3A : f32 to vector<1024x128xf32>
    %max3A_23 = arith.maximumf %add3A_21, %max3A_22 : vector<1024x128xf32>
    %get3A_24 = arith.constant 0 : index
    %get3A_25 = arith.constant 0 : index
    %get3A_26 = vector.load %arg6[%get3A_24, %get3A_25] : memref<128x128xf32, #tpu.memory_space<vmem>>, vector<128x128xf32>
    %dot_general3A_27 = arith.constant dense<0.000000e+00> : vector<1024x128xf32>
    %dot_general3A_28 = tpu.matmul %max3A_23, %get3A_26, %dot_general3A_27 {dimension_numbers = #tpu.dot_dimension_numbers<[1], [0], [0], [1], [0, 0, 1, 1], [], []>, precision = #tpu.contract_precision<fp32>, transpose_lhs_hint = false} : vector<1024x128xf32>, vector<128x128xf32>, vector<1024x128xf32> -> vector<1024x128xf32>
    %get3A_29 = arith.constant 0 : index
    %get3A_30 = arith.constant 0 : index
    %get3A_31 = vector.load %arg7[%get3A_29, %get3A_30] : memref<1x128xf32, #tpu.memory_space<vmem>>, vector<1x128xf32>
    %add3A_32 = vector.broadcast %get3A_31 : vector<1x128xf32> to vector<1024x128xf32>
    %add3A_33 = arith.addf %dot_general3A_28, %add3A_32 : vector<1024x128xf32>
    %max3A_34 = arith.constant 0.000000e+00 : f32
    %max3A_35 = vector.broadcast %max3A_34 : f32 to vector<1024x128xf32>
    %max3A_36 = arith.maximumf %add3A_33, %max3A_35 : vector<1024x128xf32>
    %swap3A = arith.constant 0 : index
    %swap3A_37 = arith.constant 0 : index
    %swap3A_38 = vector.load %arg8[%swap3A, %swap3A_37] : memref<1024x128xf32, #tpu.memory_space<vmem>>, vector<1024x128xf32>
    tpu.vector_store %arg8[%swap3A, %swap3A_37], %max3A_36 {strides = array<i32>} : memref<1024x128xf32, #tpu.memory_space<vmem>>, vector<1024x128xf32>,
    return
  }
  func.func @transform_0(%arg0: i32) -> (i32, i32) {
    %c0_i32 = arith.constant 0 : i32
    %c0_i32_0 = arith.constant 0 : i32
    return %arg0, %c0_i32 : i32, i32
  }
  func.func @transform_1(%arg0: i32) -> (i32, i32, i32) {
    %c0_i32 = arith.constant 0 : i32
    %c0_i32_0 = arith.constant 0 : i32
    %c0_i32_1 = arith.constant 0 : i32
    return %c0_i32, %arg0, %c0_i32_0 : i32, i32, i32
  }
  func.func @transform_2(%arg0: i32) -> (i32, i32, i32) {
    %c1_i32 = arith.constant 1 : i32
    %c0_i32 = arith.constant 0 : i32
    %c0_i32_0 = arith.constant 0 : i32
    return %c1_i32, %arg0, %c0_i32 : i32, i32, i32
  }
  func.func @transform_3(%arg0: i32) -> (i32, i32) {
    %c0_i32 = arith.constant 0 : i32
    %c0_i32_0 = arith.constant 0 : i32
    %c0_i32_1 = arith.constant 0 : i32
    return %c0_i32, %c0_i32_0 : i32, i32
  }
  func.func @transform_4(%arg0: i32) -> (i32, i32) {
    %c0_i32 = arith.constant 0 : i32
    %c0_i32_0 = arith.constant 0 : i32
    %c0_i32_1 = arith.constant 0 : i32
    return %c0_i32, %c0_i32_0 : i32, i32
  }
  func.func @transform_5(%arg0: i32) -> (i32, i32) {
    %c0_i32 = arith.constant 0 : i32
    %c0_i32_0 = arith.constant 0 : i32
    %c0_i32_1 = arith.constant 0 : i32
    return %c0_i32, %c0_i32_0 : i32, i32
  }
  func.func @transform_6(%arg0: i32) -> (i32, i32) {
    %c0_i32 = arith.constant 0 : i32
    %c0_i32_0 = arith.constant 0 : i32
    %c0_i32_1 = arith.constant 0 : i32
    return %c0_i32, %c0_i32_0 : i32, i32
  }
  func.func @transform_7(%arg0: i32) -> (i32, i32) {
    %c0_i32 = arith.constant 0 : i32
    %c0_i32_0 = arith.constant 0 : i32
    return %arg0, %c0_i32 : i32, i32
  }
}

module attributes {stable_mosaic.version = 14 : i64} {
  func.func @_mlp_pool_body(%arg0: i32, %arg1: memref<1000x128xf32, #tpu.memory_space<vmem>>, %arg2: memref<1x1000x128xf32, #tpu.memory_space<vmem>>, %arg3: memref<1x1000x128xf32, #tpu.memory_space<vmem>>, %arg4: memref<128x128xf32, #tpu.memory_space<vmem>>, %arg5: memref<1x128xf32, #tpu.memory_space<vmem>>, %arg6: memref<128x128xf32, #tpu.memory_space<vmem>>, %arg7: memref<1x128xf32, #tpu.memory_space<vmem>>, %arg8: memref<1000x1xi32, #tpu.memory_space<vmem>>, %arg9: memref<128x128xf32, #tpu.memory_space<vmem>>, %arg10: memref<1x128xf32, #tpu.memory_space<vmem>>, %arg11: memref<128x1xf32, #tpu.memory_space<vmem>>, %arg12: memref<1x1xf32, #tpu.memory_space<vmem>>, %arg13: memref<128x500xf32, #tpu.memory_space<vmem>>, %arg14: memref<1x500xf32, #tpu.memory_space<vmem>>, %arg15: memref<16x500xf32, #tpu.memory_space<vmem>>, %arg16: memref<16x1xf32, #tpu.memory_space<vmem>>, %arg17: memref<16x1xf32, #tpu.memory_space<vmem>>, %arg18: memref<16x128xf32, #tpu.memory_space<vmem>>) attributes {dimension_semantics = [#tpu.dimension_semantics<arbitrary>], iteration_bounds = array<i64: 10>, scalar_prefetch = 0 : i64, scratch_operands = 3 : i64, tpu.core_type = #tpu.core_type<tc>, window_params = [{transform_indices = @transform_0, window_bounds = array<i64: 1000, 128>}, {transform_indices = @transform_1, window_bounds = array<i64: 1, 1000, 128>}, {transform_indices = @transform_2, window_bounds = array<i64: 1, 1000, 128>}, {pipeline_mode = #tpu.pipeline_mode<synchronous>, transform_indices = @transform_3, window_bounds = array<i64: 128, 128>}, {pipeline_mode = #tpu.pipeline_mode<synchronous>, transform_indices = @transform_4, window_bounds = array<i64: 1, 128>}, {pipeline_mode = #tpu.pipeline_mode<synchronous>, transform_indices = @transform_5, window_bounds = array<i64: 128, 128>}, {pipeline_mode = #tpu.pipeline_mode<synchronous>, transform_indices = @transform_6, window_bounds = array<i64: 1, 128>}, {transform_indices = @transform_7, window_bounds = array<i64: 1000, 1>}, {pipeline_mode = #tpu.pipeline_mode<synchronous>, transform_indices = @transform_8, window_bounds = array<i64: 128, 128>}, {pipeline_mode = #tpu.pipeline_mode<synchronous>, transform_indices = @transform_9, window_bounds = array<i64: 1, 128>}, {pipeline_mode = #tpu.pipeline_mode<synchronous>, transform_indices = @transform_10, window_bounds = array<i64: 128, 1>}, {pipeline_mode = #tpu.pipeline_mode<synchronous>, transform_indices = @transform_11, window_bounds = array<i64: 1, 1>}, {pipeline_mode = #tpu.pipeline_mode<synchronous>, transform_indices = @transform_12, window_bounds = array<i64: 128, 500>}, {pipeline_mode = #tpu.pipeline_mode<synchronous>, transform_indices = @transform_13, window_bounds = array<i64: 1, 500>}, {pipeline_mode = #tpu.pipeline_mode<synchronous>, transform_indices = @transform_14, window_bounds = array<i64: 16, 500>}]} {
    %eq3A = arith.constant 0 : i32
    %eq3A_0 = arith.cmpi eq, %arg0, %eq3A : i32
    %convert_element_type3A = arith.extui %eq3A_0 : i1 to i32
    %cond3A = arith.constant 0 : i32
    %cond3A_1 = arith.cmpi ne, %convert_element_type3A, %cond3A : i32
    scf.if %cond3A_1 {
      %broadcast_in_dim3A_115 = arith.constant -3.000000e+38 : f32
      %broadcast_in_dim3A_116 = vector.broadcast %broadcast_in_dim3A_115 : f32 to vector<16x1xf32>
      %swap3A_117 = arith.constant 0 : index
      %swap3A_118 = arith.constant 0 : index
      %swap3A_119 = vector.load %arg16[%swap3A_117, %swap3A_118] : memref<16x1xf32, #tpu.memory_space<vmem>>, vector<16x1xf32>
      tpu.vector_store %arg16[%swap3A_117, %swap3A_118], %broadcast_in_dim3A_116 {strides = array<i32>} : memref<16x1xf32, #tpu.memory_space<vmem>>, vector<16x1xf32>,
      %broadcast_in_dim3A_120 = arith.constant 0.000000e+00 : f32
      %broadcast_in_dim3A_121 = vector.broadcast %broadcast_in_dim3A_120 : f32 to vector<16x1xf32>
      %swap3A_122 = arith.constant 0 : index
      %swap3A_123 = arith.constant 0 : index
      %swap3A_124 = vector.load %arg17[%swap3A_122, %swap3A_123] : memref<16x1xf32, #tpu.memory_space<vmem>>, vector<16x1xf32>
      tpu.vector_store %arg17[%swap3A_122, %swap3A_123], %broadcast_in_dim3A_121 {strides = array<i32>} : memref<16x1xf32, #tpu.memory_space<vmem>>, vector<16x1xf32>,
      %broadcast_in_dim3A_125 = arith.constant 0.000000e+00 : f32
      %broadcast_in_dim3A_126 = vector.broadcast %broadcast_in_dim3A_125 : f32 to vector<16x128xf32>
      %swap3A_127 = arith.constant 0 : index
      %swap3A_128 = arith.constant 0 : index
      %swap3A_129 = vector.load %arg18[%swap3A_127, %swap3A_128] : memref<16x128xf32, #tpu.memory_space<vmem>>, vector<16x128xf32>
      tpu.vector_store %arg18[%swap3A_127, %swap3A_128], %broadcast_in_dim3A_126 {strides = array<i32>} : memref<16x128xf32, #tpu.memory_space<vmem>>, vector<16x128xf32>,
    } else {
    }
    %get3A = arith.constant 0 : index
    %get3A_2 = arith.constant 0 : index
    %get3A_3 = vector.load %arg1[%get3A, %get3A_2] : memref<1000x128xf32, #tpu.memory_space<vmem>>, vector<1000x128xf32>
    %get3A_4 = arith.constant 0 : index
    %get3A_5 = arith.constant 0 : index
    %get3A_6 = arith.constant 0 : index
    %get3A_7 = vector.load %arg2[%get3A_4, %get3A_5, %get3A_6] : memref<1x1000x128xf32, #tpu.memory_space<vmem>>, vector<1x1000x128xf32>
    %get3A_8 = vector.shape_cast %get3A_7 : vector<1x1000x128xf32> to vector<1000x128xf32>
    %add3A = arith.addf %get3A_3, %get3A_8 : vector<1000x128xf32>
    %get3A_9 = arith.constant 0 : index
    %get3A_10 = arith.constant 0 : index
    %get3A_11 = arith.constant 0 : index
    %get3A_12 = vector.load %arg3[%get3A_9, %get3A_10, %get3A_11] : memref<1x1000x128xf32, #tpu.memory_space<vmem>>, vector<1x1000x128xf32>
    %get3A_13 = vector.shape_cast %get3A_12 : vector<1x1000x128xf32> to vector<1000x128xf32>
    %add3A_14 = arith.addf %add3A, %get3A_13 : vector<1000x128xf32>
    %get3A_15 = arith.constant 0 : index
    %get3A_16 = arith.constant 0 : index
    %get3A_17 = vector.load %arg4[%get3A_15, %get3A_16] : memref<128x128xf32, #tpu.memory_space<vmem>>, vector<128x128xf32>
    %dot_general3A = arith.constant dense<0.000000e+00> : vector<1000x128xf32>
    %dot_general3A_18 = tpu.matmul %add3A_14, %get3A_17, %dot_general3A {dimension_numbers = #tpu.dot_dimension_numbers<[1], [0], [0], [1], [0, 0, 1, 1], [], []>, precision = #tpu.contract_precision<fp32>, transpose_lhs_hint = false} : vector<1000x128xf32>, vector<128x128xf32>, vector<1000x128xf32> -> vector<1000x128xf32>
    %get3A_19 = arith.constant 0 : index
    %get3A_20 = arith.constant 0 : index
    %get3A_21 = vector.load %arg5[%get3A_19, %get3A_20] : memref<1x128xf32, #tpu.memory_space<vmem>>, vector<1x128xf32>
    %add3A_22 = vector.broadcast %get3A_21 : vector<1x128xf32> to vector<1000x128xf32>
    %add3A_23 = arith.addf %dot_general3A_18, %add3A_22 : vector<1000x128xf32>
    %max3A = arith.constant 0.000000e+00 : f32
    %max3A_24 = vector.broadcast %max3A : f32 to vector<1000x128xf32>
    %max3A_25 = arith.maximumf %add3A_23, %max3A_24 : vector<1000x128xf32>
    %get3A_26 = arith.constant 0 : index
    %get3A_27 = arith.constant 0 : index
    %get3A_28 = vector.load %arg6[%get3A_26, %get3A_27] : memref<128x128xf32, #tpu.memory_space<vmem>>, vector<128x128xf32>
    %dot_general3A_29 = arith.constant dense<0.000000e+00> : vector<1000x128xf32>
    %dot_general3A_30 = tpu.matmul %max3A_25, %get3A_28, %dot_general3A_29 {dimension_numbers = #tpu.dot_dimension_numbers<[1], [0], [0], [1], [0, 0, 1, 1], [], []>, precision = #tpu.contract_precision<fp32>, transpose_lhs_hint = false} : vector<1000x128xf32>, vector<128x128xf32>, vector<1000x128xf32> -> vector<1000x128xf32>
    %get3A_31 = arith.constant 0 : index
    %get3A_32 = arith.constant 0 : index
    %get3A_33 = vector.load %arg7[%get3A_31, %get3A_32] : memref<1x128xf32, #tpu.memory_space<vmem>>, vector<1x128xf32>
    %add3A_34 = vector.broadcast %get3A_33 : vector<1x128xf32> to vector<1000x128xf32>
    %add3A_35 = arith.addf %dot_general3A_30, %add3A_34 : vector<1000x128xf32>
    %max3A_36 = arith.constant 0.000000e+00 : f32
    %max3A_37 = vector.broadcast %max3A_36 : f32 to vector<1000x128xf32>
    %max3A_38 = arith.maximumf %add3A_35, %max3A_37 : vector<1000x128xf32>
    %get3A_39 = arith.constant 0 : index
    %get3A_40 = arith.constant 0 : index
    %get3A_41 = vector.load %arg9[%get3A_39, %get3A_40] : memref<128x128xf32, #tpu.memory_space<vmem>>, vector<128x128xf32>
    %dot_general3A_42 = arith.constant dense<0.000000e+00> : vector<1000x128xf32>
    %dot_general3A_43 = tpu.matmul %max3A_38, %get3A_41, %dot_general3A_42 {dimension_numbers = #tpu.dot_dimension_numbers<[1], [0], [0], [1], [0, 0, 1, 1], [], []>, precision = #tpu.contract_precision<fp32>, transpose_lhs_hint = false} : vector<1000x128xf32>, vector<128x128xf32>, vector<1000x128xf32> -> vector<1000x128xf32>
    %get3A_44 = arith.constant 0 : index
    %get3A_45 = arith.constant 0 : index
    %get3A_46 = vector.load %arg10[%get3A_44, %get3A_45] : memref<1x128xf32, #tpu.memory_space<vmem>>, vector<1x128xf32>
    %add3A_47 = vector.broadcast %get3A_46 : vector<1x128xf32> to vector<1000x128xf32>
    %add3A_48 = arith.addf %dot_general3A_43, %add3A_47 : vector<1000x128xf32>
    %max3A_49 = arith.constant 0.000000e+00 : f32
    %max3A_50 = vector.broadcast %max3A_49 : f32 to vector<1000x128xf32>
    %max3A_51 = arith.maximumf %add3A_48, %max3A_50 : vector<1000x128xf32>
    %get3A_52 = arith.constant 0 : index
    %get3A_53 = arith.constant 0 : index
    %get3A_54 = vector.load %arg11[%get3A_52, %get3A_53] : memref<128x1xf32, #tpu.memory_space<vmem>>, vector<128x1xf32>
    %dot_general3A_55 = arith.constant dense<0.000000e+00> : vector<1000x1xf32>
    %dot_general3A_56 = tpu.matmul %max3A_51, %get3A_54, %dot_general3A_55 {dimension_numbers = #tpu.dot_dimension_numbers<[1], [0], [0], [1], [0, 0, 1, 1], [], []>, precision = #tpu.contract_precision<fp32>, transpose_lhs_hint = false} : vector<1000x128xf32>, vector<128x1xf32>, vector<1000x1xf32> -> vector<1000x1xf32>
    %get3A_57 = arith.constant 0 : index
    %get3A_58 = arith.constant 0 : index
    %get3A_59 = vector.load %arg12[%get3A_57, %get3A_58] : memref<1x1xf32, #tpu.memory_space<vmem>>, vector<1x1xf32>
    %add3A_60 = vector.broadcast %get3A_59 : vector<1x1xf32> to vector<1000x1xf32>
    %add3A_61 = arith.addf %dot_general3A_56, %add3A_60 : vector<1000x1xf32>
    %get3A_62 = arith.constant 0 : index
    %get3A_63 = arith.constant 0 : index
    %get3A_64 = vector.load %arg8[%get3A_62, %get3A_63] : memref<1000x1xi32, #tpu.memory_space<vmem>>, vector<1000x1xi32>
    %iota3A = tpu.iota {dimensions = array<i32: 1>} : vector<1000x16xi32>
    %eq3A_65 = vector.broadcast %get3A_64 : vector<1000x1xi32> to vector<1000x16xi32>
    %eq3A_66 = arith.cmpi eq, %eq3A_65, %iota3A : vector<1000x16xi32>
    %convert_element_type3A_67 = arith.extui %eq3A_66 : vector<1000x16xi1> to vector<1000x16xi32>
    %convert_element_type3A_68 = arith.sitofp %convert_element_type3A_67 : vector<1000x16xi32> to vector<1000x16xf32>
    %gt3A = arith.constant 0.000000e+00 : f32
    %gt3A_69 = vector.broadcast %gt3A : f32 to vector<1000x16xf32>
    %gt3A_70 = arith.cmpf ogt, %convert_element_type3A_68, %gt3A_69 : vector<1000x16xf32>
    %jit3A = arith.constant -3.000000e+38 : f32
    %broadcast_in_dim3A = vector.shape_cast %add3A_61 : vector<1000x1xf32> to vector<1000x1xf32>
    %broadcast_in_dim3A_71 = vector.broadcast %broadcast_in_dim3A : vector<1000x1xf32> to vector<1000x16xf32>
    %broadcast_in_dim3A_72 = vector.broadcast %jit3A : f32 to vector<1000x16xf32>
    %select_n3A = arith.select %gt3A_70, %broadcast_in_dim3A_71, %broadcast_in_dim3A_72 : vector<1000x16xi1>, vector<1000x16xf32>
    %get3A_73 = arith.constant 0 : index
    %get3A_74 = arith.constant 0 : index
    %get3A_75 = vector.load %arg16[%get3A_73, %get3A_74] : memref<16x1xf32, #tpu.memory_space<vmem>>, vector<16x1xf32>
    %reduce_max3A = arith.constant dense<0xFF800000> : vector<16xf32>
    %reduce_max3A_76 = vector.multi_reduction <maximumf>, %select_n3A, %reduce_max3A [0] : vector<1000x16xf32> to vector<16xf32>
    %broadcast_in_dim3A_77 = vector.shape_cast %reduce_max3A_76 : vector<16xf32> to vector<16x1xf32>
    %max3A_78 = arith.maximumf %get3A_75, %broadcast_in_dim3A_77 : vector<16x1xf32>
    %get3A_79 = arith.constant 0 : index
    %get3A_80 = arith.constant 0 : index
    %get3A_81 = vector.load %arg16[%get3A_79, %get3A_80] : memref<16x1xf32, #tpu.memory_space<vmem>>, vector<16x1xf32>
    %sub3A = arith.subf %get3A_81, %max3A_78 : vector<16x1xf32>
    %exp3A = math.exp %sub3A : vector<16x1xf32>
    %dot_general3A_82 = arith.constant dense<0.000000e+00> : vector<1000x1xf32>
    %dot_general3A_83 = tpu.matmul %convert_element_type3A_68, %max3A_78, %dot_general3A_82 {dimension_numbers = #tpu.dot_dimension_numbers<[1], [0], [0], [1], [0, 0, 1, 1], [], []>, precision = #tpu.contract_precision<fp32>, transpose_lhs_hint = false} : vector<1000x16xf32>, vector<16x1xf32>, vector<1000x1xf32> -> vector<1000x1xf32>
    %sub3A_84 = arith.subf %add3A_61, %dot_general3A_83 : vector<1000x1xf32>
    %exp3A_85 = math.exp %sub3A_84 : vector<1000x1xf32>
    %get3A_86 = arith.constant 0 : index
    %get3A_87 = arith.constant 0 : index
    %get3A_88 = vector.load %arg17[%get3A_86, %get3A_87] : memref<16x1xf32, #tpu.memory_space<vmem>>, vector<16x1xf32>
    %mul3A = arith.mulf %get3A_88, %exp3A : vector<16x1xf32>
    %dot_general3A_89 = arith.constant dense<0.000000e+00> : vector<16x1xf32>
    %dot_general3A_90 = tpu.matmul %convert_element_type3A_68, %exp3A_85, %dot_general3A_89 {dimension_numbers = #tpu.dot_dimension_numbers<[0], [0], [1], [1], [0, 1, 1, 1], [], []>, precision = #tpu.contract_precision<fp32>, transpose_lhs_hint = false} : vector<1000x16xf32>, vector<1000x1xf32>, vector<16x1xf32> -> vector<16x1xf32>
    %add3A_91 = arith.addf %mul3A, %dot_general3A_90 : vector<16x1xf32>
    %swap3A = arith.constant 0 : index
    %swap3A_92 = arith.constant 0 : index
    %swap3A_93 = vector.load %arg17[%swap3A, %swap3A_92] : memref<16x1xf32, #tpu.memory_space<vmem>>, vector<16x1xf32>
    tpu.vector_store %arg17[%swap3A, %swap3A_92], %add3A_91 {strides = array<i32>} : memref<16x1xf32, #tpu.memory_space<vmem>>, vector<16x1xf32>,
    %get3A_94 = arith.constant 0 : index
    %get3A_95 = arith.constant 0 : index
    %get3A_96 = vector.load %arg18[%get3A_94, %get3A_95] : memref<16x128xf32, #tpu.memory_space<vmem>>, vector<16x128xf32>
    %mul3A_97 = vector.broadcast %exp3A : vector<16x1xf32> to vector<16x128xf32>
    %mul3A_98 = arith.mulf %get3A_96, %mul3A_97 : vector<16x128xf32>
    %mul3A_99 = vector.broadcast %exp3A_85 : vector<1000x1xf32> to vector<1000x128xf32>
    %mul3A_100 = arith.mulf %mul3A_99, %max3A_38 : vector<1000x128xf32>
    %dot_general3A_101 = arith.constant dense<0.000000e+00> : vector<16x128xf32>
    %dot_general3A_102 = tpu.matmul %convert_element_type3A_68, %mul3A_100, %dot_general3A_101 {dimension_numbers = #tpu.dot_dimension_numbers<[0], [0], [1], [1], [0, 1, 1, 1], [], []>, precision = #tpu.contract_precision<fp32>, transpose_lhs_hint = false} : vector<1000x16xf32>, vector<1000x128xf32>, vector<16x128xf32> -> vector<16x128xf32>
    %add3A_103 = arith.addf %mul3A_98, %dot_general3A_102 : vector<16x128xf32>
    %swap3A_104 = arith.constant 0 : index
    %swap3A_105 = arith.constant 0 : index
    %swap3A_106 = vector.load %arg18[%swap3A_104, %swap3A_105] : memref<16x128xf32, #tpu.memory_space<vmem>>, vector<16x128xf32>
    tpu.vector_store %arg18[%swap3A_104, %swap3A_105], %add3A_103 {strides = array<i32>} : memref<16x128xf32, #tpu.memory_space<vmem>>, vector<16x128xf32>,
    %swap3A_107 = arith.constant 0 : index
    %swap3A_108 = arith.constant 0 : index
    %swap3A_109 = vector.load %arg16[%swap3A_107, %swap3A_108] : memref<16x1xf32, #tpu.memory_space<vmem>>, vector<16x1xf32>
    tpu.vector_store %arg16[%swap3A_107, %swap3A_108], %max3A_78 {strides = array<i32>} : memref<16x1xf32, #tpu.memory_space<vmem>>, vector<16x1xf32>,
    %eq3A_110 = arith.constant 9 : i32
    %eq3A_111 = arith.cmpi eq, %arg0, %eq3A_110 : i32
    %convert_element_type3A_112 = arith.extui %eq3A_111 : i1 to i32
    %cond3A_113 = arith.constant 0 : i32
    %cond3A_114 = arith.cmpi ne, %convert_element_type3A_112, %cond3A_113 : i32
    scf.if %cond3A_114 {
      %get3A_115 = arith.constant 0 : index
      %get3A_116 = arith.constant 0 : index
      %get3A_117 = vector.load %arg18[%get3A_115, %get3A_116] : memref<16x128xf32, #tpu.memory_space<vmem>>, vector<16x128xf32>
      %get3A_118 = arith.constant 0 : index
      %get3A_119 = arith.constant 0 : index
      %get3A_120 = vector.load %arg17[%get3A_118, %get3A_119] : memref<16x1xf32, #tpu.memory_space<vmem>>, vector<16x1xf32>
      %add3A_121 = arith.constant 1.000000e-16 : f32
      %add3A_122 = vector.broadcast %add3A_121 : f32 to vector<16x1xf32>
      %add3A_123 = arith.addf %get3A_120, %add3A_122 : vector<16x1xf32>
      %div3A = vector.broadcast %add3A_123 : vector<16x1xf32> to vector<16x128xf32>
      %div3A_124 = arith.divf %get3A_117, %div3A : vector<16x128xf32>
      %get3A_125 = arith.constant 0 : index
      %get3A_126 = arith.constant 0 : index
      %get3A_127 = vector.load %arg13[%get3A_125, %get3A_126] : memref<128x500xf32, #tpu.memory_space<vmem>>, vector<128x500xf32>
      %dot_general3A_128 = arith.constant dense<0.000000e+00> : vector<16x500xf32>
      %dot_general3A_129 = tpu.matmul %div3A_124, %get3A_127, %dot_general3A_128 {dimension_numbers = #tpu.dot_dimension_numbers<[1], [0], [0], [1], [0, 0, 1, 1], [], []>, precision = #tpu.contract_precision<fp32>, transpose_lhs_hint = false} : vector<16x128xf32>, vector<128x500xf32>, vector<16x500xf32> -> vector<16x500xf32>
      %get3A_130 = arith.constant 0 : index
      %get3A_131 = arith.constant 0 : index
      %get3A_132 = vector.load %arg14[%get3A_130, %get3A_131] : memref<1x500xf32, #tpu.memory_space<vmem>>, vector<1x500xf32>
      %add3A_133 = vector.broadcast %get3A_132 : vector<1x500xf32> to vector<16x500xf32>
      %add3A_134 = arith.addf %dot_general3A_129, %add3A_133 : vector<16x500xf32>
      %swap3A_135 = arith.constant 0 : index
      %swap3A_136 = arith.constant 0 : index
      %swap3A_137 = vector.load %arg15[%swap3A_135, %swap3A_136] : memref<16x500xf32, #tpu.memory_space<vmem>>, vector<16x500xf32>
      tpu.vector_store %arg15[%swap3A_135, %swap3A_136], %add3A_134 {strides = array<i32>} : memref<16x500xf32, #tpu.memory_space<vmem>>, vector<16x500xf32>,
    } else {
    }
    return
  }
  func.func @transform_0(%arg0: i32) -> (i32, i32) {
    %c0_i32 = arith.constant 0 : i32
    %c0_i32_0 = arith.constant 0 : i32
    return %arg0, %c0_i32 : i32, i32
  }
  func.func @transform_1(%arg0: i32) -> (i32, i32, i32) {
    %c0_i32 = arith.constant 0 : i32
    %c0_i32_0 = arith.constant 0 : i32
    %c0_i32_1 = arith.constant 0 : i32
    return %c0_i32, %arg0, %c0_i32_0 : i32, i32, i32
  }
  func.func @transform_2(%arg0: i32) -> (i32, i32, i32) {
    %c1_i32 = arith.constant 1 : i32
    %c0_i32 = arith.constant 0 : i32
    %c0_i32_0 = arith.constant 0 : i32
    return %c1_i32, %arg0, %c0_i32 : i32, i32, i32
  }
  func.func @transform_3(%arg0: i32) -> (i32, i32) {
    %c0_i32 = arith.constant 0 : i32
    %c0_i32_0 = arith.constant 0 : i32
    %c0_i32_1 = arith.constant 0 : i32
    return %c0_i32, %c0_i32_0 : i32, i32
  }
  func.func @transform_4(%arg0: i32) -> (i32, i32) {
    %c0_i32 = arith.constant 0 : i32
    %c0_i32_0 = arith.constant 0 : i32
    %c0_i32_1 = arith.constant 0 : i32
    return %c0_i32, %c0_i32_0 : i32, i32
  }
  func.func @transform_5(%arg0: i32) -> (i32, i32) {
    %c0_i32 = arith.constant 0 : i32
    %c0_i32_0 = arith.constant 0 : i32
    %c0_i32_1 = arith.constant 0 : i32
    return %c0_i32, %c0_i32_0 : i32, i32
  }
  func.func @transform_6(%arg0: i32) -> (i32, i32) {
    %c0_i32 = arith.constant 0 : i32
    %c0_i32_0 = arith.constant 0 : i32
    %c0_i32_1 = arith.constant 0 : i32
    return %c0_i32, %c0_i32_0 : i32, i32
  }
  func.func @transform_7(%arg0: i32) -> (i32, i32) {
    %c0_i32 = arith.constant 0 : i32
    %c0_i32_0 = arith.constant 0 : i32
    return %arg0, %c0_i32 : i32, i32
  }
  func.func @transform_8(%arg0: i32) -> (i32, i32) {
    %c0_i32 = arith.constant 0 : i32
    %c0_i32_0 = arith.constant 0 : i32
    %c0_i32_1 = arith.constant 0 : i32
    return %c0_i32, %c0_i32_0 : i32, i32
  }
  func.func @transform_9(%arg0: i32) -> (i32, i32) {
    %c0_i32 = arith.constant 0 : i32
    %c0_i32_0 = arith.constant 0 : i32
    %c0_i32_1 = arith.constant 0 : i32
    return %c0_i32, %c0_i32_0 : i32, i32
  }
  func.func @transform_10(%arg0: i32) -> (i32, i32) {
    %c0_i32 = arith.constant 0 : i32
    %c0_i32_0 = arith.constant 0 : i32
    %c0_i32_1 = arith.constant 0 : i32
    return %c0_i32, %c0_i32_0 : i32, i32
  }
  func.func @transform_11(%arg0: i32) -> (i32, i32) {
    %c0_i32 = arith.constant 0 : i32
    %c0_i32_0 = arith.constant 0 : i32
    %c0_i32_1 = arith.constant 0 : i32
    return %c0_i32, %c0_i32_0 : i32, i32
  }
  func.func @transform_12(%arg0: i32) -> (i32, i32) {
    %c0_i32 = arith.constant 0 : i32
    %c0_i32_0 = arith.constant 0 : i32
    %c0_i32_1 = arith.constant 0 : i32
    return %c0_i32, %c0_i32_0 : i32, i32
  }
  func.func @transform_13(%arg0: i32) -> (i32, i32) {
    %c0_i32 = arith.constant 0 : i32
    %c0_i32_0 = arith.constant 0 : i32
    %c0_i32_1 = arith.constant 0 : i32
    return %c0_i32, %c0_i32_0 : i32, i32
  }
  func.func @transform_14(%arg0: i32) -> (i32, i32) {
    %c0_i32 = arith.constant 0 : i32
    %c0_i32_0 = arith.constant 0 : i32
    %c0_i32_1 = arith.constant 0 : i32
    return %c0_i32, %c0_i32_0 : i32, i32
  }
}

</mosaic_0001>

<sc_bundles>
// kernel: kernel.11.cloned.1.call-start
scs
__scs_entry_jumppad:
0x0: {  	(pc) =	sbr.rel $0x88, $3  }
0x1: {  	(tag) =	ssettag $0x0;
	lr =	simm.s32 $0x1  }
0x2: {  	[smem:$0x3F8C] =	sst lr;
	_ =	strace $0xD0000000  }
0x3: {  	_ = 	snop  }
0x4: {  	_ = 	snop  }
0x5: {  	_ = 	snop  }
0x6: {  	_ = 	snop  }
0x7: {  	_ = 	snop  }
__scs_overlays_trampoline_lowered:
0x8: {  	[smem:$0x3F9B] =	sst s0  }
0x9: {  	[smem:$0x3F9C] =	sst s1  }
0xa: {  	[smem:$0x3F9D] =	sst s2  }
0xb: {  	[smem:$0x3F9E] =	sst s3  }
0xc: {  	[smem:$0x3F9F] =	sst s4  }
0xd: {  	[smem:$0x3FA0] =	sst s5  }
0xe: {  	[smem:$0x3FA1] =	sst s6  }
0xf: {  	[smem:$0x3FA2] =	sst s7  }
0x10: {  	[smem:$0x3FA3] =	sst s8  }
0x11: {  	[smem:$0x3FA4] =	sst s9;
	s0 =	simm.s32 @!p0 $0x0  }
0x12: {  	s1 =	sld [smem:$0x3F8A];
	s0 =	simm.s32 @p0 $0x1  }
0x13: {  	[smem:$0x3FA5] =	sst s0;
	s0 =	simm.s32 @!p1 $0x0  }
0x14: {  	s2 =	sld [smem:$0x3F89];
	s0 =	simm.s32 @p1 $0x1  }
0x15: {  	[smem:$0x3FA6] =	sst s0;
	s0 =	simm.s32 @!p2 $0x0  }
0x16: {  	s3 =	sld [smem:$0x3FDB];
	s0 =	simm.s32 @p2 $0x1  }
0x17: {  	s4 =	simm.s32 $0x1BF5;
	[smem:$0x3FA8] =	sst s0  }
0x18: {  	s0 =	sld [smem:$0x3F8B];
	_ =	swait.ge [sflag:s4], $0x0  }
0x19: {  	s7 =	sld [smem:$0x3F8C]  }
0x1a: {  	s8 =	sadd.s32 $0xFFFFE003, lr  }
0x1b: {  	s9 =	sadd.s32 $0xFFFFFEF7, lr;
	s5 =	simm.s32 $0xFFFFFFFF;
	p2 =	slt.u32 s8, $0xFFFFF086  }
0x1c: {  	p1 =	slt.u32 s9, $0xF7A;
	s5 =	simm.s32 @!p2 $0x0  }
0x1d: {  	s5 =	simm.s32 @p1 $0x1;
	p0 =	seq.s32 s7, s2  }
0x1e: {  	s7 =	smul.u32 @!p0 $0xF7A, s2;
	p2 =	seq.s32 @!p0 s5, $0x0  }
0x1f: {  	s9 =	smul.u32 $0xF7A, s1;
	s8 =	simm.s32 @!p0 $0x1BF5;
	p2 =	por !p2, p0  }
0x20: {  	[sflag:s8] =	ssyncset.s32 @!p0 $0xFFFFF086;
	s6 =	sadd.s32 @!p0 s3, s7;
	s7 =	simm.s32 @!p0 $0x108  }
0x21: {  	s3 =	sadd.s32 s3, s9;
	s6 =	sadd.s32 @!p0 $0x88, s6;
	s7 =	simm.s32 @p2 $0x1082  }
0x22: {  	[simem:s7], [sflag:s8] =	dma.local @!p0 [hbm:s6], $0xF7A  }
0x23: {  	s9 =	sor.u32 $0xD0000000, s2;
	s6 =	simm.s32 $0x108;
	_ =	swait.ge @!p0 [sflag:s8], $0x0  }
0x24: {  	s3 =	sadd.s32 $0x88, s3;
	s6 =	simm.s32 @!p1 $0x1082;
	[sflag:s4] =	ssyncset.s32 $0xFFFFF086  }
0x25: {  	[simem:s6], [sflag:s4] =	dma.local [hbm:s3], $0xF7A  }
0x26: {  	[smem:$0x3F8C] =	sst s1;
	(tag) =	ssettag s2;
	_ =	strace s9  }
0x27: {  	s1 =	sld [smem:$0x3F9C]  }
0x28: {  	s2 =	sld [smem:$0x3F9D]  }
0x29: {  	s4 =	sld [smem:$0x3F9F]  }
0x2a: {  	p0 =	seq.s32 s5, $0x0;
	s5 =	sld [smem:$0x3FA0]  }
0x2b: {  	s6 =	sld [smem:$0x3FA1]  }
0x2c: {  	s7 =	sld [smem:$0x3FA2]  }
0x2d: {  	s3 =	simm.s32 $0x108;
	s8 =	sld [smem:$0x3FA3]  }
0x2e: {  	s3 =	simm.s32 @!p0 $0x1082;
	s9 =	sld [smem:$0x3FA4]  }
0x2f: {  	lr =	sadd.s32 s0, s3;
	s0 =	sld [smem:$0x3F9B]  }
0x30: {  	s3 =	sld [smem:$0x3F9E]  }
0x31: {  	[smem:$0x3FA7] =	sst s10  }
0x32: {  	s10 =	sld [smem:$0x3FA5];
	_ =	sdelay $0x3  }
0x33: {  	p0 =	seq.s32 s10, $0x1;
	s10 =	sld [smem:$0x3FA7];
	_ =	sdelay $0x3  }
0x34: {  	[smem:$0x3FA7] =	sst s10  }
0x35: {  	s10 =	sld [smem:$0x3FA6];
	_ =	sdelay $0x3  }
0x36: {  	p1 =	seq.s32 s10, $0x1;
	s10 =	sld [smem:$0x3FA7];
	_ =	sdelay $0x3  }
0x37: {  	[smem:$0x3FA7] =	sst s10  }
0x38: {  	s10 =	sld [smem:$0x3FA8]  }
0x39: {  	_ = 	snop;
	(pc) =	sbr.ind lr, $3  }
0x3a: {  	_ = 	snop  }
0x3b: {  	_ = 	snop  }
0x3c: {  	p2 =	seq.s32 s10, $0x1;
	s10 =	sld [smem:$0x3FA7]  }
0x3d: {  	_ =	shalt  }
0x3e: {  	_ =	shalt  }
0x3f: {  	_ =	shalt  }
0x40: {  	_ =	shalt  }
0x41: {  	_ =	shalt  }
0x42: {  	_ =	shalt  }
0x43: {  	_ =	shalt  }
0x44: {  	_ =	shalt  }
0x45: {  	_ =	shalt  }
0x46: {  	_ =	shalt  }
0x47: {  	_ =	shalt  }
0x48: {  	_ =	shalt  }
0x49: {  	_ =	shalt  }
0x4a: {  	_ =	shalt  }
0x4b: {  	_ =	shalt  }
0x4c: {  	_ =	shalt  }
0x4d: {  	_ =	shalt  }
0x4e: {  	_ =	shalt  }
0x4f: {  	_ =	shalt  }
0x50: {  	_ =	shalt  }
0x51: {  	_ =	shalt  }
0x52: {  	_ =	shalt  }
0x53: {  	_ =	shalt  }
0x54: {  	_ =	shalt  }
0x55: {  	_ =	shalt  }
0x56: {  	_ =	shalt  }
0x57: {  	_ =	shalt  }
0x58: {  	_ =	shalt  }
0x59: {  	_ =	shalt  }
0x5a: {  	_ =	shalt  }
0x5b: {  	_ =	shalt  }
0x5c: {  	_ =	shalt  }
0x5d: {  	_ =	shalt  }
0x5e: {  	_ =	shalt  }
0x5f: {  	_ =	shalt  }
0x60: {  	_ =	shalt  }
0x61: {  	_ =	shalt  }
0x62: {  	_ =	shalt  }
0x63: {  	_ =	shalt  }
0x64: {  	_ =	shalt  }
0x65: {  	_ =	shalt  }
0x66: {  	_ =	shalt  }
0x67: {  	_ =	shalt  }
0x68: {  	_ =	shalt  }
0x69: {  	_ =	shalt  }
0x6a: {  	_ =	shalt  }
0x6b: {  	_ =	shalt  }
0x6c: {  	_ =	shalt  }
0x6d: {  	_ =	shalt  }
0x6e: {  	_ =	shalt  }
0x6f: {  	_ =	shalt  }
0x70: {  	_ =	shalt  }
0x71: {  	_ =	shalt  }
0x72: {  	_ =	shalt  }
0x73: {  	_ =	shalt  }
0x74: {  	_ =	shalt  }
0x75: {  	_ =	shalt  }
0x76: {  	_ =	shalt  }
0x77: {  	_ =	shalt  }
0x78: {  	_ =	shalt  }
0x79: {  	_ =	shalt  }
0x7a: {  	_ =	shalt  }
0x7b: {  	_ =	shalt  }
0x7c: {  	_ =	shalt  }
0x7d: {  	_ =	shalt  }
0x7e: {  	_ =	shalt  }
0x7f: {  	_ =	shalt  }
0x80: {  	_ =	shalt  }
0x81: {  	_ =	shalt  }
0x82: {  	_ =	shalt  }
0x83: {  	_ =	shalt  }
0x84: {  	_ =	shalt  }
0x85: {  	_ =	shalt  }
0x86: {  	_ =	shalt  }
0x87: {  	_ =	shalt  }
.Lfunc_end0:
.L_simem_size_0:
called_computation.1_lowered:
.L_overlay_start_0:
0x88: {  	s2 =	sld [smem:$0x3FD9]  }
0x89: {  	s3 =	sld [smem:$0x3FFE];
	_ =	sdelay $0x1  }
0x8a: {  	s1 =	srdreg.scid  }
0x8b: {  	s0 =	sand.u32 $0x1, s1  }
0x8c: {  	s16 =	sshll.u32 s0, $0xA;
	s2 =	sadd.s32 s3, s2  }
0x8d: {  	s2 =	sadd.s32 s2, s16  }
0x8e: {  	[smem:$0x3FB3] =	sst s2  }
0x8f: {  	_ = 	snop  }
0x90: {  	(tm) =	ssettm $0x1  }
0x91: {  	s17 =	sld [smem:$0x3FFB];
	_ =	sdelay $0x3  }
0x92: {  	_ =	strace s17  }
0x93: {  	s2 =	sld [smem:$0x3FFC];
	_ =	sdelay $0x3  }
0x94: {  	_ =	strace s2  }
0x95: {  	s2 =	sld [smem:$0x3FFD];
	_ =	sdelay $0x3  }
0x96: {  	_ =	strace s2  }
0x97: {  	_ =	strace $0x8FFFFFFF  }
0x98: {  	s18 =	sld [smem:$0x3FDB];
	_ =	sdelay $0x1  }
0x99: {  	s19 =	simm.s32 $_scs_section_size  }
0x9a: {  	s4 =	simm.s32 $_size__tile_overlayer_lowered;
	s5 =	simm.s32 $_tile_overlayer_lowered  }
0x9b: {  	s22 =	simm.s32 $0x1BFF;
	s21 =	sshll.u32 s5, $0x1;
	s2 =	sadd.s32 s19, s18  }
0x9c: {  	s6 =	simm.s32 $0x0;
	s20 =	sshll.u32 s4, $0x1;
	s4 =	sadd.s32 s21, s2  }
0x9d: {  	[timem:s6], [sflag:s22] =	dma.local [hbm:s4], s20  }
0x9e: {  	_ =	swait.ge [sflag:s22], s20  }
0x9f: {  	s3 =	ssub.s32 $0x0, s20;
	[sflag:s22] =	ssyncset.done $0x0  }
0xa0: {  	[sflag:s22] =	ssyncadd.s32 s3;
	_ =	sdelay $0x1  }
0xa1: {  	s23 =	simm.s32 $0x1B8B  }
0xa2: {  	_ =	swait.ge [sflag:s23], $0x1  }
0xa3: {  	[sflag:s23] =	ssyncset.done $0x0  }
0xa4: {  	s25 =	simm.s32 $0x1B8E;
	s24 =	sld [smem:$0x3FFE];
	[sflag:s23] =	ssyncadd.s32 $0xFFFFFFFF  }
0xa5: {  	s26 =	simm.s32 $execute0_lowered;
	[smem:$0x3FD2] =	sst s25  }
0xa6: {  	s4 =	sshll.u32 s26, $0x1;
	_ =	strace $0x80000049;
	[dreg:$0x1] =	wrdreg $0xFFFFFFFF  }
0xa7: {  	s28 =	simm.s32 $_size_execute0_lowered;
	s2 =	sadd.s32 s2, s4;
	[dreg:$0x0] =	wrdreg $0x0  }
0xa8: {  	s4 =	sshll.u32 s28, $0x1;
	[dreg:$0x2] =	wrdreg s2  }
0xa9: {  	[dreg:$0x3] =	wrdreg s4  }
0xaa: {  	[dreg:$0x4] =	wrdreg $0xC0  }
0xab: {  	_ =	task [dreg:s6], $0x5FFFF  }
0xac: {  	[dreg:$0x1] =	wrdreg $0xFFFFFFFF  }
0xad: {  	[dreg:$0x0] =	wrdreg $0x60  }
0xae: {  	[dreg:$0x2] =	wrdreg s24  }
0xaf: {  	[dreg:$0x3] =	wrdreg $0xA8000  }
0xb0: {  	[dreg:$0x4] =	wrdreg $0x9  }
0xb1: {  	_ =	task.clear_ibuf [dreg:s6], $0x5FFFF;
	_ =	strace $0x90000049  }
0xb2: {  	s29 =	simm.s32 $0x9;
	_ =	strace $0x8000004B  }
0xb3: {  	_ =	swait.ge [sflag:s29], $0x1  }
0xb4: {  	[sflag:s29] =	ssyncadd.s32 $0xFFFFFFFF  }
0xb5: {  	_ =	strace $0x9000004B  }
0xb6: {  	_ =	sfence  }
0xb7: {  	s30 =	sld [smem:$0x0];
	_ =	sdelay $0x2  }
0xb8: {  	s31 =	sshll.u32 s1, $0xD;
	s1 =	sshrl.u32 s1, $0x2  }
0xb9: {  	s3 =	sand.u32 $0x4000, s31;
	s1 =	sadd.s32 s1, s30  }
0xba: {  	s0 =	sor.u32 s3, s0;
	s1 =	sshll.u32 s1, $0x11  }
0xbb: {  	s0 =	sor.u32 s1, s0  }
0xbc: {  	s0 =	sadd.s32 $0x8F2B, s0  }
0xbd: {  	[sflag:s0] =	ssyncadd.remote.s32 $0x1  }
0xbe: {  	_ =	sfence.sel $0xFFFF  }
0xbf: {  	[dreg:$0x0] =	wrdreg $0xFFFFFFFF;
	(pc) =	sbr.abs _section_cstart, $3  }
0xc0: {  	[dreg:$0x1] =	wrdreg $0xFFFFFFFF  }
0xc1: {  	_ =	task.clear_ibuf [dreg:s6], $0x2FFFF;
	_ =	strace $0x9FFFFFFF  }
0xc2: {  	(tm) =	ssettm $0x7FFFFFFF  }
0xc3: {  	_ =	shalt  }
tec
execute0_lowered:
.L_overlay_start_1:
0x0: {  	(tag) =	ssettag $0x1  }
0x1: {  	s5 =	rddreg [dreg:$0x0]  }
0x2: {  	s2 =	rddreg [dreg:$0x1]  }
0x3: {  	s0 =	rddreg [dreg:$0x2]  }
0x4: {  	s3 =	simm.s32 $0x0;
	s1 =	stileid.u32;
	s4 =	srdreg.scid  }
0x5: {  	s16 =	simm.s32 $0x80;
	s17 =	simm.s32 $0x2800;
	s18 =	simm.s32 $0x6800  }
0x6: {  	s19 =	simm.s32 $0x1;
	s20 =	simm.s32 $0x2;
	s21 =	simm.s32 $0x1380  }
0x7: {  	s22 =	simm.s32 $0x2700;
	s23 =	simm.s32 $0x2780;
	s24 =	simm.s32 $0x0  }
0x8: {  	[smem:$0x7FF] =	sst s3;
	s6 =	smul.u32 $0x14000, s1;
	s7 =	sand.u32 $0x1, s4  }
0x9: {  	s4 =	sadd.s32 $0x4200, s5;
	s9 =	sadd.s32 $0x2C200, s5;
	s10 =	sadd.s32 $0x36200, s5  }
0xa: {  	s12 =	smul.u32 $0x50000, s1;
	s30 =	sshll.u32 s1, $0x6;
	_ =	strace $0x8000004A  }
0xb: {  	s8 =	smul.u32 $0x140000, s7;
	s28 =	sshll.u32 s7, $0x4;
	s7 =	ssub.s32 $0x2, s7  }
0xc: {  	s11 =	sshrl.u32 s6, $0x3;
	s13 =	sshrl.u32 s7, $0x1;
	s29 =	sshrl.u32 s12, $0x2  }
0xd: {  	s11 =	sadd.s32 s11, s5;
	s6 =	sadd.s32 s6, s8;
	s8 =	sor.u32 s1, s28  }
0xe: {  	s13 =	ssub.s32 s7, s13;
	s15 =	sadd.s32 s29, s2;
	s6 =	sshrl.u32 s6, $0x3  }
0xf: {  	s8 =	smul.u32 $0x2800, s8;
	s12 =	smax.u32 s13, $0x1;
	s13 =	sshrl.u32 s15, $0x3  }
0x10: {  	s15 =	simm.s32 $0x1400;
	s14 =	sadd.s32 s6, s5;
	s5 =	sadd.s32 $0x40200, s11  }
0x11: {  	s6 =	sor.u32 $0x1C03, s30;
	s8 =	sshrl.u32 s8, $0x3;
	s11 =	sadd.s32 $0x68200, s14  }
0x12: {  	s14 =	simm.s32 $0x3;
	s31 =	sadd.s32 $0x280, s8;
	s7 =	sadd.s32 s9, s8  }
0x13: {  	s8 =	sadd.s32 s10, s8;
	s9 =	sadd.s32 s9, s31;
	s10 =	sadd.s32 s10, s31  }
.LBB2_1:
0x14: {  	[spmem:s13], [sflag:s6] =	dma.local [hbm:s5], $0x2800  }
0x15: {  	_ =	swait.ge [sflag:s14], $0x2800  }
0x16: {  	[sflag:s14] =	ssyncset.done $0x0  }
0x17: {  	[sflag:s14] =	ssyncadd.s32 $0xFFFFD800  }
0x18: {  	[bflag:$0x0] =	sbarrier.arrive $0xFFFF  }
0x19: {  	[tilespmem:s3], [sflag:$0x3] =	stream.linear.gather [hbm4b:s7+s3], $0x1400, $0x38;
	[tilespmem:$0x1E800] =	vst v63  }
0x1a: {  	_ =	swait.ge [sflag:s14], $0x1400  }
0x1b: {  	[sflag:s14] =	ssyncset.done $0x0  }
0x1c: {  	[sflag:s14] =	ssyncadd.s32 $0xFFFFEC00  }
0x1d: {  	[tilespmem:s15], [sflag:$0x3] =	stream.linear.gather [hbm4b:s8+s3], $0x1400, $0x38;
	[tilespmem:$0x1E800] =	vst v63  }
0x1e: {  	_ =	swait.ge [sflag:s14], $0x1400  }
0x1f: {  	[sflag:s14] =	ssyncset.done $0x0  }
0x20: {  	[sflag:s14] =	ssyncadd.s32 $0xFFFFEC00  }
0x21: {  	[tilespmem:s17], [sflag:$0x1] =	stream.indirect.gather [hbm4b:s4+s16], $0x80, s3, s16, $0xb8;
	[tilespmem:$0x1E800] =	vst v63  }
0x22: {  	s25 =	simm.s32 $0x80  }
0x23: {  	[tilespmem:s18], [sflag:$0x2] =	stream.indirect.gather [hbm4b:s4+s16], $0x80, s25, s16, $0xb8;
	[tilespmem:$0x1E800] =	vst v63  }
0x24: {  	_ =	swait.ge [sflag:s19], $0x4000  }
0x25: {  	[sflag:s19] =	ssyncset.done $0x0  }
0x26: {  	s29 =	simm.s32 $0x1400;
	[sflag:s19] =	ssyncadd.s32 $0xFFFFC000  }
0x27: {  	[spmem:s2] =	stream.indirect.scatter.add.f32 [tilespmem:s17], [sflag:$0x3], $0x80, s29, s16, $0xb8;
	[tilespmem:$0x1E800] =	vst v63  }
0x28: {  	_ =	swait.ge [sflag:s14], $0x4000  }
0x29: {  	[sflag:s14] =	ssyncset.done $0x0  }
0x2a: {  	s30 =	simm.s32 $0x100;
	[sflag:s14] =	ssyncadd.s32 $0xFFFFC000  }
0x2b: {  	[tilespmem:s17], [sflag:$0x1] =	stream.indirect.gather [hbm4b:s4+s16], $0x80, s30, s16, $0xb8;
	[tilespmem:$0x1E800] =	vst v63  }
0x2c: {  	_ =	swait.ge [sflag:s20], $0x4000  }
0x2d: {  	[sflag:s20] =	ssyncset.done $0x0  }
0x2e: {  	s31 =	simm.s32 $0x1480;
	[sflag:s20] =	ssyncadd.s32 $0xFFFFC000  }
0x2f: {  	[spmem:s2] =	stream.indirect.scatter.add.f32 [tilespmem:s18], [sflag:$0x3], $0x80, s31, s16, $0xb8;
	[tilespmem:$0x1E800] =	vst v63  }
0x30: {  	_ =	swait.ge [sflag:s14], $0x4000  }
0x31: {  	s26 =	simm.s32 $0x800;
	s25 =	simm.s32 $0x100;
	[sflag:s14] =	ssyncset.done $0x0  }
.LBB2_2:
0x32: {  	s28 =	sadd.s32 $0x80, s25  }
0x33: {  	[sflag:s14] =	ssyncadd.s32 $0xFFFFC000;
	s29 =	smov.u32 s26;
	s30 =	sadd.s32 $0x400, s26  }
0x34: {  	[tilespmem:s18], [sflag:$0x2] =	stream.indirect.gather [hbm4b:s4+s16], $0x80, s28, s16, $0xb8;
	[tilespmem:$0x1E800] =	vst v63  }
0x35: {  	p0 =	sne.s32 s26, $0x4800;
	_ =	swait.ge [sflag:s19], $0x4000  }
0x36: {  	[sflag:s19] =	ssyncset.done $0x0  }
0x37: {  	s26 =	sadd.s32 $0x1400, s25;
	[sflag:s19] =	ssyncadd.s32 $0xFFFFC000  }
0x38: {  	[spmem:s2] =	stream.indirect.scatter.add.f32 [tilespmem:s17], [sflag:$0x3], $0x80, s26, s16, $0xb8;
	[tilespmem:$0x1E800] =	vst v63  }
0x39: {  	_ =	swait.ge [sflag:s14], $0x4000  }
0x3a: {  	[sflag:s14] =	ssyncset.done $0x0  }
0x3b: {  	s26 =	sadd.s32 $0x100, s25;
	[sflag:s14] =	ssyncadd.s32 $0xFFFFC000  }
0x3c: {  	[tilespmem:s17], [sflag:$0x1] =	stream.indirect.gather [hbm4b:s4+s16], $0x80, s26, s16, $0xb8;
	[tilespmem:$0x1E800] =	vst v63  }
0x3d: {  	_ =	swait.ge [sflag:s20], $0x4000  }
.Ltmp0:
0x3e: {  	[sflag:s20] =	ssyncset.done $0x0;
	(pc) =	sbr.rel @p0 .LBB2_2-.Ltmp0, $4  }
0x3f: {  	s25 =	sadd.s32 $0x1480, s25;
	[sflag:s20] =	ssyncadd.s32 $0xFFFFC000  }
0x40: {  	[spmem:s2] =	stream.indirect.scatter.add.f32 [tilespmem:s18], [sflag:$0x3], $0x80, s25, s16, $0xb8;
	[tilespmem:$0x1E800] =	vst v63  }
0x41: {  	_ =	swait.ge [sflag:s14], $0x4000  }
0x42: {  	s26 =	smov.u32 s30;
	s25 =	sshra.s32 s29, $0x2;
	[sflag:s14] =	ssyncset.done $0x0  }
0x43: {  	s26 =	sadd.s32 $0x80, s25;
	[sflag:s14] =	ssyncadd.s32 $0xFFFFC000  }
0x44: {  	[tilespmem:s18], [sflag:$0x2] =	stream.indirect.gather [hbm4b:s4+s16], $0x80, s26, s16, $0xb8;
	[tilespmem:$0x1E800] =	vst v63  }
0x45: {  	_ =	swait.ge [sflag:s19], $0x4000  }
0x46: {  	[sflag:s19] =	ssyncset.done $0x0  }
0x47: {  	s29 =	sadd.s32 $0x1400, s25;
	[sflag:s19] =	ssyncadd.s32 $0xFFFFC000  }
0x48: {  	[spmem:s2] =	stream.indirect.scatter.add.f32 [tilespmem:s17], [sflag:$0x3], $0x80, s29, s16, $0xb8;
	[tilespmem:$0x1E800] =	vst v63  }
0x49: {  	_ =	swait.ge [sflag:s14], $0x4000  }
0x4a: {  	[sflag:s14] =	ssyncset.done $0x0  }
0x4b: {  	s30 =	sadd.s32 $0x100, s25;
	[sflag:s14] =	ssyncadd.s32 $0xFFFFC000  }
0x4c: {  	[tilespmem:s17], [sflag:$0x1] =	stream.indirect.gather [hbm4b:s4+s16], $0x80, s30, s16, $0xb8;
	[tilespmem:$0x1E800] =	vst v63  }
0x4d: {  	_ =	swait.ge [sflag:s20], $0x4000  }
0x4e: {  	[sflag:s20] =	ssyncset.done $0x0  }
0x4f: {  	s31 =	sadd.s32 $0x1480, s25;
	[sflag:s20] =	ssyncadd.s32 $0xFFFFC000  }
0x50: {  	[spmem:s2] =	stream.indirect.scatter.add.f32 [tilespmem:s18], [sflag:$0x3], $0x80, s31, s16, $0xb8;
	[tilespmem:$0x1E800] =	vst v63  }
0x51: {  	_ =	swait.ge [sflag:s14], $0x4000  }
0x52: {  	[sflag:s14] =	ssyncset.done $0x0  }
0x53: {  	[sflag:s14] =	ssyncadd.s32 $0xFFFFC000  }
0x54: {  	[tilespmem:s18], [sflag:$0x2] =	stream.indirect.gather [hbm4b:s4+s16], $0x80, s21, s16, $0xb8;
	[tilespmem:$0x1E800] =	vst v63  }
0x55: {  	_ =	swait.ge [sflag:s19], $0x4000  }
0x56: {  	[sflag:s19] =	ssyncset.done $0x0  }
0x57: {  	[sflag:s19] =	ssyncadd.s32 $0xFFFFC000  }
0x58: {  	[spmem:s2] =	stream.indirect.scatter.add.f32 [tilespmem:s17], [sflag:$0x3], $0x80, s22, s16, $0xb8;
	[tilespmem:$0x1E800] =	vst v63  }
0x59: {  	_ =	swait.ge [sflag:s14], $0x4000  }
0x5a: {  	[sflag:s14] =	ssyncset.done $0x0  }
0x5b: {  	[sflag:s14] =	ssyncadd.s32 $0xFFFFC000  }
0x5c: {  	_ =	swait.ge [sflag:s20], $0x4000  }
0x5d: {  	[sflag:s20] =	ssyncset.done $0x0  }
0x5e: {  	[sflag:s20] =	ssyncadd.s32 $0xFFFFC000  }
0x5f: {  	[spmem:s2] =	stream.indirect.scatter.add.f32 [tilespmem:s18], [sflag:$0x3], $0x80, s23, s16, $0xb8;
	[tilespmem:$0x1E800] =	vst v63  }
0x60: {  	_ =	swait.ge [sflag:s14], $0x4000  }
0x61: {  	[sflag:s14] =	ssyncset.done $0x0  }
0x62: {  	s26 =	simm.s32 $0x0;
	[sflag:s14] =	ssyncadd.s32 $0xFFFFC000  }
0x63: {  	[tilespmem:s26], [sflag:$0x3] =	stream.linear.gather [hbm4b:s9+s26], $0x1400, $0x38;
	[tilespmem:$0x1E800] =	vst v63  }
0x64: {  	_ =	swait.ge [sflag:s14], $0x1400  }
0x65: {  	[sflag:s14] =	ssyncset.done $0x0  }
0x66: {  	[sflag:s14] =	ssyncadd.s32 $0xFFFFEC00  }
0x67: {  	[tilespmem:s15], [sflag:$0x3] =	stream.linear.gather [hbm4b:s10+s26], $0x1400, $0x38;
	[tilespmem:$0x1E800] =	vst v63  }
0x68: {  	_ =	swait.ge [sflag:s14], $0x1400  }
0x69: {  	[sflag:s14] =	ssyncset.done $0x0  }
0x6a: {  	[sflag:s14] =	ssyncadd.s32 $0xFFFFEC00  }
0x6b: {  	[tilespmem:s17], [sflag:$0x1] =	stream.indirect.gather [hbm4b:s4+s16], $0x80, s26, s16, $0xb8;
	[tilespmem:$0x1E800] =	vst v63  }
0x6c: {  	s28 =	simm.s32 $0x80  }
0x6d: {  	[tilespmem:s18], [sflag:$0x2] =	stream.indirect.gather [hbm4b:s4+s16], $0x80, s28, s16, $0xb8;
	[tilespmem:$0x1E800] =	vst v63  }
0x6e: {  	_ =	swait.ge [sflag:s19], $0x4000  }
0x6f: {  	[sflag:s19] =	ssyncset.done $0x0  }
0x70: {  	s29 =	simm.s32 $0x1400;
	[sflag:s19] =	ssyncadd.s32 $0xFFFFC000  }
0x71: {  	[spmem:s2] =	stream.indirect.scatter.add.f32 [tilespmem:s17], [sflag:$0x3], $0x80, s29, s16, $0xb8;
	[tilespmem:$0x1E800] =	vst v63  }
0x72: {  	_ =	swait.ge [sflag:s14], $0x4000  }
0x73: {  	[sflag:s14] =	ssyncset.done $0x0  }
0x74: {  	s30 =	simm.s32 $0x100;
	[sflag:s14] =	ssyncadd.s32 $0xFFFFC000  }
0x75: {  	[tilespmem:s17], [sflag:$0x1] =	stream.indirect.gather [hbm4b:s4+s16], $0x80, s30, s16, $0xb8;
	[tilespmem:$0x1E800] =	vst v63  }
0x76: {  	_ =	swait.ge [sflag:s20], $0x4000  }
0x77: {  	[sflag:s20] =	ssyncset.done $0x0  }
0x78: {  	s31 =	simm.s32 $0x1480;
	[sflag:s20] =	ssyncadd.s32 $0xFFFFC000  }
0x79: {  	[spmem:s2] =	stream.indirect.scatter.add.f32 [tilespmem:s18], [sflag:$0x3], $0x80, s31, s16, $0xb8;
	[tilespmem:$0x1E800] =	vst v63  }
0x7a: {  	_ =	swait.ge [sflag:s14], $0x4000  }
0x7b: {  	s25 =	simm.s32 $0x100;
	s26 =	simm.s32 $0x800;
	[sflag:s14] =	ssyncset.done $0x0  }
.LBB2_4:
0x7c: {  	s28 =	sadd.s32 $0x80, s25  }
0x7d: {  	[sflag:s14] =	ssyncadd.s32 $0xFFFFC000;
	s29 =	smov.u32 s26;
	s30 =	sadd.s32 $0x400, s26  }
0x7e: {  	[tilespmem:s18], [sflag:$0x2] =	stream.indirect.gather [hbm4b:s4+s16], $0x80, s28, s16, $0xb8;
	[tilespmem:$0x1E800] =	vst v63  }
0x7f: {  	p0 =	sne.s32 s26, $0x4800;
	_ =	swait.ge [sflag:s19], $0x4000  }
0x80: {  	[sflag:s19] =	ssyncset.done $0x0  }
0x81: {  	s26 =	sadd.s32 $0x1400, s25;
	[sflag:s19] =	ssyncadd.s32 $0xFFFFC000  }
0x82: {  	[spmem:s2] =	stream.indirect.scatter.add.f32 [tilespmem:s17], [sflag:$0x3], $0x80, s26, s16, $0xb8;
	[tilespmem:$0x1E800] =	vst v63  }
0x83: {  	_ =	swait.ge [sflag:s14], $0x4000  }
0x84: {  	[sflag:s14] =	ssyncset.done $0x0  }
0x85: {  	s26 =	sadd.s32 $0x100, s25;
	[sflag:s14] =	ssyncadd.s32 $0xFFFFC000  }
0x86: {  	[tilespmem:s17], [sflag:$0x1] =	stream.indirect.gather [hbm4b:s4+s16], $0x80, s26, s16, $0xb8;
	[tilespmem:$0x1E800] =	vst v63  }
0x87: {  	_ =	swait.ge [sflag:s20], $0x4000  }
.Ltmp1:
0x88: {  	[sflag:s20] =	ssyncset.done $0x0;
	(pc) =	sbr.rel @p0 .LBB2_4-.Ltmp1, $4  }
0x89: {  	s25 =	sadd.s32 $0x1480, s25;
	[sflag:s20] =	ssyncadd.s32 $0xFFFFC000  }
0x8a: {  	[spmem:s2] =	stream.indirect.scatter.add.f32 [tilespmem:s18], [sflag:$0x3], $0x80, s25, s16, $0xb8;
	[tilespmem:$0x1E800] =	vst v63  }
0x8b: {  	_ =	swait.ge [sflag:s14], $0x4000  }
0x8c: {  	s26 =	smov.u32 s30;
	s25 =	sshra.s32 s29, $0x2;
	[sflag:s14] =	ssyncset.done $0x0  }
0x8d: {  	s26 =	sadd.s32 $0x80, s25;
	[sflag:s14] =	ssyncadd.s32 $0xFFFFC000  }
0x8e: {  	[tilespmem:s18], [sflag:$0x2] =	stream.indirect.gather [hbm4b:s4+s16], $0x80, s26, s16, $0xb8;
	[tilespmem:$0x1E800] =	vst v63  }
0x8f: {  	_ =	swait.ge [sflag:s19], $0x4000  }
0x90: {  	[sflag:s19] =	ssyncset.done $0x0  }
0x91: {  	s29 =	sadd.s32 $0x1400, s25;
	[sflag:s19] =	ssyncadd.s32 $0xFFFFC000  }
0x92: {  	[spmem:s2] =	stream.indirect.scatter.add.f32 [tilespmem:s17], [sflag:$0x3], $0x80, s29, s16, $0xb8;
	[tilespmem:$0x1E800] =	vst v63  }
0x93: {  	_ =	swait.ge [sflag:s14], $0x4000  }
0x94: {  	[sflag:s14] =	ssyncset.done $0x0  }
0x95: {  	s30 =	sadd.s32 $0x100, s25;
	[sflag:s14] =	ssyncadd.s32 $0xFFFFC000  }
0x96: {  	[tilespmem:s17], [sflag:$0x1] =	stream.indirect.gather [hbm4b:s4+s16], $0x80, s30, s16, $0xb8;
	[tilespmem:$0x1E800] =	vst v63  }
0x97: {  	_ =	swait.ge [sflag:s20], $0x4000  }
0x98: {  	[sflag:s20] =	ssyncset.done $0x0  }
0x99: {  	s31 =	sadd.s32 $0x1480, s25;
	[sflag:s20] =	ssyncadd.s32 $0xFFFFC000  }
0x9a: {  	[spmem:s2] =	stream.indirect.scatter.add.f32 [tilespmem:s18], [sflag:$0x3], $0x80, s31, s16, $0xb8;
	[tilespmem:$0x1E800] =	vst v63  }
0x9b: {  	_ =	swait.ge [sflag:s14], $0x4000  }
0x9c: {  	[sflag:s14] =	ssyncset.done $0x0  }
0x9d: {  	[sflag:s14] =	ssyncadd.s32 $0xFFFFC000  }
0x9e: {  	[tilespmem:s18], [sflag:$0x2] =	stream.indirect.gather [hbm4b:s4+s16], $0x80, s21, s16, $0xb8;
	[tilespmem:$0x1E800] =	vst v63  }
0x9f: {  	_ =	swait.ge [sflag:s19], $0x4000  }
0xa0: {  	[sflag:s19] =	ssyncset.done $0x0  }
0xa1: {  	[sflag:s19] =	ssyncadd.s32 $0xFFFFC000  }
0xa2: {  	[spmem:s2] =	stream.indirect.scatter.add.f32 [tilespmem:s17], [sflag:$0x3], $0x80, s22, s16, $0xb8;
	[tilespmem:$0x1E800] =	vst v63  }
0xa3: {  	_ =	swait.ge [sflag:s14], $0x4000  }
0xa4: {  	[sflag:s14] =	ssyncset.done $0x0  }
0xa5: {  	[sflag:s14] =	ssyncadd.s32 $0xFFFFC000  }
0xa6: {  	_ =	swait.ge [sflag:s20], $0x4000  }
0xa7: {  	[sflag:s20] =	ssyncset.done $0x0  }
0xa8: {  	[sflag:s20] =	ssyncadd.s32 $0xFFFFC000  }
0xa9: {  	[spmem:s2] =	stream.indirect.scatter.add.f32 [tilespmem:s18], [sflag:$0x3], $0x80, s23, s16, $0xb8;
	[tilespmem:$0x1E800] =	vst v63  }
0xaa: {  	_ =	swait.ge [sflag:s14], $0x4000  }
0xab: {  	s24 =	sadd.s32 $0x1, s24;
	[sflag:s14] =	ssyncset.done $0x0  }
0xac: {  	p0 =	sne.s32 s24, s12;
	[sflag:s14] =	ssyncadd.s32 $0xFFFFC000  }
.Ltmp2:
0xad: {  	[bflag:$0x0] =	sbarrier.arrive $0xFFFF;
	(pc) =	sbr.rel @p0 .LBB2_1-.Ltmp2, $4  }
0xae: {  	[hbm:s11], [sflag:s6] =	dma.local [spmem:s13], $0x2800  }
0xaf: {  	_ =	swait.ge [sflag:s14], $0x2800  }
0xb0: {  	[sflag:s14] =	ssyncset.done $0x0  }
0xb1: {  	[sflag:s14] =	ssyncadd.s32 $0xFFFFD800  }
0xb2: {  	_ =	sfence.sel $0x180000  }
0xb3: {  	[bflag:$0x0] =	sbarrier.arrive $0xFFFF  }
0xb4: {  	p0 =	sne.s32 s1, $0x0;
	_ =	strace $0x9000004A  }
0xb5: {  	s0 =	sadd.s32 @!p0 $0x100000, s0;
	[bflag:$0x2] =	sbarrier.arrive $0xFFFF  }
0xb6: {  	[sflag:s0] =	ssyncadd.tile.s32 @!p0 $0x1;
	_ =	shalt  }
.Lfunc_end2:
_tile_overlayer_lowered:
.L_overlay_start_2:
0xb7: {  	(tag) =	ssettag $0x2  }
0xb8: {  	s0 =	rddreg [dreg:$0x0];
	s2 =	stileid.u32  }
0xb9: {  	s1 =	rddreg [dreg:$0x1];
	p0 =	sne.s32 s2, $0x0  }
0xba: {  	s3 =	rddreg [dreg:$0x2];
	[bflag:$0x3] =	sbarrier.arrive $0xFFFF;
	s2 =	simm.s32 @!p0 $0x1C03  }
0xbb: {  	[timem:s3], [sflag:s2] =	dma.local @!p0 [hbm:s0], s1  }
0xbc: {  	s0 =	simm.s32 @!p0 $0x3  }
0xbd: {  	_ =	swait.ge @!p0 [sflag:s0], s1  }
0xbe: {  	s1 =	ssub.s32 @!p0 $0x0, s1;
	[sflag:s0] =	ssyncset.done @!p0 $0x0  }
0xbf: {  	[sflag:s0] =	ssyncadd.s32 @!p0 s1  }
0xc0: {  	[bflag:$0x3] =	sbarrier.arrive $0xFFFF  }
0xc1: {  	_ =	shalt  }

// kernel: kernel.14.cloned.1.call-start
scs
__scs_entry_jumppad:
0x0: {  	(pc) =	sbr.rel $0x88, $3  }
0x1: {  	(tag) =	ssettag $0x0;
	lr =	simm.s32 $0x1  }
0x2: {  	[smem:$0x3F8C] =	sst lr;
	_ =	strace $0xD0000000  }
0x3: {  	_ = 	snop  }
0x4: {  	_ = 	snop  }
0x5: {  	_ = 	snop  }
0x6: {  	_ = 	snop  }
0x7: {  	_ = 	snop  }
__scs_overlays_trampoline_lowered:
0x8: {  	[smem:$0x3F9B] =	sst s0  }
0x9: {  	[smem:$0x3F9C] =	sst s1  }
0xa: {  	[smem:$0x3F9D] =	sst s2  }
0xb: {  	[smem:$0x3F9E] =	sst s3  }
0xc: {  	[smem:$0x3F9F] =	sst s4  }
0xd: {  	[smem:$0x3FA0] =	sst s5  }
0xe: {  	[smem:$0x3FA1] =	sst s6  }
0xf: {  	[smem:$0x3FA2] =	sst s7  }
0x10: {  	[smem:$0x3FA3] =	sst s8  }
0x11: {  	[smem:$0x3FA4] =	sst s9;
	s0 =	simm.s32 @!p0 $0x0  }
0x12: {  	s1 =	sld [smem:$0x3F8A];
	s0 =	simm.s32 @p0 $0x1  }
0x13: {  	[smem:$0x3FA5] =	sst s0;
	s0 =	simm.s32 @!p1 $0x0  }
0x14: {  	s2 =	sld [smem:$0x3F89];
	s0 =	simm.s32 @p1 $0x1  }
0x15: {  	[smem:$0x3FA6] =	sst s0;
	s0 =	simm.s32 @!p2 $0x0  }
0x16: {  	s3 =	sld [smem:$0x3FDB];
	s0 =	simm.s32 @p2 $0x1  }
0x17: {  	s4 =	simm.s32 $0x1BF5;
	[smem:$0x3FA8] =	sst s0  }
0x18: {  	s0 =	sld [smem:$0x3F8B];
	_ =	swait.ge [sflag:s4], $0x0  }
0x19: {  	s7 =	sld [smem:$0x3F8C]  }
0x1a: {  	s8 =	sadd.s32 $0xFFFFE003, lr  }
0x1b: {  	s9 =	sadd.s32 $0xFFFFFEF7, lr;
	s5 =	simm.s32 $0xFFFFFFFF;
	p2 =	slt.u32 s8, $0xFFFFF086  }
0x1c: {  	p1 =	slt.u32 s9, $0xF7A;
	s5 =	simm.s32 @!p2 $0x0  }
0x1d: {  	s5 =	simm.s32 @p1 $0x1;
	p0 =	seq.s32 s7, s2  }
0x1e: {  	s7 =	smul.u32 @!p0 $0xF7A, s2;
	p2 =	seq.s32 @!p0 s5, $0x0  }
0x1f: {  	s9 =	smul.u32 $0xF7A, s1;
	s8 =	simm.s32 @!p0 $0x1BF5;
	p2 =	por !p2, p0  }
0x20: {  	[sflag:s8] =	ssyncset.s32 @!p0 $0xFFFFF086;
	s6 =	sadd.s32 @!p0 s3, s7;
	s7 =	simm.s32 @!p0 $0x108  }
0x21: {  	s3 =	sadd.s32 s3, s9;
	s6 =	sadd.s32 @!p0 $0x88, s6;
	s7 =	simm.s32 @p2 $0x1082  }
0x22: {  	[simem:s7], [sflag:s8] =	dma.local @!p0 [hbm:s6], $0xF7A  }
0x23: {  	s9 =	sor.u32 $0xD0000000, s2;
	s6 =	simm.s32 $0x108;
	_ =	swait.ge @!p0 [sflag:s8], $0x0  }
0x24: {  	s3 =	sadd.s32 $0x88, s3;
	s6 =	simm.s32 @!p1 $0x1082;
	[sflag:s4] =	ssyncset.s32 $0xFFFFF086  }
0x25: {  	[simem:s6], [sflag:s4] =	dma.local [hbm:s3], $0xF7A  }
0x26: {  	[smem:$0x3F8C] =	sst s1;
	(tag) =	ssettag s2;
	_ =	strace s9  }
0x27: {  	s1 =	sld [smem:$0x3F9C]  }
0x28: {  	s2 =	sld [smem:$0x3F9D]  }
0x29: {  	s4 =	sld [smem:$0x3F9F]  }
0x2a: {  	p0 =	seq.s32 s5, $0x0;
	s5 =	sld [smem:$0x3FA0]  }
0x2b: {  	s6 =	sld [smem:$0x3FA1]  }
0x2c: {  	s7 =	sld [smem:$0x3FA2]  }
0x2d: {  	s3 =	simm.s32 $0x108;
	s8 =	sld [smem:$0x3FA3]  }
0x2e: {  	s3 =	simm.s32 @!p0 $0x1082;
	s9 =	sld [smem:$0x3FA4]  }
0x2f: {  	lr =	sadd.s32 s0, s3;
	s0 =	sld [smem:$0x3F9B]  }
0x30: {  	s3 =	sld [smem:$0x3F9E]  }
0x31: {  	[smem:$0x3FA7] =	sst s10  }
0x32: {  	s10 =	sld [smem:$0x3FA5];
	_ =	sdelay $0x3  }
0x33: {  	p0 =	seq.s32 s10, $0x1;
	s10 =	sld [smem:$0x3FA7];
	_ =	sdelay $0x3  }
0x34: {  	[smem:$0x3FA7] =	sst s10  }
0x35: {  	s10 =	sld [smem:$0x3FA6];
	_ =	sdelay $0x3  }
0x36: {  	p1 =	seq.s32 s10, $0x1;
	s10 =	sld [smem:$0x3FA7];
	_ =	sdelay $0x3  }
0x37: {  	[smem:$0x3FA7] =	sst s10  }
0x38: {  	s10 =	sld [smem:$0x3FA8]  }
0x39: {  	_ = 	snop;
	(pc) =	sbr.ind lr, $3  }
0x3a: {  	_ = 	snop  }
0x3b: {  	_ = 	snop  }
0x3c: {  	p2 =	seq.s32 s10, $0x1;
	s10 =	sld [smem:$0x3FA7]  }
0x3d: {  	_ =	shalt  }
0x3e: {  	_ =	shalt  }
0x3f: {  	_ =	shalt  }
0x40: {  	_ =	shalt  }
0x41: {  	_ =	shalt  }
0x42: {  	_ =	shalt  }
0x43: {  	_ =	shalt  }
0x44: {  	_ =	shalt  }
0x45: {  	_ =	shalt  }
0x46: {  	_ =	shalt  }
0x47: {  	_ =	shalt  }
0x48: {  	_ =	shalt  }
0x49: {  	_ =	shalt  }
0x4a: {  	_ =	shalt  }
0x4b: {  	_ =	shalt  }
0x4c: {  	_ =	shalt  }
0x4d: {  	_ =	shalt  }
0x4e: {  	_ =	shalt  }
0x4f: {  	_ =	shalt  }
0x50: {  	_ =	shalt  }
0x51: {  	_ =	shalt  }
0x52: {  	_ =	shalt  }
0x53: {  	_ =	shalt  }
0x54: {  	_ =	shalt  }
0x55: {  	_ =	shalt  }
0x56: {  	_ =	shalt  }
0x57: {  	_ =	shalt  }
0x58: {  	_ =	shalt  }
0x59: {  	_ =	shalt  }
0x5a: {  	_ =	shalt  }
0x5b: {  	_ =	shalt  }
0x5c: {  	_ =	shalt  }
0x5d: {  	_ =	shalt  }
0x5e: {  	_ =	shalt  }
0x5f: {  	_ =	shalt  }
0x60: {  	_ =	shalt  }
0x61: {  	_ =	shalt  }
0x62: {  	_ =	shalt  }
0x63: {  	_ =	shalt  }
0x64: {  	_ =	shalt  }
0x65: {  	_ =	shalt  }
0x66: {  	_ =	shalt  }
0x67: {  	_ =	shalt  }
0x68: {  	_ =	shalt  }
0x69: {  	_ =	shalt  }
0x6a: {  	_ =	shalt  }
0x6b: {  	_ =	shalt  }
0x6c: {  	_ =	shalt  }
0x6d: {  	_ =	shalt  }
0x6e: {  	_ =	shalt  }
0x6f: {  	_ =	shalt  }
0x70: {  	_ =	shalt  }
0x71: {  	_ =	shalt  }
0x72: {  	_ =	shalt  }
0x73: {  	_ =	shalt  }
0x74: {  	_ =	shalt  }
0x75: {  	_ =	shalt  }
0x76: {  	_ =	shalt  }
0x77: {  	_ =	shalt  }
0x78: {  	_ =	shalt  }
0x79: {  	_ =	shalt  }
0x7a: {  	_ =	shalt  }
0x7b: {  	_ =	shalt  }
0x7c: {  	_ =	shalt  }
0x7d: {  	_ =	shalt  }
0x7e: {  	_ =	shalt  }
0x7f: {  	_ =	shalt  }
0x80: {  	_ =	shalt  }
0x81: {  	_ =	shalt  }
0x82: {  	_ =	shalt  }
0x83: {  	_ =	shalt  }
0x84: {  	_ =	shalt  }
0x85: {  	_ =	shalt  }
0x86: {  	_ =	shalt  }
0x87: {  	_ =	shalt  }
.Lfunc_end0:
.L_simem_size_0:
called_computation.2_lowered:
.L_overlay_start_0:
0x88: {  	s2 =	sld [smem:$0x3FD9]  }
0x89: {  	s3 =	sld [smem:$0x3FFE];
	_ =	sdelay $0x1  }
0x8a: {  	s1 =	srdreg.scid  }
0x8b: {  	s0 =	sand.u32 $0x1, s1  }
0x8c: {  	s16 =	sshll.u32 s0, $0xA;
	s2 =	sadd.s32 s3, s2  }
0x8d: {  	s2 =	sadd.s32 s2, s16  }
0x8e: {  	[smem:$0x3FB3] =	sst s2  }
0x8f: {  	_ = 	snop  }
0x90: {  	(tm) =	ssettm $0x1  }
0x91: {  	s17 =	sld [smem:$0x3FFB];
	_ =	sdelay $0x3  }
0x92: {  	_ =	strace s17  }
0x93: {  	s2 =	sld [smem:$0x3FFC];
	_ =	sdelay $0x3  }
0x94: {  	_ =	strace s2  }
0x95: {  	s2 =	sld [smem:$0x3FFD];
	_ =	sdelay $0x3  }
0x96: {  	_ =	strace s2  }
0x97: {  	_ =	strace $0x8FFFFFFF  }
0x98: {  	s18 =	sld [smem:$0x3FDB];
	_ =	sdelay $0x1  }
0x99: {  	s19 =	simm.s32 $_scs_section_size  }
0x9a: {  	s4 =	simm.s32 $_size__tile_overlayer_lowered;
	s5 =	simm.s32 $_tile_overlayer_lowered  }
0x9b: {  	s22 =	simm.s32 $0x1BFF;
	s21 =	sshll.u32 s5, $0x1;
	s2 =	sadd.s32 s19, s18  }
0x9c: {  	s6 =	simm.s32 $0x0;
	s20 =	sshll.u32 s4, $0x1;
	s4 =	sadd.s32 s21, s2  }
0x9d: {  	[timem:s6], [sflag:s22] =	dma.local [hbm:s4], s20  }
0x9e: {  	_ =	swait.ge [sflag:s22], s20  }
0x9f: {  	s3 =	ssub.s32 $0x0, s20;
	[sflag:s22] =	ssyncset.done $0x0  }
0xa0: {  	[sflag:s22] =	ssyncadd.s32 s3;
	_ =	sdelay $0x1  }
0xa1: {  	s23 =	simm.s32 $0x1B8B  }
0xa2: {  	_ =	swait.ge [sflag:s23], $0x1  }
0xa3: {  	[sflag:s23] =	ssyncset.done $0x0  }
0xa4: {  	s25 =	simm.s32 $0x1B8E;
	s24 =	sld [smem:$0x3FFE];
	[sflag:s23] =	ssyncadd.s32 $0xFFFFFFFF  }
0xa5: {  	s26 =	simm.s32 $execute0_lowered;
	[smem:$0x3FD2] =	sst s25  }
0xa6: {  	s4 =	sshll.u32 s26, $0x1;
	_ =	strace $0x8000004C;
	[dreg:$0x1] =	wrdreg $0xFFFFFFFF  }
0xa7: {  	s28 =	simm.s32 $_size_execute0_lowered;
	s2 =	sadd.s32 s2, s4;
	[dreg:$0x0] =	wrdreg $0x0  }
0xa8: {  	s4 =	sshll.u32 s28, $0x1;
	[dreg:$0x2] =	wrdreg s2  }
0xa9: {  	[dreg:$0x3] =	wrdreg s4  }
0xaa: {  	[dreg:$0x4] =	wrdreg $0xC0  }
0xab: {  	_ =	task [dreg:s6], $0x5FFFF  }
0xac: {  	[dreg:$0x1] =	wrdreg $0xFFFFFFFF  }
0xad: {  	[dreg:$0x0] =	wrdreg $0x60  }
0xae: {  	[dreg:$0x2] =	wrdreg s24  }
0xaf: {  	[dreg:$0x3] =	wrdreg $0xA8000  }
0xb0: {  	[dreg:$0x4] =	wrdreg $0x9  }
0xb1: {  	_ =	task.clear_ibuf [dreg:s6], $0x5FFFF;
	_ =	strace $0x9000004C  }
0xb2: {  	s29 =	simm.s32 $0x9;
	_ =	strace $0x8000004E  }
0xb3: {  	_ =	swait.ge [sflag:s29], $0x1  }
0xb4: {  	[sflag:s29] =	ssyncadd.s32 $0xFFFFFFFF  }
0xb5: {  	_ =	strace $0x9000004E  }
0xb6: {  	_ =	sfence  }
0xb7: {  	s30 =	sld [smem:$0x0];
	_ =	sdelay $0x2  }
0xb8: {  	s31 =	sshll.u32 s1, $0xD;
	s1 =	sshrl.u32 s1, $0x2  }
0xb9: {  	s3 =	sand.u32 $0x4000, s31;
	s1 =	sadd.s32 s1, s30  }
0xba: {  	s0 =	sor.u32 s3, s0;
	s1 =	sshll.u32 s1, $0x11  }
0xbb: {  	s0 =	sor.u32 s1, s0  }
0xbc: {  	s0 =	sadd.s32 $0x8F2B, s0  }
0xbd: {  	[sflag:s0] =	ssyncadd.remote.s32 $0x1  }
0xbe: {  	_ =	sfence.sel $0xFFFF  }
0xbf: {  	[dreg:$0x0] =	wrdreg $0xFFFFFFFF;
	(pc) =	sbr.abs _section_cstart, $3  }
0xc0: {  	[dreg:$0x1] =	wrdreg $0xFFFFFFFF  }
0xc1: {  	_ =	task.clear_ibuf [dreg:s6], $0x2FFFF;
	_ =	strace $0x9FFFFFFF  }
0xc2: {  	(tm) =	ssettm $0x7FFFFFFF  }
0xc3: {  	_ =	shalt  }
tec
execute0_lowered:
.L_overlay_start_1:
0x0: {  	(tag) =	ssettag $0x1  }
0x1: {  	s5 =	rddreg [dreg:$0x0]  }
0x2: {  	s2 =	rddreg [dreg:$0x1]  }
0x3: {  	s0 =	rddreg [dreg:$0x2]  }
0x4: {  	s3 =	simm.s32 $0x0;
	s1 =	stileid.u32;
	s4 =	srdreg.scid  }
0x5: {  	s16 =	simm.s32 $0x80;
	s17 =	simm.s32 $0x2800;
	s18 =	simm.s32 $0x6800  }
0x6: {  	s19 =	simm.s32 $0x1;
	s20 =	simm.s32 $0x2;
	s21 =	simm.s32 $0x1380  }
0x7: {  	s22 =	simm.s32 $0x2700;
	s23 =	simm.s32 $0x2780;
	s24 =	simm.s32 $0x0  }
0x8: {  	[smem:$0x7FF] =	sst s3;
	s6 =	smul.u32 $0x14000, s1;
	s7 =	sand.u32 $0x1, s4  }
0x9: {  	s4 =	sadd.s32 $0x4200, s5;
	s9 =	sadd.s32 $0x2C200, s5;
	s10 =	sadd.s32 $0x36200, s5  }
0xa: {  	s12 =	smul.u32 $0x50000, s1;
	s30 =	sshll.u32 s1, $0x6;
	_ =	strace $0x8000004D  }
0xb: {  	s8 =	smul.u32 $0x140000, s7;
	s28 =	sshll.u32 s7, $0x4;
	s7 =	ssub.s32 $0x2, s7  }
0xc: {  	s11 =	sshrl.u32 s6, $0x3;
	s13 =	sshrl.u32 s7, $0x1;
	s29 =	sshrl.u32 s12, $0x2  }
0xd: {  	s11 =	sadd.s32 s11, s5;
	s6 =	sadd.s32 s6, s8;
	s8 =	sor.u32 s1, s28  }
0xe: {  	s13 =	ssub.s32 s7, s13;
	s15 =	sadd.s32 s29, s2;
	s6 =	sshrl.u32 s6, $0x3  }
0xf: {  	s8 =	smul.u32 $0x2800, s8;
	s12 =	smax.u32 s13, $0x1;
	s13 =	sshrl.u32 s15, $0x3  }
0x10: {  	s15 =	simm.s32 $0x1400;
	s14 =	sadd.s32 s6, s5;
	s5 =	sadd.s32 $0x40200, s11  }
0x11: {  	s6 =	sor.u32 $0x1C03, s30;
	s8 =	sshrl.u32 s8, $0x3;
	s11 =	sadd.s32 $0x68200, s14  }
0x12: {  	s14 =	simm.s32 $0x3;
	s31 =	sadd.s32 $0x280, s8;
	s7 =	sadd.s32 s9, s8  }
0x13: {  	s8 =	sadd.s32 s10, s8;
	s9 =	sadd.s32 s9, s31;
	s10 =	sadd.s32 s10, s31  }
.LBB2_1:
0x14: {  	[spmem:s13], [sflag:s6] =	dma.local [hbm:s5], $0x2800  }
0x15: {  	_ =	swait.ge [sflag:s14], $0x2800  }
0x16: {  	[sflag:s14] =	ssyncset.done $0x0  }
0x17: {  	[sflag:s14] =	ssyncadd.s32 $0xFFFFD800  }
0x18: {  	[bflag:$0x0] =	sbarrier.arrive $0xFFFF  }
0x19: {  	[tilespmem:s3], [sflag:$0x3] =	stream.linear.gather [hbm4b:s7+s3], $0x1400, $0x38;
	[tilespmem:$0x1E800] =	vst v63  }
0x1a: {  	_ =	swait.ge [sflag:s14], $0x1400  }
0x1b: {  	[sflag:s14] =	ssyncset.done $0x0  }
0x1c: {  	[sflag:s14] =	ssyncadd.s32 $0xFFFFEC00  }
0x1d: {  	[tilespmem:s15], [sflag:$0x3] =	stream.linear.gather [hbm4b:s8+s3], $0x1400, $0x38;
	[tilespmem:$0x1E800] =	vst v63  }
0x1e: {  	_ =	swait.ge [sflag:s14], $0x1400  }
0x1f: {  	[sflag:s14] =	ssyncset.done $0x0  }
0x20: {  	[sflag:s14] =	ssyncadd.s32 $0xFFFFEC00  }
0x21: {  	[tilespmem:s17], [sflag:$0x1] =	stream.indirect.gather [hbm4b:s4+s16], $0x80, s3, s16, $0xb8;
	[tilespmem:$0x1E800] =	vst v63  }
0x22: {  	s25 =	simm.s32 $0x80  }
0x23: {  	[tilespmem:s18], [sflag:$0x2] =	stream.indirect.gather [hbm4b:s4+s16], $0x80, s25, s16, $0xb8;
	[tilespmem:$0x1E800] =	vst v63  }
0x24: {  	_ =	swait.ge [sflag:s19], $0x4000  }
0x25: {  	[sflag:s19] =	ssyncset.done $0x0  }
0x26: {  	s29 =	simm.s32 $0x1400;
	[sflag:s19] =	ssyncadd.s32 $0xFFFFC000  }
0x27: {  	[spmem:s2] =	stream.indirect.scatter.add.f32 [tilespmem:s17], [sflag:$0x3], $0x80, s29, s16, $0xb8;
	[tilespmem:$0x1E800] =	vst v63  }
0x28: {  	_ =	swait.ge [sflag:s14], $0x4000  }
0x29: {  	[sflag:s14] =	ssyncset.done $0x0  }
0x2a: {  	s30 =	simm.s32 $0x100;
	[sflag:s14] =	ssyncadd.s32 $0xFFFFC000  }
0x2b: {  	[tilespmem:s17], [sflag:$0x1] =	stream.indirect.gather [hbm4b:s4+s16], $0x80, s30, s16, $0xb8;
	[tilespmem:$0x1E800] =	vst v63  }
0x2c: {  	_ =	swait.ge [sflag:s20], $0x4000  }
0x2d: {  	[sflag:s20] =	ssyncset.done $0x0  }
0x2e: {  	s31 =	simm.s32 $0x1480;
	[sflag:s20] =	ssyncadd.s32 $0xFFFFC000  }
0x2f: {  	[spmem:s2] =	stream.indirect.scatter.add.f32 [tilespmem:s18], [sflag:$0x3], $0x80, s31, s16, $0xb8;
	[tilespmem:$0x1E800] =	vst v63  }
0x30: {  	_ =	swait.ge [sflag:s14], $0x4000  }
0x31: {  	s26 =	simm.s32 $0x800;
	s25 =	simm.s32 $0x100;
	[sflag:s14] =	ssyncset.done $0x0  }
.LBB2_2:
0x32: {  	s28 =	sadd.s32 $0x80, s25  }
0x33: {  	[sflag:s14] =	ssyncadd.s32 $0xFFFFC000;
	s29 =	smov.u32 s26;
	s30 =	sadd.s32 $0x400, s26  }
0x34: {  	[tilespmem:s18], [sflag:$0x2] =	stream.indirect.gather [hbm4b:s4+s16], $0x80, s28, s16, $0xb8;
	[tilespmem:$0x1E800] =	vst v63  }
0x35: {  	p0 =	sne.s32 s26, $0x4800;
	_ =	swait.ge [sflag:s19], $0x4000  }
0x36: {  	[sflag:s19] =	ssyncset.done $0x0  }
0x37: {  	s26 =	sadd.s32 $0x1400, s25;
	[sflag:s19] =	ssyncadd.s32 $0xFFFFC000  }
0x38: {  	[spmem:s2] =	stream.indirect.scatter.add.f32 [tilespmem:s17], [sflag:$0x3], $0x80, s26, s16, $0xb8;
	[tilespmem:$0x1E800] =	vst v63  }
0x39: {  	_ =	swait.ge [sflag:s14], $0x4000  }
0x3a: {  	[sflag:s14] =	ssyncset.done $0x0  }
0x3b: {  	s26 =	sadd.s32 $0x100, s25;
	[sflag:s14] =	ssyncadd.s32 $0xFFFFC000  }
0x3c: {  	[tilespmem:s17], [sflag:$0x1] =	stream.indirect.gather [hbm4b:s4+s16], $0x80, s26, s16, $0xb8;
	[tilespmem:$0x1E800] =	vst v63  }
0x3d: {  	_ =	swait.ge [sflag:s20], $0x4000  }
.Ltmp0:
0x3e: {  	[sflag:s20] =	ssyncset.done $0x0;
	(pc) =	sbr.rel @p0 .LBB2_2-.Ltmp0, $4  }
0x3f: {  	s25 =	sadd.s32 $0x1480, s25;
	[sflag:s20] =	ssyncadd.s32 $0xFFFFC000  }
0x40: {  	[spmem:s2] =	stream.indirect.scatter.add.f32 [tilespmem:s18], [sflag:$0x3], $0x80, s25, s16, $0xb8;
	[tilespmem:$0x1E800] =	vst v63  }
0x41: {  	_ =	swait.ge [sflag:s14], $0x4000  }
0x42: {  	s26 =	smov.u32 s30;
	s25 =	sshra.s32 s29, $0x2;
	[sflag:s14] =	ssyncset.done $0x0  }
0x43: {  	s26 =	sadd.s32 $0x80, s25;
	[sflag:s14] =	ssyncadd.s32 $0xFFFFC000  }
0x44: {  	[tilespmem:s18], [sflag:$0x2] =	stream.indirect.gather [hbm4b:s4+s16], $0x80, s26, s16, $0xb8;
	[tilespmem:$0x1E800] =	vst v63  }
0x45: {  	_ =	swait.ge [sflag:s19], $0x4000  }
0x46: {  	[sflag:s19] =	ssyncset.done $0x0  }
0x47: {  	s29 =	sadd.s32 $0x1400, s25;
	[sflag:s19] =	ssyncadd.s32 $0xFFFFC000  }
0x48: {  	[spmem:s2] =	stream.indirect.scatter.add.f32 [tilespmem:s17], [sflag:$0x3], $0x80, s29, s16, $0xb8;
	[tilespmem:$0x1E800] =	vst v63  }
0x49: {  	_ =	swait.ge [sflag:s14], $0x4000  }
0x4a: {  	[sflag:s14] =	ssyncset.done $0x0  }
0x4b: {  	s30 =	sadd.s32 $0x100, s25;
	[sflag:s14] =	ssyncadd.s32 $0xFFFFC000  }
0x4c: {  	[tilespmem:s17], [sflag:$0x1] =	stream.indirect.gather [hbm4b:s4+s16], $0x80, s30, s16, $0xb8;
	[tilespmem:$0x1E800] =	vst v63  }
0x4d: {  	_ =	swait.ge [sflag:s20], $0x4000  }
0x4e: {  	[sflag:s20] =	ssyncset.done $0x0  }
0x4f: {  	s31 =	sadd.s32 $0x1480, s25;
	[sflag:s20] =	ssyncadd.s32 $0xFFFFC000  }
0x50: {  	[spmem:s2] =	stream.indirect.scatter.add.f32 [tilespmem:s18], [sflag:$0x3], $0x80, s31, s16, $0xb8;
	[tilespmem:$0x1E800] =	vst v63  }
0x51: {  	_ =	swait.ge [sflag:s14], $0x4000  }
0x52: {  	[sflag:s14] =	ssyncset.done $0x0  }
0x53: {  	[sflag:s14] =	ssyncadd.s32 $0xFFFFC000  }
0x54: {  	[tilespmem:s18], [sflag:$0x2] =	stream.indirect.gather [hbm4b:s4+s16], $0x80, s21, s16, $0xb8;
	[tilespmem:$0x1E800] =	vst v63  }
0x55: {  	_ =	swait.ge [sflag:s19], $0x4000  }
0x56: {  	[sflag:s19] =	ssyncset.done $0x0  }
0x57: {  	[sflag:s19] =	ssyncadd.s32 $0xFFFFC000  }
0x58: {  	[spmem:s2] =	stream.indirect.scatter.add.f32 [tilespmem:s17], [sflag:$0x3], $0x80, s22, s16, $0xb8;
	[tilespmem:$0x1E800] =	vst v63  }
0x59: {  	_ =	swait.ge [sflag:s14], $0x4000  }
0x5a: {  	[sflag:s14] =	ssyncset.done $0x0  }
0x5b: {  	[sflag:s14] =	ssyncadd.s32 $0xFFFFC000  }
0x5c: {  	_ =	swait.ge [sflag:s20], $0x4000  }
0x5d: {  	[sflag:s20] =	ssyncset.done $0x0  }
0x5e: {  	[sflag:s20] =	ssyncadd.s32 $0xFFFFC000  }
0x5f: {  	[spmem:s2] =	stream.indirect.scatter.add.f32 [tilespmem:s18], [sflag:$0x3], $0x80, s23, s16, $0xb8;
	[tilespmem:$0x1E800] =	vst v63  }
0x60: {  	_ =	swait.ge [sflag:s14], $0x4000  }
0x61: {  	[sflag:s14] =	ssyncset.done $0x0  }
0x62: {  	s26 =	simm.s32 $0x0;
	[sflag:s14] =	ssyncadd.s32 $0xFFFFC000  }
0x63: {  	[tilespmem:s26], [sflag:$0x3] =	stream.linear.gather [hbm4b:s9+s26], $0x1400, $0x38;
	[tilespmem:$0x1E800] =	vst v63  }
0x64: {  	_ =	swait.ge [sflag:s14], $0x1400  }
0x65: {  	[sflag:s14] =	ssyncset.done $0x0  }
0x66: {  	[sflag:s14] =	ssyncadd.s32 $0xFFFFEC00  }
0x67: {  	[tilespmem:s15], [sflag:$0x3] =	stream.linear.gather [hbm4b:s10+s26], $0x1400, $0x38;
	[tilespmem:$0x1E800] =	vst v63  }
0x68: {  	_ =	swait.ge [sflag:s14], $0x1400  }
0x69: {  	[sflag:s14] =	ssyncset.done $0x0  }
0x6a: {  	[sflag:s14] =	ssyncadd.s32 $0xFFFFEC00  }
0x6b: {  	[tilespmem:s17], [sflag:$0x1] =	stream.indirect.gather [hbm4b:s4+s16], $0x80, s26, s16, $0xb8;
	[tilespmem:$0x1E800] =	vst v63  }
0x6c: {  	s28 =	simm.s32 $0x80  }
0x6d: {  	[tilespmem:s18], [sflag:$0x2] =	stream.indirect.gather [hbm4b:s4+s16], $0x80, s28, s16, $0xb8;
	[tilespmem:$0x1E800] =	vst v63  }
0x6e: {  	_ =	swait.ge [sflag:s19], $0x4000  }
0x6f: {  	[sflag:s19] =	ssyncset.done $0x0  }
0x70: {  	s29 =	simm.s32 $0x1400;
	[sflag:s19] =	ssyncadd.s32 $0xFFFFC000  }
0x71: {  	[spmem:s2] =	stream.indirect.scatter.add.f32 [tilespmem:s17], [sflag:$0x3], $0x80, s29, s16, $0xb8;
	[tilespmem:$0x1E800] =	vst v63  }
0x72: {  	_ =	swait.ge [sflag:s14], $0x4000  }
0x73: {  	[sflag:s14] =	ssyncset.done $0x0  }
0x74: {  	s30 =	simm.s32 $0x100;
	[sflag:s14] =	ssyncadd.s32 $0xFFFFC000  }
0x75: {  	[tilespmem:s17], [sflag:$0x1] =	stream.indirect.gather [hbm4b:s4+s16], $0x80, s30, s16, $0xb8;
	[tilespmem:$0x1E800] =	vst v63  }
0x76: {  	_ =	swait.ge [sflag:s20], $0x4000  }
0x77: {  	[sflag:s20] =	ssyncset.done $0x0  }
0x78: {  	s31 =	simm.s32 $0x1480;
	[sflag:s20] =	ssyncadd.s32 $0xFFFFC000  }
0x79: {  	[spmem:s2] =	stream.indirect.scatter.add.f32 [tilespmem:s18], [sflag:$0x3], $0x80, s31, s16, $0xb8;
	[tilespmem:$0x1E800] =	vst v63  }
0x7a: {  	_ =	swait.ge [sflag:s14], $0x4000  }
0x7b: {  	s25 =	simm.s32 $0x100;
	s26 =	simm.s32 $0x800;
	[sflag:s14] =	ssyncset.done $0x0  }
.LBB2_4:
0x7c: {  	s28 =	sadd.s32 $0x80, s25  }
0x7d: {  	[sflag:s14] =	ssyncadd.s32 $0xFFFFC000;
	s29 =	smov.u32 s26;
	s30 =	sadd.s32 $0x400, s26  }
0x7e: {  	[tilespmem:s18], [sflag:$0x2] =	stream.indirect.gather [hbm4b:s4+s16], $0x80, s28, s16, $0xb8;
	[tilespmem:$0x1E800] =	vst v63  }
0x7f: {  	p0 =	sne.s32 s26, $0x4800;
	_ =	swait.ge [sflag:s19], $0x4000  }
0x80: {  	[sflag:s19] =	ssyncset.done $0x0  }
0x81: {  	s26 =	sadd.s32 $0x1400, s25;
	[sflag:s19] =	ssyncadd.s32 $0xFFFFC000  }
0x82: {  	[spmem:s2] =	stream.indirect.scatter.add.f32 [tilespmem:s17], [sflag:$0x3], $0x80, s26, s16, $0xb8;
	[tilespmem:$0x1E800] =	vst v63  }
0x83: {  	_ =	swait.ge [sflag:s14], $0x4000  }
0x84: {  	[sflag:s14] =	ssyncset.done $0x0  }
0x85: {  	s26 =	sadd.s32 $0x100, s25;
	[sflag:s14] =	ssyncadd.s32 $0xFFFFC000  }
0x86: {  	[tilespmem:s17], [sflag:$0x1] =	stream.indirect.gather [hbm4b:s4+s16], $0x80, s26, s16, $0xb8;
	[tilespmem:$0x1E800] =	vst v63  }
0x87: {  	_ =	swait.ge [sflag:s20], $0x4000  }
.Ltmp1:
0x88: {  	[sflag:s20] =	ssyncset.done $0x0;
	(pc) =	sbr.rel @p0 .LBB2_4-.Ltmp1, $4  }
0x89: {  	s25 =	sadd.s32 $0x1480, s25;
	[sflag:s20] =	ssyncadd.s32 $0xFFFFC000  }
0x8a: {  	[spmem:s2] =	stream.indirect.scatter.add.f32 [tilespmem:s18], [sflag:$0x3], $0x80, s25, s16, $0xb8;
	[tilespmem:$0x1E800] =	vst v63  }
0x8b: {  	_ =	swait.ge [sflag:s14], $0x4000  }
0x8c: {  	s26 =	smov.u32 s30;
	s25 =	sshra.s32 s29, $0x2;
	[sflag:s14] =	ssyncset.done $0x0  }
0x8d: {  	s26 =	sadd.s32 $0x80, s25;
	[sflag:s14] =	ssyncadd.s32 $0xFFFFC000  }
0x8e: {  	[tilespmem:s18], [sflag:$0x2] =	stream.indirect.gather [hbm4b:s4+s16], $0x80, s26, s16, $0xb8;
	[tilespmem:$0x1E800] =	vst v63  }
0x8f: {  	_ =	swait.ge [sflag:s19], $0x4000  }
0x90: {  	[sflag:s19] =	ssyncset.done $0x0  }
0x91: {  	s29 =	sadd.s32 $0x1400, s25;
	[sflag:s19] =	ssyncadd.s32 $0xFFFFC000  }
0x92: {  	[spmem:s2] =	stream.indirect.scatter.add.f32 [tilespmem:s17], [sflag:$0x3], $0x80, s29, s16, $0xb8;
	[tilespmem:$0x1E800] =	vst v63  }
0x93: {  	_ =	swait.ge [sflag:s14], $0x4000  }
0x94: {  	[sflag:s14] =	ssyncset.done $0x0  }
0x95: {  	s30 =	sadd.s32 $0x100, s25;
	[sflag:s14] =	ssyncadd.s32 $0xFFFFC000  }
0x96: {  	[tilespmem:s17], [sflag:$0x1] =	stream.indirect.gather [hbm4b:s4+s16], $0x80, s30, s16, $0xb8;
	[tilespmem:$0x1E800] =	vst v63  }
0x97: {  	_ =	swait.ge [sflag:s20], $0x4000  }
0x98: {  	[sflag:s20] =	ssyncset.done $0x0  }
0x99: {  	s31 =	sadd.s32 $0x1480, s25;
	[sflag:s20] =	ssyncadd.s32 $0xFFFFC000  }
0x9a: {  	[spmem:s2] =	stream.indirect.scatter.add.f32 [tilespmem:s18], [sflag:$0x3], $0x80, s31, s16, $0xb8;
	[tilespmem:$0x1E800] =	vst v63  }
0x9b: {  	_ =	swait.ge [sflag:s14], $0x4000  }
0x9c: {  	[sflag:s14] =	ssyncset.done $0x0  }
0x9d: {  	[sflag:s14] =	ssyncadd.s32 $0xFFFFC000  }
0x9e: {  	[tilespmem:s18], [sflag:$0x2] =	stream.indirect.gather [hbm4b:s4+s16], $0x80, s21, s16, $0xb8;
	[tilespmem:$0x1E800] =	vst v63  }
0x9f: {  	_ =	swait.ge [sflag:s19], $0x4000  }
0xa0: {  	[sflag:s19] =	ssyncset.done $0x0  }
0xa1: {  	[sflag:s19] =	ssyncadd.s32 $0xFFFFC000  }
0xa2: {  	[spmem:s2] =	stream.indirect.scatter.add.f32 [tilespmem:s17], [sflag:$0x3], $0x80, s22, s16, $0xb8;
	[tilespmem:$0x1E800] =	vst v63  }
0xa3: {  	_ =	swait.ge [sflag:s14], $0x4000  }
0xa4: {  	[sflag:s14] =	ssyncset.done $0x0  }
0xa5: {  	[sflag:s14] =	ssyncadd.s32 $0xFFFFC000  }
0xa6: {  	_ =	swait.ge [sflag:s20], $0x4000  }
0xa7: {  	[sflag:s20] =	ssyncset.done $0x0  }
0xa8: {  	[sflag:s20] =	ssyncadd.s32 $0xFFFFC000  }
0xa9: {  	[spmem:s2] =	stream.indirect.scatter.add.f32 [tilespmem:s18], [sflag:$0x3], $0x80, s23, s16, $0xb8;
	[tilespmem:$0x1E800] =	vst v63  }
0xaa: {  	_ =	swait.ge [sflag:s14], $0x4000  }
0xab: {  	s24 =	sadd.s32 $0x1, s24;
	[sflag:s14] =	ssyncset.done $0x0  }
0xac: {  	p0 =	sne.s32 s24, s12;
	[sflag:s14] =	ssyncadd.s32 $0xFFFFC000  }
.Ltmp2:
0xad: {  	[bflag:$0x0] =	sbarrier.arrive $0xFFFF;
	(pc) =	sbr.rel @p0 .LBB2_1-.Ltmp2, $4  }
0xae: {  	[hbm:s11], [sflag:s6] =	dma.local [spmem:s13], $0x2800  }
0xaf: {  	_ =	swait.ge [sflag:s14], $0x2800  }
0xb0: {  	[sflag:s14] =	ssyncset.done $0x0  }
0xb1: {  	[sflag:s14] =	ssyncadd.s32 $0xFFFFD800  }
0xb2: {  	_ =	sfence.sel $0x180000  }
0xb3: {  	[bflag:$0x0] =	sbarrier.arrive $0xFFFF  }
0xb4: {  	p0 =	sne.s32 s1, $0x0;
	_ =	strace $0x9000004D  }
0xb5: {  	s0 =	sadd.s32 @!p0 $0x100000, s0;
	[bflag:$0x2] =	sbarrier.arrive $0xFFFF  }
0xb6: {  	[sflag:s0] =	ssyncadd.tile.s32 @!p0 $0x1;
	_ =	shalt  }
.Lfunc_end2:
_tile_overlayer_lowered:
.L_overlay_start_2:
0xb7: {  	(tag) =	ssettag $0x2  }
0xb8: {  	s0 =	rddreg [dreg:$0x0];
	s2 =	stileid.u32  }
0xb9: {  	s1 =	rddreg [dreg:$0x1];
	p0 =	sne.s32 s2, $0x0  }
0xba: {  	s3 =	rddreg [dreg:$0x2];
	[bflag:$0x3] =	sbarrier.arrive $0xFFFF;
	s2 =	simm.s32 @!p0 $0x1C03  }
0xbb: {  	[timem:s3], [sflag:s2] =	dma.local @!p0 [hbm:s0], s1  }
0xbc: {  	s0 =	simm.s32 @!p0 $0x3  }
0xbd: {  	_ =	swait.ge @!p0 [sflag:s0], s1  }
0xbe: {  	s1 =	ssub.s32 @!p0 $0x0, s1;
	[sflag:s0] =	ssyncset.done @!p0 $0x0  }
0xbf: {  	[sflag:s0] =	ssyncadd.s32 @!p0 s1  }
0xc0: {  	[bflag:$0x3] =	sbarrier.arrive $0xFFFF  }
0xc1: {  	_ =	shalt  }

// kernel: kernel.8.cloned.1.call-start
scs
__scs_entry_jumppad:
0x0: {  	(pc) =	sbr.rel $0x88, $3  }
0x1: {  	(tag) =	ssettag $0x0;
	lr =	simm.s32 $0x1  }
0x2: {  	[smem:$0x3F8C] =	sst lr;
	_ =	strace $0xD0000000  }
0x3: {  	_ = 	snop  }
0x4: {  	_ = 	snop  }
0x5: {  	_ = 	snop  }
0x6: {  	_ = 	snop  }
0x7: {  	_ = 	snop  }
__scs_overlays_trampoline_lowered:
0x8: {  	[smem:$0x3F9B] =	sst s0  }
0x9: {  	[smem:$0x3F9C] =	sst s1  }
0xa: {  	[smem:$0x3F9D] =	sst s2  }
0xb: {  	[smem:$0x3F9E] =	sst s3  }
0xc: {  	[smem:$0x3F9F] =	sst s4  }
0xd: {  	[smem:$0x3FA0] =	sst s5  }
0xe: {  	[smem:$0x3FA1] =	sst s6  }
0xf: {  	[smem:$0x3FA2] =	sst s7  }
0x10: {  	[smem:$0x3FA3] =	sst s8  }
0x11: {  	[smem:$0x3FA4] =	sst s9;
	s0 =	simm.s32 @!p0 $0x0  }
0x12: {  	s1 =	sld [smem:$0x3F8A];
	s0 =	simm.s32 @p0 $0x1  }
0x13: {  	[smem:$0x3FA5] =	sst s0;
	s0 =	simm.s32 @!p1 $0x0  }
0x14: {  	s2 =	sld [smem:$0x3F89];
	s0 =	simm.s32 @p1 $0x1  }
0x15: {  	[smem:$0x3FA6] =	sst s0;
	s0 =	simm.s32 @!p2 $0x0  }
0x16: {  	s3 =	sld [smem:$0x3FDB];
	s0 =	simm.s32 @p2 $0x1  }
0x17: {  	s4 =	simm.s32 $0x1BF5;
	[smem:$0x3FA8] =	sst s0  }
0x18: {  	s0 =	sld [smem:$0x3F8B];
	_ =	swait.ge [sflag:s4], $0x0  }
0x19: {  	s7 =	sld [smem:$0x3F8C]  }
0x1a: {  	s8 =	sadd.s32 $0xFFFFE003, lr  }
0x1b: {  	s9 =	sadd.s32 $0xFFFFFEF7, lr;
	s5 =	simm.s32 $0xFFFFFFFF;
	p2 =	slt.u32 s8, $0xFFFFF086  }
0x1c: {  	p1 =	slt.u32 s9, $0xF7A;
	s5 =	simm.s32 @!p2 $0x0  }
0x1d: {  	s5 =	simm.s32 @p1 $0x1;
	p0 =	seq.s32 s7, s2  }
0x1e: {  	s7 =	smul.u32 @!p0 $0xF7A, s2;
	p2 =	seq.s32 @!p0 s5, $0x0  }
0x1f: {  	s9 =	smul.u32 $0xF7A, s1;
	s8 =	simm.s32 @!p0 $0x1BF5;
	p2 =	por !p2, p0  }
0x20: {  	[sflag:s8] =	ssyncset.s32 @!p0 $0xFFFFF086;
	s6 =	sadd.s32 @!p0 s3, s7;
	s7 =	simm.s32 @!p0 $0x108  }
0x21: {  	s3 =	sadd.s32 s3, s9;
	s6 =	sadd.s32 @!p0 $0x88, s6;
	s7 =	simm.s32 @p2 $0x1082  }
0x22: {  	[simem:s7], [sflag:s8] =	dma.local @!p0 [hbm:s6], $0xF7A  }
0x23: {  	s9 =	sor.u32 $0xD0000000, s2;
	s6 =	simm.s32 $0x108;
	_ =	swait.ge @!p0 [sflag:s8], $0x0  }
0x24: {  	s3 =	sadd.s32 $0x88, s3;
	s6 =	simm.s32 @!p1 $0x1082;
	[sflag:s4] =	ssyncset.s32 $0xFFFFF086  }
0x25: {  	[simem:s6], [sflag:s4] =	dma.local [hbm:s3], $0xF7A  }
0x26: {  	[smem:$0x3F8C] =	sst s1;
	(tag) =	ssettag s2;
	_ =	strace s9  }
0x27: {  	s1 =	sld [smem:$0x3F9C]  }
0x28: {  	s2 =	sld [smem:$0x3F9D]  }
0x29: {  	s4 =	sld [smem:$0x3F9F]  }
0x2a: {  	p0 =	seq.s32 s5, $0x0;
	s5 =	sld [smem:$0x3FA0]  }
0x2b: {  	s6 =	sld [smem:$0x3FA1]  }
0x2c: {  	s7 =	sld [smem:$0x3FA2]  }
0x2d: {  	s3 =	simm.s32 $0x108;
	s8 =	sld [smem:$0x3FA3]  }
0x2e: {  	s3 =	simm.s32 @!p0 $0x1082;
	s9 =	sld [smem:$0x3FA4]  }
0x2f: {  	lr =	sadd.s32 s0, s3;
	s0 =	sld [smem:$0x3F9B]  }
0x30: {  	s3 =	sld [smem:$0x3F9E]  }
0x31: {  	[smem:$0x3FA7] =	sst s10  }
0x32: {  	s10 =	sld [smem:$0x3FA5];
	_ =	sdelay $0x3  }
0x33: {  	p0 =	seq.s32 s10, $0x1;
	s10 =	sld [smem:$0x3FA7];
	_ =	sdelay $0x3  }
0x34: {  	[smem:$0x3FA7] =	sst s10  }
0x35: {  	s10 =	sld [smem:$0x3FA6];
	_ =	sdelay $0x3  }
0x36: {  	p1 =	seq.s32 s10, $0x1;
	s10 =	sld [smem:$0x3FA7];
	_ =	sdelay $0x3  }
0x37: {  	[smem:$0x3FA7] =	sst s10  }
0x38: {  	s10 =	sld [smem:$0x3FA8]  }
0x39: {  	_ = 	snop;
	(pc) =	sbr.ind lr, $3  }
0x3a: {  	_ = 	snop  }
0x3b: {  	_ = 	snop  }
0x3c: {  	p2 =	seq.s32 s10, $0x1;
	s10 =	sld [smem:$0x3FA7]  }
0x3d: {  	_ =	shalt  }
0x3e: {  	_ =	shalt  }
0x3f: {  	_ =	shalt  }
0x40: {  	_ =	shalt  }
0x41: {  	_ =	shalt  }
0x42: {  	_ =	shalt  }
0x43: {  	_ =	shalt  }
0x44: {  	_ =	shalt  }
0x45: {  	_ =	shalt  }
0x46: {  	_ =	shalt  }
0x47: {  	_ =	shalt  }
0x48: {  	_ =	shalt  }
0x49: {  	_ =	shalt  }
0x4a: {  	_ =	shalt  }
0x4b: {  	_ =	shalt  }
0x4c: {  	_ =	shalt  }
0x4d: {  	_ =	shalt  }
0x4e: {  	_ =	shalt  }
0x4f: {  	_ =	shalt  }
0x50: {  	_ =	shalt  }
0x51: {  	_ =	shalt  }
0x52: {  	_ =	shalt  }
0x53: {  	_ =	shalt  }
0x54: {  	_ =	shalt  }
0x55: {  	_ =	shalt  }
0x56: {  	_ =	shalt  }
0x57: {  	_ =	shalt  }
0x58: {  	_ =	shalt  }
0x59: {  	_ =	shalt  }
0x5a: {  	_ =	shalt  }
0x5b: {  	_ =	shalt  }
0x5c: {  	_ =	shalt  }
0x5d: {  	_ =	shalt  }
0x5e: {  	_ =	shalt  }
0x5f: {  	_ =	shalt  }
0x60: {  	_ =	shalt  }
0x61: {  	_ =	shalt  }
0x62: {  	_ =	shalt  }
0x63: {  	_ =	shalt  }
0x64: {  	_ =	shalt  }
0x65: {  	_ =	shalt  }
0x66: {  	_ =	shalt  }
0x67: {  	_ =	shalt  }
0x68: {  	_ =	shalt  }
0x69: {  	_ =	shalt  }
0x6a: {  	_ =	shalt  }
0x6b: {  	_ =	shalt  }
0x6c: {  	_ =	shalt  }
0x6d: {  	_ =	shalt  }
0x6e: {  	_ =	shalt  }
0x6f: {  	_ =	shalt  }
0x70: {  	_ =	shalt  }
0x71: {  	_ =	shalt  }
0x72: {  	_ =	shalt  }
0x73: {  	_ =	shalt  }
0x74: {  	_ =	shalt  }
0x75: {  	_ =	shalt  }
0x76: {  	_ =	shalt  }
0x77: {  	_ =	shalt  }
0x78: {  	_ =	shalt  }
0x79: {  	_ =	shalt  }
0x7a: {  	_ =	shalt  }
0x7b: {  	_ =	shalt  }
0x7c: {  	_ =	shalt  }
0x7d: {  	_ =	shalt  }
0x7e: {  	_ =	shalt  }
0x7f: {  	_ =	shalt  }
0x80: {  	_ =	shalt  }
0x81: {  	_ =	shalt  }
0x82: {  	_ =	shalt  }
0x83: {  	_ =	shalt  }
0x84: {  	_ =	shalt  }
0x85: {  	_ =	shalt  }
0x86: {  	_ =	shalt  }
0x87: {  	_ =	shalt  }
.Lfunc_end0:
.L_simem_size_0:
called_computation_lowered:
.L_overlay_start_0:
0x88: {  	s2 =	sld [smem:$0x3FD9]  }
0x89: {  	s3 =	sld [smem:$0x3FFE];
	_ =	sdelay $0x1  }
0x8a: {  	s1 =	srdreg.scid  }
0x8b: {  	s0 =	sand.u32 $0x1, s1  }
0x8c: {  	s16 =	sshll.u32 s0, $0xA;
	s2 =	sadd.s32 s3, s2  }
0x8d: {  	s2 =	sadd.s32 s2, s16  }
0x8e: {  	[smem:$0x3FB3] =	sst s2  }
0x8f: {  	_ = 	snop  }
0x90: {  	(tm) =	ssettm $0x1  }
0x91: {  	s17 =	sld [smem:$0x3FFB];
	_ =	sdelay $0x3  }
0x92: {  	_ =	strace s17  }
0x93: {  	s2 =	sld [smem:$0x3FFC];
	_ =	sdelay $0x3  }
0x94: {  	_ =	strace s2  }
0x95: {  	s2 =	sld [smem:$0x3FFD];
	_ =	sdelay $0x3  }
0x96: {  	_ =	strace s2  }
0x97: {  	_ =	strace $0x8FFFFFFF  }
0x98: {  	s18 =	sld [smem:$0x3FDB];
	_ =	sdelay $0x1  }
0x99: {  	s19 =	simm.s32 $_scs_section_size  }
0x9a: {  	s4 =	simm.s32 $_size__tile_overlayer_lowered;
	s5 =	simm.s32 $_tile_overlayer_lowered  }
0x9b: {  	s22 =	simm.s32 $0x1BFF;
	s21 =	sshll.u32 s5, $0x1;
	s2 =	sadd.s32 s19, s18  }
0x9c: {  	s6 =	simm.s32 $0x0;
	s20 =	sshll.u32 s4, $0x1;
	s4 =	sadd.s32 s21, s2  }
0x9d: {  	[timem:s6], [sflag:s22] =	dma.local [hbm:s4], s20  }
0x9e: {  	_ =	swait.ge [sflag:s22], s20  }
0x9f: {  	s3 =	ssub.s32 $0x0, s20;
	[sflag:s22] =	ssyncset.done $0x0  }
0xa0: {  	[sflag:s22] =	ssyncadd.s32 s3;
	_ =	sdelay $0x1  }
0xa1: {  	s23 =	simm.s32 $0x1B8B  }
0xa2: {  	_ =	swait.ge [sflag:s23], $0x1  }
0xa3: {  	[sflag:s23] =	ssyncset.done $0x0  }
0xa4: {  	s25 =	simm.s32 $0x1B8E;
	s24 =	sld [smem:$0x3FFE];
	[sflag:s23] =	ssyncadd.s32 $0xFFFFFFFF  }
0xa5: {  	s26 =	simm.s32 $execute0_lowered;
	[smem:$0x3FD2] =	sst s25  }
0xa6: {  	s4 =	sshll.u32 s26, $0x1;
	_ =	strace $0x80000046;
	[dreg:$0x1] =	wrdreg $0xFFFFFFFF  }
0xa7: {  	s28 =	simm.s32 $_size_execute0_lowered;
	s2 =	sadd.s32 s2, s4;
	[dreg:$0x0] =	wrdreg $0x0  }
0xa8: {  	s4 =	sshll.u32 s28, $0x1;
	[dreg:$0x2] =	wrdreg s2  }
0xa9: {  	[dreg:$0x3] =	wrdreg s4  }
0xaa: {  	[dreg:$0x4] =	wrdreg $0xC0  }
0xab: {  	_ =	task [dreg:s6], $0x5FFFF  }
0xac: {  	[dreg:$0x1] =	wrdreg $0xFFFFFFFF  }
0xad: {  	[dreg:$0x0] =	wrdreg $0x60  }
0xae: {  	[dreg:$0x2] =	wrdreg s24  }
0xaf: {  	[dreg:$0x3] =	wrdreg $0xA8000  }
0xb0: {  	[dreg:$0x4] =	wrdreg $0x9  }
0xb1: {  	_ =	task.clear_ibuf [dreg:s6], $0x5FFFF;
	_ =	strace $0x90000046  }
0xb2: {  	s29 =	simm.s32 $0x9;
	_ =	strace $0x80000048  }
0xb3: {  	_ =	swait.ge [sflag:s29], $0x1  }
0xb4: {  	[sflag:s29] =	ssyncadd.s32 $0xFFFFFFFF  }
0xb5: {  	_ =	strace $0x90000048  }
0xb6: {  	_ =	sfence  }
0xb7: {  	s30 =	sld [smem:$0x0];
	_ =	sdelay $0x2  }
0xb8: {  	s31 =	sshll.u32 s1, $0xD;
	s1 =	sshrl.u32 s1, $0x2  }
0xb9: {  	s3 =	sand.u32 $0x4000, s31;
	s1 =	sadd.s32 s1, s30  }
0xba: {  	s0 =	sor.u32 s3, s0;
	s1 =	sshll.u32 s1, $0x11  }
0xbb: {  	s0 =	sor.u32 s1, s0  }
0xbc: {  	s0 =	sadd.s32 $0x8F2B, s0  }
0xbd: {  	[sflag:s0] =	ssyncadd.remote.s32 $0x1  }
0xbe: {  	_ =	sfence.sel $0xFFFF  }
0xbf: {  	[dreg:$0x0] =	wrdreg $0xFFFFFFFF;
	(pc) =	sbr.abs _section_cstart, $3  }
0xc0: {  	[dreg:$0x1] =	wrdreg $0xFFFFFFFF  }
0xc1: {  	_ =	task.clear_ibuf [dreg:s6], $0x2FFFF;
	_ =	strace $0x9FFFFFFF  }
0xc2: {  	(tm) =	ssettm $0x7FFFFFFF  }
0xc3: {  	_ =	shalt  }
tec
execute0_lowered:
.L_overlay_start_1:
0x0: {  	(tag) =	ssettag $0x1  }
0x1: {  	s5 =	rddreg [dreg:$0x0]  }
0x2: {  	s2 =	rddreg [dreg:$0x1]  }
0x3: {  	s0 =	rddreg [dreg:$0x2]  }
0x4: {  	s3 =	simm.s32 $0x0;
	s1 =	stileid.u32;
	s4 =	srdreg.scid  }
0x5: {  	s16 =	simm.s32 $0x80;
	s17 =	simm.s32 $0x2800;
	s18 =	simm.s32 $0x6800  }
0x6: {  	s19 =	simm.s32 $0x1;
	s20 =	simm.s32 $0x2;
	s21 =	simm.s32 $0x1380  }
0x7: {  	s22 =	simm.s32 $0x2700;
	s23 =	simm.s32 $0x2780;
	s24 =	simm.s32 $0x0  }
0x8: {  	[smem:$0x7FF] =	sst s3;
	s6 =	smul.u32 $0x14000, s1;
	s7 =	sand.u32 $0x1, s4  }
0x9: {  	s4 =	sadd.s32 $0x4200, s5;
	s9 =	sadd.s32 $0x2C200, s5;
	s10 =	sadd.s32 $0x36200, s5  }
0xa: {  	s12 =	smul.u32 $0x50000, s1;
	s30 =	sshll.u32 s1, $0x6;
	_ =	strace $0x80000047  }
0xb: {  	s8 =	smul.u32 $0x140000, s7;
	s28 =	sshll.u32 s7, $0x4;
	s7 =	ssub.s32 $0x2, s7  }
0xc: {  	s11 =	sshrl.u32 s6, $0x3;
	s13 =	sshrl.u32 s7, $0x1;
	s29 =	sshrl.u32 s12, $0x2  }
0xd: {  	s11 =	sadd.s32 s11, s5;
	s6 =	sadd.s32 s6, s8;
	s8 =	sor.u32 s1, s28  }
0xe: {  	s13 =	ssub.s32 s7, s13;
	s15 =	sadd.s32 s29, s2;
	s6 =	sshrl.u32 s6, $0x3  }
0xf: {  	s8 =	smul.u32 $0x2800, s8;
	s12 =	smax.u32 s13, $0x1;
	s13 =	sshrl.u32 s15, $0x3  }
0x10: {  	s15 =	simm.s32 $0x1400;
	s14 =	sadd.s32 s6, s5;
	s5 =	sadd.s32 $0x40200, s11  }
0x11: {  	s6 =	sor.u32 $0x1C03, s30;
	s8 =	sshrl.u32 s8, $0x3;
	s11 =	sadd.s32 $0x68200, s14  }
0x12: {  	s14 =	simm.s32 $0x3;
	s31 =	sadd.s32 $0x280, s8;
	s7 =	sadd.s32 s9, s8  }
0x13: {  	s8 =	sadd.s32 s10, s8;
	s9 =	sadd.s32 s9, s31;
	s10 =	sadd.s32 s10, s31  }
.LBB2_1:
0x14: {  	[spmem:s13], [sflag:s6] =	dma.local [hbm:s5], $0x2800  }
0x15: {  	_ =	swait.ge [sflag:s14], $0x2800  }
0x16: {  	[sflag:s14] =	ssyncset.done $0x0  }
0x17: {  	[sflag:s14] =	ssyncadd.s32 $0xFFFFD800  }
0x18: {  	[bflag:$0x0] =	sbarrier.arrive $0xFFFF  }
0x19: {  	[tilespmem:s3], [sflag:$0x3] =	stream.linear.gather [hbm4b:s7+s3], $0x1400, $0x38;
	[tilespmem:$0x1E800] =	vst v63  }
0x1a: {  	_ =	swait.ge [sflag:s14], $0x1400  }
0x1b: {  	[sflag:s14] =	ssyncset.done $0x0  }
0x1c: {  	[sflag:s14] =	ssyncadd.s32 $0xFFFFEC00  }
0x1d: {  	[tilespmem:s15], [sflag:$0x3] =	stream.linear.gather [hbm4b:s8+s3], $0x1400, $0x38;
	[tilespmem:$0x1E800] =	vst v63  }
0x1e: {  	_ =	swait.ge [sflag:s14], $0x1400  }
0x1f: {  	[sflag:s14] =	ssyncset.done $0x0  }
0x20: {  	[sflag:s14] =	ssyncadd.s32 $0xFFFFEC00  }
0x21: {  	[tilespmem:s17], [sflag:$0x1] =	stream.indirect.gather [hbm4b:s4+s16], $0x80, s3, s16, $0xb8;
	[tilespmem:$0x1E800] =	vst v63  }
0x22: {  	s25 =	simm.s32 $0x80  }
0x23: {  	[tilespmem:s18], [sflag:$0x2] =	stream.indirect.gather [hbm4b:s4+s16], $0x80, s25, s16, $0xb8;
	[tilespmem:$0x1E800] =	vst v63  }
0x24: {  	_ =	swait.ge [sflag:s19], $0x4000  }
0x25: {  	[sflag:s19] =	ssyncset.done $0x0  }
0x26: {  	s29 =	simm.s32 $0x1400;
	[sflag:s19] =	ssyncadd.s32 $0xFFFFC000  }
0x27: {  	[spmem:s2] =	stream.indirect.scatter.add.f32 [tilespmem:s17], [sflag:$0x3], $0x80, s29, s16, $0xb8;
	[tilespmem:$0x1E800] =	vst v63  }
0x28: {  	_ =	swait.ge [sflag:s14], $0x4000  }
0x29: {  	[sflag:s14] =	ssyncset.done $0x0  }
0x2a: {  	s30 =	simm.s32 $0x100;
	[sflag:s14] =	ssyncadd.s32 $0xFFFFC000  }
0x2b: {  	[tilespmem:s17], [sflag:$0x1] =	stream.indirect.gather [hbm4b:s4+s16], $0x80, s30, s16, $0xb8;
	[tilespmem:$0x1E800] =	vst v63  }
0x2c: {  	_ =	swait.ge [sflag:s20], $0x4000  }
0x2d: {  	[sflag:s20] =	ssyncset.done $0x0  }
0x2e: {  	s31 =	simm.s32 $0x1480;
	[sflag:s20] =	ssyncadd.s32 $0xFFFFC000  }
0x2f: {  	[spmem:s2] =	stream.indirect.scatter.add.f32 [tilespmem:s18], [sflag:$0x3], $0x80, s31, s16, $0xb8;
	[tilespmem:$0x1E800] =	vst v63  }
0x30: {  	_ =	swait.ge [sflag:s14], $0x4000  }
0x31: {  	s26 =	simm.s32 $0x800;
	s25 =	simm.s32 $0x100;
	[sflag:s14] =	ssyncset.done $0x0  }
.LBB2_2:
0x32: {  	s28 =	sadd.s32 $0x80, s25  }
0x33: {  	[sflag:s14] =	ssyncadd.s32 $0xFFFFC000;
	s29 =	smov.u32 s26;
	s30 =	sadd.s32 $0x400, s26  }
0x34: {  	[tilespmem:s18], [sflag:$0x2] =	stream.indirect.gather [hbm4b:s4+s16], $0x80, s28, s16, $0xb8;
	[tilespmem:$0x1E800] =	vst v63  }
0x35: {  	p0 =	sne.s32 s26, $0x4800;
	_ =	swait.ge [sflag:s19], $0x4000  }
0x36: {  	[sflag:s19] =	ssyncset.done $0x0  }
0x37: {  	s26 =	sadd.s32 $0x1400, s25;
	[sflag:s19] =	ssyncadd.s32 $0xFFFFC000  }
0x38: {  	[spmem:s2] =	stream.indirect.scatter.add.f32 [tilespmem:s17], [sflag:$0x3], $0x80, s26, s16, $0xb8;
	[tilespmem:$0x1E800] =	vst v63  }
0x39: {  	_ =	swait.ge [sflag:s14], $0x4000  }
0x3a: {  	[sflag:s14] =	ssyncset.done $0x0  }
0x3b: {  	s26 =	sadd.s32 $0x100, s25;
	[sflag:s14] =	ssyncadd.s32 $0xFFFFC000  }
0x3c: {  	[tilespmem:s17], [sflag:$0x1] =	stream.indirect.gather [hbm4b:s4+s16], $0x80, s26, s16, $0xb8;
	[tilespmem:$0x1E800] =	vst v63  }
0x3d: {  	_ =	swait.ge [sflag:s20], $0x4000  }
.Ltmp0:
0x3e: {  	[sflag:s20] =	ssyncset.done $0x0;
	(pc) =	sbr.rel @p0 .LBB2_2-.Ltmp0, $4  }
0x3f: {  	s25 =	sadd.s32 $0x1480, s25;
	[sflag:s20] =	ssyncadd.s32 $0xFFFFC000  }
0x40: {  	[spmem:s2] =	stream.indirect.scatter.add.f32 [tilespmem:s18], [sflag:$0x3], $0x80, s25, s16, $0xb8;
	[tilespmem:$0x1E800] =	vst v63  }
0x41: {  	_ =	swait.ge [sflag:s14], $0x4000  }
0x42: {  	s26 =	smov.u32 s30;
	s25 =	sshra.s32 s29, $0x2;
	[sflag:s14] =	ssyncset.done $0x0  }
0x43: {  	s26 =	sadd.s32 $0x80, s25;
	[sflag:s14] =	ssyncadd.s32 $0xFFFFC000  }
0x44: {  	[tilespmem:s18], [sflag:$0x2] =	stream.indirect.gather [hbm4b:s4+s16], $0x80, s26, s16, $0xb8;
	[tilespmem:$0x1E800] =	vst v63  }
0x45: {  	_ =	swait.ge [sflag:s19], $0x4000  }
0x46: {  	[sflag:s19] =	ssyncset.done $0x0  }
0x47: {  	s29 =	sadd.s32 $0x1400, s25;
	[sflag:s19] =	ssyncadd.s32 $0xFFFFC000  }
0x48: {  	[spmem:s2] =	stream.indirect.scatter.add.f32 [tilespmem:s17], [sflag:$0x3], $0x80, s29, s16, $0xb8;
	[tilespmem:$0x1E800] =	vst v63  }
0x49: {  	_ =	swait.ge [sflag:s14], $0x4000  }
0x4a: {  	[sflag:s14] =	ssyncset.done $0x0  }
0x4b: {  	s30 =	sadd.s32 $0x100, s25;
	[sflag:s14] =	ssyncadd.s32 $0xFFFFC000  }
0x4c: {  	[tilespmem:s17], [sflag:$0x1] =	stream.indirect.gather [hbm4b:s4+s16], $0x80, s30, s16, $0xb8;
	[tilespmem:$0x1E800] =	vst v63  }
0x4d: {  	_ =	swait.ge [sflag:s20], $0x4000  }
0x4e: {  	[sflag:s20] =	ssyncset.done $0x0  }
0x4f: {  	s31 =	sadd.s32 $0x1480, s25;
	[sflag:s20] =	ssyncadd.s32 $0xFFFFC000  }
0x50: {  	[spmem:s2] =	stream.indirect.scatter.add.f32 [tilespmem:s18], [sflag:$0x3], $0x80, s31, s16, $0xb8;
	[tilespmem:$0x1E800] =	vst v63  }
0x51: {  	_ =	swait.ge [sflag:s14], $0x4000  }
0x52: {  	[sflag:s14] =	ssyncset.done $0x0  }
0x53: {  	[sflag:s14] =	ssyncadd.s32 $0xFFFFC000  }
0x54: {  	[tilespmem:s18], [sflag:$0x2] =	stream.indirect.gather [hbm4b:s4+s16], $0x80, s21, s16, $0xb8;
	[tilespmem:$0x1E800] =	vst v63  }
0x55: {  	_ =	swait.ge [sflag:s19], $0x4000  }
0x56: {  	[sflag:s19] =	ssyncset.done $0x0  }
0x57: {  	[sflag:s19] =	ssyncadd.s32 $0xFFFFC000  }
0x58: {  	[spmem:s2] =	stream.indirect.scatter.add.f32 [tilespmem:s17], [sflag:$0x3], $0x80, s22, s16, $0xb8;
	[tilespmem:$0x1E800] =	vst v63  }
0x59: {  	_ =	swait.ge [sflag:s14], $0x4000  }
0x5a: {  	[sflag:s14] =	ssyncset.done $0x0  }
0x5b: {  	[sflag:s14] =	ssyncadd.s32 $0xFFFFC000  }
0x5c: {  	_ =	swait.ge [sflag:s20], $0x4000  }
0x5d: {  	[sflag:s20] =	ssyncset.done $0x0  }
0x5e: {  	[sflag:s20] =	ssyncadd.s32 $0xFFFFC000  }
0x5f: {  	[spmem:s2] =	stream.indirect.scatter.add.f32 [tilespmem:s18], [sflag:$0x3], $0x80, s23, s16, $0xb8;
	[tilespmem:$0x1E800] =	vst v63  }
0x60: {  	_ =	swait.ge [sflag:s14], $0x4000  }
0x61: {  	[sflag:s14] =	ssyncset.done $0x0  }
0x62: {  	s26 =	simm.s32 $0x0;
	[sflag:s14] =	ssyncadd.s32 $0xFFFFC000  }
0x63: {  	[tilespmem:s26], [sflag:$0x3] =	stream.linear.gather [hbm4b:s9+s26], $0x1400, $0x38;
	[tilespmem:$0x1E800] =	vst v63  }
0x64: {  	_ =	swait.ge [sflag:s14], $0x1400  }
0x65: {  	[sflag:s14] =	ssyncset.done $0x0  }
0x66: {  	[sflag:s14] =	ssyncadd.s32 $0xFFFFEC00  }
0x67: {  	[tilespmem:s15], [sflag:$0x3] =	stream.linear.gather [hbm4b:s10+s26], $0x1400, $0x38;
	[tilespmem:$0x1E800] =	vst v63  }
0x68: {  	_ =	swait.ge [sflag:s14], $0x1400  }
0x69: {  	[sflag:s14] =	ssyncset.done $0x0  }
0x6a: {  	[sflag:s14] =	ssyncadd.s32 $0xFFFFEC00  }
0x6b: {  	[tilespmem:s17], [sflag:$0x1] =	stream.indirect.gather [hbm4b:s4+s16], $0x80, s26, s16, $0xb8;
	[tilespmem:$0x1E800] =	vst v63  }
0x6c: {  	s28 =	simm.s32 $0x80  }
0x6d: {  	[tilespmem:s18], [sflag:$0x2] =	stream.indirect.gather [hbm4b:s4+s16], $0x80, s28, s16, $0xb8;
	[tilespmem:$0x1E800] =	vst v63  }
0x6e: {  	_ =	swait.ge [sflag:s19], $0x4000  }
0x6f: {  	[sflag:s19] =	ssyncset.done $0x0  }
0x70: {  	s29 =	simm.s32 $0x1400;
	[sflag:s19] =	ssyncadd.s32 $0xFFFFC000  }
0x71: {  	[spmem:s2] =	stream.indirect.scatter.add.f32 [tilespmem:s17], [sflag:$0x3], $0x80, s29, s16, $0xb8;
	[tilespmem:$0x1E800] =	vst v63  }
0x72: {  	_ =	swait.ge [sflag:s14], $0x4000  }
0x73: {  	[sflag:s14] =	ssyncset.done $0x0  }
0x74: {  	s30 =	simm.s32 $0x100;
	[sflag:s14] =	ssyncadd.s32 $0xFFFFC000  }
0x75: {  	[tilespmem:s17], [sflag:$0x1] =	stream.indirect.gather [hbm4b:s4+s16], $0x80, s30, s16, $0xb8;
	[tilespmem:$0x1E800] =	vst v63  }
0x76: {  	_ =	swait.ge [sflag:s20], $0x4000  }
0x77: {  	[sflag:s20] =	ssyncset.done $0x0  }
0x78: {  	s31 =	simm.s32 $0x1480;
	[sflag:s20] =	ssyncadd.s32 $0xFFFFC000  }
0x79: {  	[spmem:s2] =	stream.indirect.scatter.add.f32 [tilespmem:s18], [sflag:$0x3], $0x80, s31, s16, $0xb8;
	[tilespmem:$0x1E800] =	vst v63  }
0x7a: {  	_ =	swait.ge [sflag:s14], $0x4000  }
0x7b: {  	s25 =	simm.s32 $0x100;
	s26 =	simm.s32 $0x800;
	[sflag:s14] =	ssyncset.done $0x0  }
.LBB2_4:
0x7c: {  	s28 =	sadd.s32 $0x80, s25  }
0x7d: {  	[sflag:s14] =	ssyncadd.s32 $0xFFFFC000;
	s29 =	smov.u32 s26;
	s30 =	sadd.s32 $0x400, s26  }
0x7e: {  	[tilespmem:s18], [sflag:$0x2] =	stream.indirect.gather [hbm4b:s4+s16], $0x80, s28, s16, $0xb8;
	[tilespmem:$0x1E800] =	vst v63  }
0x7f: {  	p0 =	sne.s32 s26, $0x4800;
	_ =	swait.ge [sflag:s19], $0x4000  }
0x80: {  	[sflag:s19] =	ssyncset.done $0x0  }
0x81: {  	s26 =	sadd.s32 $0x1400, s25;
	[sflag:s19] =	ssyncadd.s32 $0xFFFFC000  }
0x82: {  	[spmem:s2] =	stream.indirect.scatter.add.f32 [tilespmem:s17], [sflag:$0x3], $0x80, s26, s16, $0xb8;
	[tilespmem:$0x1E800] =	vst v63  }
0x83: {  	_ =	swait.ge [sflag:s14], $0x4000  }
0x84: {  	[sflag:s14] =	ssyncset.done $0x0  }
0x85: {  	s26 =	sadd.s32 $0x100, s25;
	[sflag:s14] =	ssyncadd.s32 $0xFFFFC000  }
0x86: {  	[tilespmem:s17], [sflag:$0x1] =	stream.indirect.gather [hbm4b:s4+s16], $0x80, s26, s16, $0xb8;
	[tilespmem:$0x1E800] =	vst v63  }
0x87: {  	_ =	swait.ge [sflag:s20], $0x4000  }
.Ltmp1:
0x88: {  	[sflag:s20] =	ssyncset.done $0x0;
	(pc) =	sbr.rel @p0 .LBB2_4-.Ltmp1, $4  }
0x89: {  	s25 =	sadd.s32 $0x1480, s25;
	[sflag:s20] =	ssyncadd.s32 $0xFFFFC000  }
0x8a: {  	[spmem:s2] =	stream.indirect.scatter.add.f32 [tilespmem:s18], [sflag:$0x3], $0x80, s25, s16, $0xb8;
	[tilespmem:$0x1E800] =	vst v63  }
0x8b: {  	_ =	swait.ge [sflag:s14], $0x4000  }
0x8c: {  	s26 =	smov.u32 s30;
	s25 =	sshra.s32 s29, $0x2;
	[sflag:s14] =	ssyncset.done $0x0  }
0x8d: {  	s26 =	sadd.s32 $0x80, s25;
	[sflag:s14] =	ssyncadd.s32 $0xFFFFC000  }
0x8e: {  	[tilespmem:s18], [sflag:$0x2] =	stream.indirect.gather [hbm4b:s4+s16], $0x80, s26, s16, $0xb8;
	[tilespmem:$0x1E800] =	vst v63  }
0x8f: {  	_ =	swait.ge [sflag:s19], $0x4000  }
0x90: {  	[sflag:s19] =	ssyncset.done $0x0  }
0x91: {  	s29 =	sadd.s32 $0x1400, s25;
	[sflag:s19] =	ssyncadd.s32 $0xFFFFC000  }
0x92: {  	[spmem:s2] =	stream.indirect.scatter.add.f32 [tilespmem:s17], [sflag:$0x3], $0x80, s29, s16, $0xb8;
	[tilespmem:$0x1E800] =	vst v63  }
0x93: {  	_ =	swait.ge [sflag:s14], $0x4000  }
0x94: {  	[sflag:s14] =	ssyncset.done $0x0  }
0x95: {  	s30 =	sadd.s32 $0x100, s25;
	[sflag:s14] =	ssyncadd.s32 $0xFFFFC000  }
0x96: {  	[tilespmem:s17], [sflag:$0x1] =	stream.indirect.gather [hbm4b:s4+s16], $0x80, s30, s16, $0xb8;
	[tilespmem:$0x1E800] =	vst v63  }
0x97: {  	_ =	swait.ge [sflag:s20], $0x4000  }
0x98: {  	[sflag:s20] =	ssyncset.done $0x0  }
0x99: {  	s31 =	sadd.s32 $0x1480, s25;
	[sflag:s20] =	ssyncadd.s32 $0xFFFFC000  }
0x9a: {  	[spmem:s2] =	stream.indirect.scatter.add.f32 [tilespmem:s18], [sflag:$0x3], $0x80, s31, s16, $0xb8;
	[tilespmem:$0x1E800] =	vst v63  }
0x9b: {  	_ =	swait.ge [sflag:s14], $0x4000  }
0x9c: {  	[sflag:s14] =	ssyncset.done $0x0  }
0x9d: {  	[sflag:s14] =	ssyncadd.s32 $0xFFFFC000  }
0x9e: {  	[tilespmem:s18], [sflag:$0x2] =	stream.indirect.gather [hbm4b:s4+s16], $0x80, s21, s16, $0xb8;
	[tilespmem:$0x1E800] =	vst v63  }
0x9f: {  	_ =	swait.ge [sflag:s19], $0x4000  }
0xa0: {  	[sflag:s19] =	ssyncset.done $0x0  }
0xa1: {  	[sflag:s19] =	ssyncadd.s32 $0xFFFFC000  }
0xa2: {  	[spmem:s2] =	stream.indirect.scatter.add.f32 [tilespmem:s17], [sflag:$0x3], $0x80, s22, s16, $0xb8;
	[tilespmem:$0x1E800] =	vst v63  }
0xa3: {  	_ =	swait.ge [sflag:s14], $0x4000  }
0xa4: {  	[sflag:s14] =	ssyncset.done $0x0  }
0xa5: {  	[sflag:s14] =	ssyncadd.s32 $0xFFFFC000  }
0xa6: {  	_ =	swait.ge [sflag:s20], $0x4000  }
0xa7: {  	[sflag:s20] =	ssyncset.done $0x0  }
0xa8: {  	[sflag:s20] =	ssyncadd.s32 $0xFFFFC000  }
0xa9: {  	[spmem:s2] =	stream.indirect.scatter.add.f32 [tilespmem:s18], [sflag:$0x3], $0x80, s23, s16, $0xb8;
	[tilespmem:$0x1E800] =	vst v63  }
0xaa: {  	_ =	swait.ge [sflag:s14], $0x4000  }
0xab: {  	s24 =	sadd.s32 $0x1, s24;
	[sflag:s14] =	ssyncset.done $0x0  }
0xac: {  	p0 =	sne.s32 s24, s12;
	[sflag:s14] =	ssyncadd.s32 $0xFFFFC000  }
.Ltmp2:
0xad: {  	[bflag:$0x0] =	sbarrier.arrive $0xFFFF;
	(pc) =	sbr.rel @p0 .LBB2_1-.Ltmp2, $4  }
0xae: {  	[hbm:s11], [sflag:s6] =	dma.local [spmem:s13], $0x2800  }
0xaf: {  	_ =	swait.ge [sflag:s14], $0x2800  }
0xb0: {  	[sflag:s14] =	ssyncset.done $0x0  }
0xb1: {  	[sflag:s14] =	ssyncadd.s32 $0xFFFFD800  }
0xb2: {  	_ =	sfence.sel $0x180000  }
0xb3: {  	[bflag:$0x0] =	sbarrier.arrive $0xFFFF  }
0xb4: {  	p0 =	sne.s32 s1, $0x0;
	_ =	strace $0x90000047  }
0xb5: {  	s0 =	sadd.s32 @!p0 $0x100000, s0;
	[bflag:$0x2] =	sbarrier.arrive $0xFFFF  }
0xb6: {  	[sflag:s0] =	ssyncadd.tile.s32 @!p0 $0x1;
	_ =	shalt  }
.Lfunc_end2:
_tile_overlayer_lowered:
.L_overlay_start_2:
0xb7: {  	(tag) =	ssettag $0x2  }
0xb8: {  	s0 =	rddreg [dreg:$0x0];
	s2 =	stileid.u32  }
0xb9: {  	s1 =	rddreg [dreg:$0x1];
	p0 =	sne.s32 s2, $0x0  }
0xba: {  	s3 =	rddreg [dreg:$0x2];
	[bflag:$0x3] =	sbarrier.arrive $0xFFFF;
	s2 =	simm.s32 @!p0 $0x1C03  }
0xbb: {  	[timem:s3], [sflag:s2] =	dma.local @!p0 [hbm:s0], s1  }
0xbc: {  	s0 =	simm.s32 @!p0 $0x3  }
0xbd: {  	_ =	swait.ge @!p0 [sflag:s0], s1  }
0xbe: {  	s1 =	ssub.s32 @!p0 $0x0, s1;
	[sflag:s0] =	ssyncset.done @!p0 $0x0  }
0xbf: {  	[sflag:s0] =	ssyncadd.s32 @!p0 s1  }
0xc0: {  	[bflag:$0x3] =	sbarrier.arrive $0xFFFF  }
0xc1: {  	_ =	shalt  }

</sc_bundles>
